<compile_context>
chip_gen: v7x
topology: tpu7x:2x2x1
jax: 0.10.2.dev20260603
libtpu: 0.0.44.dev20260713+nightly
codegen_flags: <defaults>
</compile_context>

<pallas_src>
import functools

import jax
import jax.numpy as jnp
from jax import lax
from jax.experimental import pallas as pl
from jax.experimental.pallas import tpu as pltpu
from jax.experimental.pallas import tpu_sc as plsc

N_NODES_C = 10000
N_EDGES_C = 320000
HID_C = 128

NC = 2
NS = 16
NW = NC * NS

K2_CH = 200
K4_CH = 200
K2_ROWS_PER_W = (N_EDGES_C // K2_CH) // NW
K2_INNER = 1
K2_OUTER = K2_ROWS_PER_W // K2_INNER
NODES_PER_TILE = N_NODES_C // NS
CNT_PER_TILE = 624
CNT_TAIL = N_NODES_C - NS * CNT_PER_TILE

K4_INNER = 2
K4_OUTER = (N_EDGES_C // K4_CH) // NW // K4_INNER


def _enc_body(x_ref, w_ref, b_ref, o_ref):
    o_ref[...] = jax.nn.relu(
        jnp.dot(x_ref[...], w_ref[...], preferred_element_type=jnp.float32)
        + b_ref[...]
    )


def _sage_body(agg_ref, cnt_ref, h_ref, wl_ref, bl_ref, wr_ref, wcls_ref, o_ref):
    agg = agg_ref[0] + agg_ref[1]
    cnt = cnt_ref[0] + cnt_ref[1]
    mean = agg / jnp.maximum(cnt, 1.0)[:, None]
    h2 = (
        jnp.dot(mean, wl_ref[...], preferred_element_type=jnp.float32)
        + bl_ref[...]
        + jnp.dot(h_ref[...], wr_ref[...], preferred_element_type=jnp.float32)
    )
    o_ref[...] = jnp.dot(h2, wcls_ref[...], preferred_element_type=jnp.float32) * (1.0 / 3.0)


def _edge_body(g_ref, ea_ref, we_ref, be_ref, wcls_ref, bcls_ref, o_ref):
    ea = jax.nn.relu(
        jnp.dot(ea_ref[...], we_ref[...], preferred_element_type=jnp.float32)
        + be_ref[...]
    )
    out_d = o_ref.shape[1]
    o_ref[...] = (
        g_ref[...][:, :out_d]
        + jnp.dot(ea, wcls_ref[...], preferred_element_type=jnp.float32) * (1.0 / 3.0)
        + bcls_ref[...]
    )


def _agg_sc_body(src2d, dst2d, h_hbm, agg_out, cnt_out,
                 idx_sv, idx_dv, rows_v, ones_v, zb2, zb1, cz_v,
                 agg_sh, cnt_sh, sem):
    c = lax.axis_index("c")
    s = lax.axis_index("s")
    wid = s * NC + c

    zv = jnp.zeros((16,), jnp.float32)
    for r in range(16):
        for c8 in range(8):
            zb2[r, pl.ds(c8 * 16, 16)] = zv
    zb1[pl.ds(0, 16)] = zv
    for i in range(13):
        ones_v[pl.ds(i * 16, 16)] = jnp.ones((16,), jnp.float32)

    def zstep(j, carry):
        pltpu.sync_copy(zb2, agg_sh.at[pl.ds(s * CNT_PER_TILE + j * 16, 16)])
        pltpu.sync_copy(zb1, cnt_sh.at[pl.ds(s * CNT_PER_TILE + j * 16, 16)])
        return carry

    lax.fori_loop(0, CNT_PER_TILE // 16, zstep, 0)

    @pl.when(s == NS - 1)
    def _():
        pltpu.sync_copy(zb2, agg_sh.at[pl.ds(NS * CNT_PER_TILE, CNT_TAIL)])
        pltpu.sync_copy(zb1, cnt_sh.at[pl.ds(NS * CNT_PER_TILE, CNT_TAIL)])

    plsc.subcore_barrier()

    row0 = wid * K2_ROWS_PER_W

    def step(i, carry):
        base = row0 + i * K2_INNER
        pltpu.sync_copy(src2d.at[pl.ds(base, K2_INNER)], idx_sv)
        pltpu.sync_copy(dst2d.at[pl.ds(base, K2_INNER)], idx_dv)
        cps = [
            pltpu.async_copy(
                h_hbm.at[idx_sv.at[j]], rows_v.at[pl.ds(j * K2_CH, K2_CH)], sem
            )
            for j in range(K2_INNER)
        ]
        for cp in cps:
            cp.wait()
        for j in range(K2_INNER):
            pltpu.sync_copy(
                rows_v.at[pl.ds(j * K2_CH, K2_CH)], agg_sh.at[idx_dv.at[j]], add=True
            )
            pltpu.sync_copy(ones_v.at[pl.ds(0, K2_CH)], cnt_sh.at[idx_dv.at[j]], add=True)
        return carry

    lax.fori_loop(0, K2_OUTER, step, 0)
    plsc.subcore_barrier()

    chunk = 104
    for part in range(CNT_PER_TILE // chunk):
        slp = pl.ds(s * CNT_PER_TILE + part * chunk, chunk)
        pltpu.sync_copy(agg_sh.at[slp], rows_v.at[pl.ds(0, chunk)])
        pltpu.sync_copy(rows_v.at[pl.ds(0, chunk)], agg_out.at[c, slp])
    pltpu.sync_copy(cnt_sh.at[pl.ds(s * CNT_PER_TILE, CNT_PER_TILE)], cz_v)
    pltpu.sync_copy(
        cz_v, cnt_out.at[pl.ds(c * N_NODES_C + s * CNT_PER_TILE, CNT_PER_TILE)]
    )

    @pl.when(s == NS - 1)
    def _():
        slt = pl.ds(NS * CNT_PER_TILE, CNT_TAIL)
        pltpu.sync_copy(agg_sh.at[slt], rows_v.at[pl.ds(0, CNT_TAIL)])
        pltpu.sync_copy(rows_v.at[pl.ds(0, CNT_TAIL)], agg_out.at[c, slt])
        pltpu.sync_copy(cnt_sh.at[slt], cz_v.at[pl.ds(0, CNT_TAIL)])
        pltpu.sync_copy(
            cz_v.at[pl.ds(0, CNT_TAIL)],
            cnt_out.at[pl.ds(c * N_NODES_C + NS * CNT_PER_TILE, CNT_TAIL)],
        )


def _gather_sc_body(src2d, dst2d, pp_hbm, g_out,
                    idx_sv, idx_dv, g_v, g_w, sem):
    c = lax.axis_index("c")
    s = lax.axis_index("s")
    wid = s * NC + c
    row0 = wid * K4_OUTER * K4_INNER

    def step(i, carry):
        base = row0 + i * K4_INNER
        pltpu.sync_copy(src2d.at[pl.ds(base, K4_INNER)], idx_sv)
        pltpu.sync_copy(dst2d.at[pl.ds(base, K4_INNER)], idx_dv)
        cps = [
            pltpu.async_copy(
                pp_hbm.at[idx_sv.at[j]], g_v.at[pl.ds(j * K4_CH, K4_CH)], sem
            )
            for j in range(K4_INNER)
        ] + [
            pltpu.async_copy(
                pp_hbm.at[idx_dv.at[j]], g_w.at[pl.ds(j * K4_CH, K4_CH)], sem
            )
            for j in range(K4_INNER)
        ]
        for cp in cps:
            cp.wait()

        def vadd(r, carry2):
            g_v[r] = g_v[r] + g_w[r]
            return carry2

        lax.fori_loop(0, K4_INNER * K4_CH, vadd, 0)
        pltpu.sync_copy(g_v, g_out.at[pl.ds(base * K4_CH, K4_INNER * K4_CH)])
        return carry

    lax.fori_loop(0, K4_OUTER, step, 0)


def kernel(x, edge_index, edge_attr, W_node, b_node, W_edge, b_edge,
           W_l, b_l, W_r, W_cls, b_cls):
    n, d_in = x.shape
    e = edge_attr.shape[0]
    hid = W_node.shape[1]
    out_d = W_cls.shape[1]

    h = pl.pallas_call(
        _enc_body,
        out_shape=jax.ShapeDtypeStruct((n, hid), jnp.float32),
    )(x, W_node, b_node.reshape(1, hid))

    src2d = edge_index[0].reshape(e // K2_CH, K2_CH)
    dst2d = edge_index[1].reshape(e // K2_CH, K2_CH)

    agg2, cnt2 = pl.kernel(
        _agg_sc_body,
        out_type=(
            jax.ShapeDtypeStruct((NC, n, hid), jnp.float32),
            jax.ShapeDtypeStruct((NC * n,), jnp.float32),
        ),
        mesh=plsc.VectorSubcoreMesh(core_axis_name="c", subcore_axis_name="s", num_cores=NC, num_subcores=NS),
        scratch_types=[
            pltpu.VMEM((K2_INNER, K2_CH), jnp.int32),
            pltpu.VMEM((K2_INNER, K2_CH), jnp.int32),
            pltpu.VMEM((K2_INNER * K2_CH, hid), jnp.float32),
            pltpu.VMEM((208,), jnp.float32),
            pltpu.VMEM((16, hid), jnp.float32),
            pltpu.VMEM((16,), jnp.float32),
            pltpu.VMEM((CNT_PER_TILE,), jnp.float32),
            pltpu.VMEM_SHARED((n, hid), jnp.float32),
            pltpu.VMEM_SHARED((n,), jnp.float32),
            pltpu.SemaphoreType.DMA,
        ],
    )(src2d, dst2d, h)
    cnt2 = cnt2.reshape(NC, n)

    PPW = 16
    W_cls_p = jnp.pad(W_cls, ((0, 0), (0, PPW - out_d)))
    pp = pl.pallas_call(
        _sage_body,
        out_shape=jax.ShapeDtypeStruct((n, PPW), jnp.float32),
    )(agg2, cnt2, h, W_l, b_l.reshape(1, hid), W_r, W_cls_p)

    src2d4 = edge_index[0].reshape(e // K4_CH, K4_CH)
    dst2d4 = edge_index[1].reshape(e // K4_CH, K4_CH)
    g = pl.kernel(
        _gather_sc_body,
        out_type=jax.ShapeDtypeStruct((e, PPW), jnp.float32),
        mesh=plsc.VectorSubcoreMesh(core_axis_name="c", subcore_axis_name="s", num_cores=NC, num_subcores=NS),
        compiler_params=pltpu.CompilerParams(use_tc_tiling_on_sc=False),
        scratch_types=[
            pltpu.VMEM((K4_INNER, K4_CH), jnp.int32),
            pltpu.VMEM((K4_INNER, K4_CH), jnp.int32),
            pltpu.VMEM((K4_INNER * K4_CH, PPW), jnp.float32),
            pltpu.VMEM((K4_INNER * K4_CH, PPW), jnp.float32),
            pltpu.SemaphoreType.DMA,
        ],
    )(src2d4, dst2d4, pp)

    blk = 10000
    out = pl.pallas_call(
        _edge_body,
        grid=(e // blk,),
        in_specs=[
            pl.BlockSpec((blk, PPW), lambda i: (i, 0)),
            pl.BlockSpec((blk, edge_attr.shape[1]), lambda i: (i, 0)),
            pl.BlockSpec((edge_attr.shape[1], hid), lambda i: (0, 0)),
            pl.BlockSpec((1, hid), lambda i: (0, 0)),
            pl.BlockSpec((hid, out_d), lambda i: (0, 0)),
            pl.BlockSpec((1, out_d), lambda i: (0, 0)),
        ],
        out_specs=pl.BlockSpec((blk, out_d), lambda i: (i, 0)),
        out_shape=jax.ShapeDtypeStruct((e, out_d), jnp.float32),
    )(g, edge_attr, W_edge, b_edge.reshape(1, hid),
      W_cls, b_cls.reshape(1, out_d))

    return out

# --- scband reference (transcript-rebuilt; emitter-appended) ---
"""Pipeline reference for scband-edge-gnn-14267881357876 (READ-ONLY COPY).

The authoritative reference and input builder live on the scoring server;
editing this copy changes nothing except your own understanding.
"""

import jax, jax.numpy as jnp
import numpy as np

N_NODES = 10000
N_EDGES = 320000
NODE_IN = 128
EDGE_IN = 16
HIDDEN = 128
OUT = 2


def setup_inputs(seed: int = 0) -> dict:
    key = jax.random.key(seed)
    ks = jax.random.split(key, 12)
    x = jax.random.normal(ks[0], (N_NODES, NODE_IN), dtype=jnp.float32)
    edge_index = jax.random.randint(ks[1], (2, N_EDGES), 0, N_NODES, dtype=jnp.int64 if jax.config.jax_enable_x64 else jnp.int32).astype(jnp.int32)
    edge_attr = jax.random.normal(ks[2], (N_EDGES, EDGE_IN), dtype=jnp.float32)
    # learned params
    W_node = jax.random.normal(ks[3], (NODE_IN, HIDDEN), dtype=jnp.float32) / np.sqrt(NODE_IN)
    b_node = jnp.zeros((HIDDEN,), dtype=jnp.float32)
    W_edge = jax.random.normal(ks[4], (EDGE_IN, HIDDEN), dtype=jnp.float32) / np.sqrt(EDGE_IN)
    b_edge = jnp.zeros((HIDDEN,), dtype=jnp.float32)
    # SAGEConv: lin_l applied to aggregated neighbors, lin_r applied to self (PyG convention: lin_l has bias, lin_r no bias)
    W_l = jax.random.normal(ks[5], (HIDDEN, HIDDEN), dtype=jnp.float32) / np.sqrt(HIDDEN)
    b_l = jnp.zeros((HIDDEN,), dtype=jnp.float32)
    W_r = jax.random.normal(ks[6], (HIDDEN, HIDDEN), dtype=jnp.float32) / np.sqrt(HIDDEN)
    W_cls = jax.random.normal(ks[7], (HIDDEN, OUT), dtype=jnp.float32) / np.sqrt(HIDDEN)
    b_cls = jnp.zeros((OUT,), dtype=jnp.float32)
    return {"x": x, "edge_index": edge_index, "edge_attr": edge_attr,
            "W_node": W_node, "b_node": b_node, "W_edge": W_edge, "b_edge": b_edge,
            "W_l": W_l, "b_l": b_l, "W_r": W_r, "W_cls": W_cls, "b_cls": b_cls}


def reference(x, edge_index, edge_attr, W_node, b_node, W_edge, b_edge, W_l, b_l, W_r, W_cls, b_cls):
    # node/edge encoders
    h = jax.nn.relu(x @ W_node + b_node)
    ea = jax.nn.relu(edge_attr @ W_edge + b_edge)
    src = edge_index[0]
    dst = edge_index[1]
    n = h.shape[0]
    # SAGEConv with mean aggregation (source_to_target): aggregate messages from src at dst
    msg = jnp.take(h, src, axis=0)
    agg = jax.ops.segment_sum(msg, dst, num_segments=n)
    cnt = jax.ops.segment_sum(jnp.ones((msg.shape[0], 1), dtype=h.dtype), dst, num_segments=n)
    mean_agg = agg / jnp.maximum(cnt, 1.0)
    h2 = mean_agg @ W_l + b_l + h @ W_r
    # edge classifier
    e_feat = (jnp.take(h2, src, axis=0) + jnp.take(h2, dst, axis=0) + ea) / 3.0
    edge_logits = e_feat @ W_cls + b_cls
    return edge_logits

if __name__ == "__main__":
    import jax
    _d = setup_inputs()
    print(jax.jit(kernel)(*tuple(_d.values())))

</pallas_src>

<mosaic_0001>
#map = affine_map<(d0, d1) -> (0, 0)>
module attributes {stable_mosaic.version = 14 : i64} {
  func.func @_gather_sc_body(%arg0: i32, %arg1: i32, %arg2: memref<1600x200xi32, #tpu.memory_space<hbm>>, %arg3: memref<1600x200xi32, #tpu.memory_space<hbm>>, %arg4: memref<10000x16xf32, #tpu.memory_space<hbm>>, %arg5: memref<320000x16xf32, #tpu.memory_space<hbm>>, %arg6: memref<2x200xi32, #tpu.memory_space<vmem>>, %arg7: memref<2x200xi32, #tpu.memory_space<vmem>>, %arg8: memref<400x16xf32, #tpu.memory_space<vmem>>, %arg9: memref<400x16xf32, #tpu.memory_space<vmem>>, %arg10: memref<!tpu.dma_semaphore, #tpu.memory_space<semaphore_mem>>) attributes {dimension_semantics = [#tpu.dimension_semantics<core_parallel>, #tpu.dimension_semantics<subcore_parallel>], iteration_bounds = array<i64: 2, 16>, scalar_prefetch = 0 : i64, scratch_operands = 5 : i64, tpu.core_type = #tpu.core_type<sc_vector_subcore>, window_params = [{transform_indices = #map}, {transform_indices = #map}, {transform_indices = #map}, {transform_indices = #map}]} {
    %mul3A = arith.constant 2 : i32
    %mul3A_0 = arith.muli %arg1, %mul3A : i32
    %add3A = arith.addi %mul3A_0, %arg0 : i32
    %mul3A_1 = arith.constant 25 : i32
    %mul3A_2 = arith.muli %add3A, %mul3A_1 : i32
    %mul3A_3 = arith.constant 2 : i32
    %mul3A_4 = arith.muli %mul3A_2, %mul3A_3 : i32
    %scan3A = arith.constant 0 : i32
    %scan3A_5 = arith.constant 0 : i32
    %scan3A_6 = arith.constant 25 : i32
    %scan3A_7 = arith.addi %scan3A_5, %scan3A_6 : i32
    %scan3A_8 = arith.constant 1 : i32
    scf.for %scan3A_10 = %scan3A_5 to %scan3A_7 step %scan3A_8  : i32 {
      %mul3A_11 = arith.constant 2 : i32
      %mul3A_12 = arith.muli %scan3A_10, %mul3A_11 : i32
      %add3A_13 = arith.addi %mul3A_4, %mul3A_12 : i32
      "tpu.region"() ({
        %run_scoped3A = tpu.sem_alloc : memref<!tpu.dma_semaphore, #tpu.memory_space<semaphore_mem>>
        %dma_start3A_100 = arith.constant 0 : i32
        %dma_start3A_101 = tpu.memref_slice %arg2[%add3A_13, %dma_start3A_100] : memref<1600x200xi32, #tpu.memory_space<hbm>> -> memref<2x200xi32, #tpu.memory_space<hbm>>
        %dma_start3A_102 = arith.constant 0 : i32
        %dma_start3A_103 = tpu.memref_slice %arg2[%add3A_13, %dma_start3A_102] : memref<1600x200xi32, #tpu.memory_space<hbm>> -> memref<2x200xi32, #tpu.memory_space<hbm>>
        tpu.enqueue_dma source(%dma_start3A_103 : memref<2x200xi32, #tpu.memory_space<hbm>>) target(%arg6 : memref<2x200xi32, #tpu.memory_space<vmem>>) target_semaphore(%run_scoped3A : memref<!tpu.dma_semaphore, #tpu.memory_space<semaphore_mem>>)
        %dma_wait3A_104 = arith.constant 0 : i32
        %dma_wait3A_105 = tpu.memref_slice %arg2[%add3A_13, %dma_wait3A_104] : memref<1600x200xi32, #tpu.memory_space<hbm>> -> memref<2x200xi32, #tpu.memory_space<hbm>>
        %dma_wait3A_106 = arith.constant 0 : i32
        %dma_wait3A_107 = tpu.memref_slice %arg2[%add3A_13, %dma_wait3A_106] : memref<1600x200xi32, #tpu.memory_space<hbm>> -> memref<2x200xi32, #tpu.memory_space<hbm>>
        tpu.wait_dma2 semaphore(%run_scoped3A : memref<!tpu.dma_semaphore, #tpu.memory_space<semaphore_mem>>) src(%dma_wait3A_107 : memref<2x200xi32, #tpu.memory_space<hbm>>) dst(%arg6 : memref<2x200xi32, #tpu.memory_space<vmem>>)
        tpu.yield
      }) : () -> ()
      "tpu.region"() ({
        %run_scoped3A = tpu.sem_alloc : memref<!tpu.dma_semaphore, #tpu.memory_space<semaphore_mem>>
        %dma_start3A_100 = arith.constant 0 : i32
        %dma_start3A_101 = tpu.memref_slice %arg3[%add3A_13, %dma_start3A_100] : memref<1600x200xi32, #tpu.memory_space<hbm>> -> memref<2x200xi32, #tpu.memory_space<hbm>>
        %dma_start3A_102 = arith.constant 0 : i32
        %dma_start3A_103 = tpu.memref_slice %arg3[%add3A_13, %dma_start3A_102] : memref<1600x200xi32, #tpu.memory_space<hbm>> -> memref<2x200xi32, #tpu.memory_space<hbm>>
        tpu.enqueue_dma source(%dma_start3A_103 : memref<2x200xi32, #tpu.memory_space<hbm>>) target(%arg7 : memref<2x200xi32, #tpu.memory_space<vmem>>) target_semaphore(%run_scoped3A : memref<!tpu.dma_semaphore, #tpu.memory_space<semaphore_mem>>)
        %dma_wait3A_104 = arith.constant 0 : i32
        %dma_wait3A_105 = tpu.memref_slice %arg3[%add3A_13, %dma_wait3A_104] : memref<1600x200xi32, #tpu.memory_space<hbm>> -> memref<2x200xi32, #tpu.memory_space<hbm>>
        %dma_wait3A_106 = arith.constant 0 : i32
        %dma_wait3A_107 = tpu.memref_slice %arg3[%add3A_13, %dma_wait3A_106] : memref<1600x200xi32, #tpu.memory_space<hbm>> -> memref<2x200xi32, #tpu.memory_space<hbm>>
        tpu.wait_dma2 semaphore(%run_scoped3A : memref<!tpu.dma_semaphore, #tpu.memory_space<semaphore_mem>>) src(%dma_wait3A_107 : memref<2x200xi32, #tpu.memory_space<hbm>>) dst(%arg7 : memref<2x200xi32, #tpu.memory_space<vmem>>)
        tpu.yield
      }) : () -> ()
      %dma_start3A = arith.constant 0 : i32
      %dma_start3A_14 = arith.constant 0 : i32
      %dma_start3A_15 = arith.constant 0 : i32
      %dma_start3A_16 = tpu.memref_slice %arg8[%dma_start3A_14, %dma_start3A_15] : memref<400x16xf32, #tpu.memory_space<vmem>> -> memref<200x16xf32, #tpu.memory_space<vmem>>
      %dma_start3A_17 = arith.constant 0 : i32
      %dma_start3A_18 = tpu.memref_slice %arg6[%dma_start3A, %dma_start3A_17] : memref<2x200xi32, #tpu.memory_space<vmem>> -> memref<1x200xi32, #tpu.memory_space<vmem>>
      %dma_start3A_19 = tpu.memref_squeeze %dma_start3A_18 : memref<1x200xi32, #tpu.memory_space<vmem>> -> memref<200xi32, #tpu.memory_space<vmem>>
      %dma_start3A_20 = arith.constant 0 : i32
      %dma_start3A_21 = arith.constant 0 : i32
      %dma_start3A_22 = tpu.memref_slice %arg4[%dma_start3A_20, %dma_start3A_21] : memref<10000x16xf32, #tpu.memory_space<hbm>> -> memref<10000x16xf32, #tpu.memory_space<hbm>>
      tpu.enqueue_indirect_dma source(%dma_start3A_22 : memref<10000x16xf32, #tpu.memory_space<hbm>>) target(%dma_start3A_16 : memref<200x16xf32, #tpu.memory_space<vmem>>) offsets(%dma_start3A_19 : memref<200xi32, #tpu.memory_space<vmem>>) semaphore(%arg10 : memref<!tpu.dma_semaphore, #tpu.memory_space<semaphore_mem>>)
      %dma_start3A_23 = arith.constant 1 : i32
      %dma_start3A_24 = arith.constant 200 : i32
      %dma_start3A_25 = arith.constant 0 : i32
      %dma_start3A_26 = tpu.memref_slice %arg8[%dma_start3A_24, %dma_start3A_25] : memref<400x16xf32, #tpu.memory_space<vmem>> -> memref<200x16xf32, #tpu.memory_space<vmem>>
      %dma_start3A_27 = arith.constant 0 : i32
      %dma_start3A_28 = tpu.memref_slice %arg6[%dma_start3A_23, %dma_start3A_27] : memref<2x200xi32, #tpu.memory_space<vmem>> -> memref<1x200xi32, #tpu.memory_space<vmem>>
      %dma_start3A_29 = tpu.memref_squeeze %dma_start3A_28 : memref<1x200xi32, #tpu.memory_space<vmem>> -> memref<200xi32, #tpu.memory_space<vmem>>
      %dma_start3A_30 = arith.constant 0 : i32
      %dma_start3A_31 = arith.constant 0 : i32
      %dma_start3A_32 = tpu.memref_slice %arg4[%dma_start3A_30, %dma_start3A_31] : memref<10000x16xf32, #tpu.memory_space<hbm>> -> memref<10000x16xf32, #tpu.memory_space<hbm>>
      tpu.enqueue_indirect_dma source(%dma_start3A_32 : memref<10000x16xf32, #tpu.memory_space<hbm>>) target(%dma_start3A_26 : memref<200x16xf32, #tpu.memory_space<vmem>>) offsets(%dma_start3A_29 : memref<200xi32, #tpu.memory_space<vmem>>) semaphore(%arg10 : memref<!tpu.dma_semaphore, #tpu.memory_space<semaphore_mem>>)
      %dma_start3A_33 = arith.constant 0 : i32
      %dma_start3A_34 = arith.constant 0 : i32
      %dma_start3A_35 = arith.constant 0 : i32
      %dma_start3A_36 = tpu.memref_slice %arg9[%dma_start3A_34, %dma_start3A_35] : memref<400x16xf32, #tpu.memory_space<vmem>> -> memref<200x16xf32, #tpu.memory_space<vmem>>
      %dma_start3A_37 = arith.constant 0 : i32
      %dma_start3A_38 = tpu.memref_slice %arg7[%dma_start3A_33, %dma_start3A_37] : memref<2x200xi32, #tpu.memory_space<vmem>> -> memref<1x200xi32, #tpu.memory_space<vmem>>
      %dma_start3A_39 = tpu.memref_squeeze %dma_start3A_38 : memref<1x200xi32, #tpu.memory_space<vmem>> -> memref<200xi32, #tpu.memory_space<vmem>>
      %dma_start3A_40 = arith.constant 0 : i32
      %dma_start3A_41 = arith.constant 0 : i32
      %dma_start3A_42 = tpu.memref_slice %arg4[%dma_start3A_40, %dma_start3A_41] : memref<10000x16xf32, #tpu.memory_space<hbm>> -> memref<10000x16xf32, #tpu.memory_space<hbm>>
      tpu.enqueue_indirect_dma source(%dma_start3A_42 : memref<10000x16xf32, #tpu.memory_space<hbm>>) target(%dma_start3A_36 : memref<200x16xf32, #tpu.memory_space<vmem>>) offsets(%dma_start3A_39 : memref<200xi32, #tpu.memory_space<vmem>>) semaphore(%arg10 : memref<!tpu.dma_semaphore, #tpu.memory_space<semaphore_mem>>)
      %dma_start3A_43 = arith.constant 1 : i32
      %dma_start3A_44 = arith.constant 200 : i32
      %dma_start3A_45 = arith.constant 0 : i32
      %dma_start3A_46 = tpu.memref_slice %arg9[%dma_start3A_44, %dma_start3A_45] : memref<400x16xf32, #tpu.memory_space<vmem>> -> memref<200x16xf32, #tpu.memory_space<vmem>>
      %dma_start3A_47 = arith.constant 0 : i32
      %dma_start3A_48 = tpu.memref_slice %arg7[%dma_start3A_43, %dma_start3A_47] : memref<2x200xi32, #tpu.memory_space<vmem>> -> memref<1x200xi32, #tpu.memory_space<vmem>>
      %dma_start3A_49 = tpu.memref_squeeze %dma_start3A_48 : memref<1x200xi32, #tpu.memory_space<vmem>> -> memref<200xi32, #tpu.memory_space<vmem>>
      %dma_start3A_50 = arith.constant 0 : i32
      %dma_start3A_51 = arith.constant 0 : i32
      %dma_start3A_52 = tpu.memref_slice %arg4[%dma_start3A_50, %dma_start3A_51] : memref<10000x16xf32, #tpu.memory_space<hbm>> -> memref<10000x16xf32, #tpu.memory_space<hbm>>
      tpu.enqueue_indirect_dma source(%dma_start3A_52 : memref<10000x16xf32, #tpu.memory_space<hbm>>) target(%dma_start3A_46 : memref<200x16xf32, #tpu.memory_space<vmem>>) offsets(%dma_start3A_49 : memref<200xi32, #tpu.memory_space<vmem>>) semaphore(%arg10 : memref<!tpu.dma_semaphore, #tpu.memory_space<semaphore_mem>>)
      %dma_wait3A = arith.constant 0 : i32
      %dma_wait3A_53 = arith.constant 0 : i32
      %dma_wait3A_54 = arith.constant 0 : i32
      %dma_wait3A_55 = tpu.memref_slice %arg8[%dma_wait3A_53, %dma_wait3A_54] : memref<400x16xf32, #tpu.memory_space<vmem>> -> memref<200x16xf32, #tpu.memory_space<vmem>>
      %dma_wait3A_56 = arith.constant 0 : i32
      %dma_wait3A_57 = tpu.memref_slice %arg6[%dma_wait3A, %dma_wait3A_56] : memref<2x200xi32, #tpu.memory_space<vmem>> -> memref<1x200xi32, #tpu.memory_space<vmem>>
      %dma_wait3A_58 = tpu.memref_squeeze %dma_wait3A_57 : memref<1x200xi32, #tpu.memory_space<vmem>> -> memref<200xi32, #tpu.memory_space<vmem>>
      %dma_wait3A_59 = arith.constant 0 : i32
      %dma_wait3A_60 = arith.constant 0 : i32
      %dma_wait3A_61 = tpu.memref_slice %arg4[%dma_wait3A_59, %dma_wait3A_60] : memref<10000x16xf32, #tpu.memory_space<hbm>> -> memref<10000x16xf32, #tpu.memory_space<hbm>>
      tpu.wait_indirect_dma semaphore(%arg10 : memref<!tpu.dma_semaphore, #tpu.memory_space<semaphore_mem>>) src(%dma_wait3A_61 : memref<10000x16xf32, #tpu.memory_space<hbm>>) dst(%dma_wait3A_55 : memref<200x16xf32, #tpu.memory_space<vmem>>)
      %dma_wait3A_62 = arith.constant 1 : i32
      %dma_wait3A_63 = arith.constant 200 : i32
      %dma_wait3A_64 = arith.constant 0 : i32
      %dma_wait3A_65 = tpu.memref_slice %arg8[%dma_wait3A_63, %dma_wait3A_64] : memref<400x16xf32, #tpu.memory_space<vmem>> -> memref<200x16xf32, #tpu.memory_space<vmem>>
      %dma_wait3A_66 = arith.constant 0 : i32
      %dma_wait3A_67 = tpu.memref_slice %arg6[%dma_wait3A_62, %dma_wait3A_66] : memref<2x200xi32, #tpu.memory_space<vmem>> -> memref<1x200xi32, #tpu.memory_space<vmem>>
      %dma_wait3A_68 = tpu.memref_squeeze %dma_wait3A_67 : memref<1x200xi32, #tpu.memory_space<vmem>> -> memref<200xi32, #tpu.memory_space<vmem>>
      %dma_wait3A_69 = arith.constant 0 : i32
      %dma_wait3A_70 = arith.constant 0 : i32
      %dma_wait3A_71 = tpu.memref_slice %arg4[%dma_wait3A_69, %dma_wait3A_70] : memref<10000x16xf32, #tpu.memory_space<hbm>> -> memref<10000x16xf32, #tpu.memory_space<hbm>>
      tpu.wait_indirect_dma semaphore(%arg10 : memref<!tpu.dma_semaphore, #tpu.memory_space<semaphore_mem>>) src(%dma_wait3A_71 : memref<10000x16xf32, #tpu.memory_space<hbm>>) dst(%dma_wait3A_65 : memref<200x16xf32, #tpu.memory_space<vmem>>)
      %dma_wait3A_72 = arith.constant 0 : i32
      %dma_wait3A_73 = arith.constant 0 : i32
      %dma_wait3A_74 = arith.constant 0 : i32
      %dma_wait3A_75 = tpu.memref_slice %arg9[%dma_wait3A_73, %dma_wait3A_74] : memref<400x16xf32, #tpu.memory_space<vmem>> -> memref<200x16xf32, #tpu.memory_space<vmem>>
      %dma_wait3A_76 = arith.constant 0 : i32
      %dma_wait3A_77 = tpu.memref_slice %arg7[%dma_wait3A_72, %dma_wait3A_76] : memref<2x200xi32, #tpu.memory_space<vmem>> -> memref<1x200xi32, #tpu.memory_space<vmem>>
      %dma_wait3A_78 = tpu.memref_squeeze %dma_wait3A_77 : memref<1x200xi32, #tpu.memory_space<vmem>> -> memref<200xi32, #tpu.memory_space<vmem>>
      %dma_wait3A_79 = arith.constant 0 : i32
      %dma_wait3A_80 = arith.constant 0 : i32
      %dma_wait3A_81 = tpu.memref_slice %arg4[%dma_wait3A_79, %dma_wait3A_80] : memref<10000x16xf32, #tpu.memory_space<hbm>> -> memref<10000x16xf32, #tpu.memory_space<hbm>>
      tpu.wait_indirect_dma semaphore(%arg10 : memref<!tpu.dma_semaphore, #tpu.memory_space<semaphore_mem>>) src(%dma_wait3A_81 : memref<10000x16xf32, #tpu.memory_space<hbm>>) dst(%dma_wait3A_75 : memref<200x16xf32, #tpu.memory_space<vmem>>)
      %dma_wait3A_82 = arith.constant 1 : i32
      %dma_wait3A_83 = arith.constant 200 : i32
      %dma_wait3A_84 = arith.constant 0 : i32
      %dma_wait3A_85 = tpu.memref_slice %arg9[%dma_wait3A_83, %dma_wait3A_84] : memref<400x16xf32, #tpu.memory_space<vmem>> -> memref<200x16xf32, #tpu.memory_space<vmem>>
      %dma_wait3A_86 = arith.constant 0 : i32
      %dma_wait3A_87 = tpu.memref_slice %arg7[%dma_wait3A_82, %dma_wait3A_86] : memref<2x200xi32, #tpu.memory_space<vmem>> -> memref<1x200xi32, #tpu.memory_space<vmem>>
      %dma_wait3A_88 = tpu.memref_squeeze %dma_wait3A_87 : memref<1x200xi32, #tpu.memory_space<vmem>> -> memref<200xi32, #tpu.memory_space<vmem>>
      %dma_wait3A_89 = arith.constant 0 : i32
      %dma_wait3A_90 = arith.constant 0 : i32
      %dma_wait3A_91 = tpu.memref_slice %arg4[%dma_wait3A_89, %dma_wait3A_90] : memref<10000x16xf32, #tpu.memory_space<hbm>> -> memref<10000x16xf32, #tpu.memory_space<hbm>>
      tpu.wait_indirect_dma semaphore(%arg10 : memref<!tpu.dma_semaphore, #tpu.memory_space<semaphore_mem>>) src(%dma_wait3A_91 : memref<10000x16xf32, #tpu.memory_space<hbm>>) dst(%dma_wait3A_85 : memref<200x16xf32, #tpu.memory_space<vmem>>)
      %scan3A_92 = arith.constant 0 : i32
      %scan3A_93 = arith.constant 0 : i32
      %scan3A_94 = arith.constant 400 : i32
      %scan3A_95 = arith.addi %scan3A_93, %scan3A_94 : i32
      %scan3A_96 = arith.constant 1 : i32
      scf.for %scan3A_100 = %scan3A_93 to %scan3A_95 step %scan3A_96  : i32 {
        %get3A = arith.index_cast %scan3A_100 : i32 to index
        %get3A_101 = arith.constant 0 : index
        %get3A_102 = tpu.vector_load %arg8[%get3A, %get3A_101] {strides = array<i32>} : memref<400x16xf32, #tpu.memory_space<vmem>>, vector<1x16xf32>,
        %get3A_103 = vector.shape_cast %get3A_102 : vector<1x16xf32> to vector<16xf32>
        %get3A_104 = arith.index_cast %scan3A_100 : i32 to index
        %get3A_105 = arith.constant 0 : index
        %get3A_106 = tpu.vector_load %arg9[%get3A_104, %get3A_105] {strides = array<i32>} : memref<400x16xf32, #tpu.memory_space<vmem>>, vector<1x16xf32>,
        %get3A_107 = vector.shape_cast %get3A_106 : vector<1x16xf32> to vector<16xf32>
        %add3A_108 = arith.addf %get3A_103, %get3A_107 : vector<16xf32>
        %swap3A = arith.index_cast %scan3A_100 : i32 to index
        %swap3A_109 = arith.constant 0 : index
        %swap3A_110 = tpu.vector_load %arg8[%swap3A, %swap3A_109] {strides = array<i32>} : memref<400x16xf32, #tpu.memory_space<vmem>>, vector<1x16xf32>,
        %swap3A_111 = vector.shape_cast %swap3A_110 : vector<1x16xf32> to vector<16xf32>
        %swap3A_112 = vector.shape_cast %add3A_108 : vector<16xf32> to vector<1x16xf32>
        tpu.vector_store %arg8[%swap3A, %swap3A_109], %swap3A_112 {strides = array<i32>} : memref<400x16xf32, #tpu.memory_space<vmem>>, vector<1x16xf32>,
      }
      %scan3A_97 = arith.constant 400 : i32
      %mul3A_98 = arith.constant 200 : i32
      %mul3A_99 = arith.muli %add3A_13, %mul3A_98 : i32
      "tpu.region"() ({
        %run_scoped3A = tpu.sem_alloc : memref<!tpu.dma_semaphore, #tpu.memory_space<semaphore_mem>>
        %dma_start3A_100 = arith.constant 0 : i32
        %dma_start3A_101 = tpu.memref_slice %arg5[%mul3A_99, %dma_start3A_100] : memref<320000x16xf32, #tpu.memory_space<hbm>> -> memref<400x16xf32, #tpu.memory_space<hbm>>
        %dma_start3A_102 = arith.constant 0 : i32
        %dma_start3A_103 = tpu.memref_slice %arg5[%mul3A_99, %dma_start3A_102] : memref<320000x16xf32, #tpu.memory_space<hbm>> -> memref<400x16xf32, #tpu.memory_space<hbm>>
        tpu.enqueue_dma source(%arg8 : memref<400x16xf32, #tpu.memory_space<vmem>>) target(%dma_start3A_103 : memref<400x16xf32, #tpu.memory_space<hbm>>) target_semaphore(%run_scoped3A : memref<!tpu.dma_semaphore, #tpu.memory_space<semaphore_mem>>)
        %dma_wait3A_104 = arith.constant 0 : i32
        %dma_wait3A_105 = tpu.memref_slice %arg5[%mul3A_99, %dma_wait3A_104] : memref<320000x16xf32, #tpu.memory_space<hbm>> -> memref<400x16xf32, #tpu.memory_space<hbm>>
        %dma_wait3A_106 = arith.constant 0 : i32
        %dma_wait3A_107 = tpu.memref_slice %arg5[%mul3A_99, %dma_wait3A_106] : memref<320000x16xf32, #tpu.memory_space<hbm>> -> memref<400x16xf32, #tpu.memory_space<hbm>>
        tpu.wait_dma2 semaphore(%run_scoped3A : memref<!tpu.dma_semaphore, #tpu.memory_space<semaphore_mem>>) src(%arg8 : memref<400x16xf32, #tpu.memory_space<vmem>>) dst(%dma_wait3A_107 : memref<400x16xf32, #tpu.memory_space<hbm>>)
        tpu.yield
      }) : () -> ()
    }
    %scan3A_9 = arith.constant 25 : i32
    return
  }
}

#map = affine_map<(d0, d1) -> (0, 0)>
#map1 = affine_map<(d0, d1) -> (0, 0, 0)>
#map2 = affine_map<(d0, d1) -> (0)>
module attributes {stable_mosaic.version = 14 : i64} {
  func.func @_agg_sc_body(%arg0: i32, %arg1: i32, %arg2: memref<1600x200xi32, #tpu.memory_space<hbm>>, %arg3: memref<1600x200xi32, #tpu.memory_space<hbm>>, %arg4: memref<10000x128xf32, #tpu.memory_space<hbm>>, %arg5: memref<2x10000x128xf32, #tpu.memory_space<hbm>>, %arg6: memref<20000xf32, #tpu.memory_space<hbm>>, %arg7: memref<1x200xi32, #tpu.memory_space<vmem>>, %arg8: memref<1x200xi32, #tpu.memory_space<vmem>>, %arg9: memref<200x128xf32, #tpu.memory_space<vmem>>, %arg10: memref<208xf32, #tpu.memory_space<vmem>>, %arg11: memref<16x128xf32, #tpu.memory_space<vmem>>, %arg12: memref<16xf32, #tpu.memory_space<vmem>>, %arg13: memref<624xf32, #tpu.memory_space<vmem>>, %arg14: memref<10000x128xf32, #tpu.memory_space<vmem_shared>>, %arg15: memref<10000xf32, #tpu.memory_space<vmem_shared>>, %arg16: memref<!tpu.dma_semaphore, #tpu.memory_space<semaphore_mem>>) attributes {dimension_semantics = [#tpu.dimension_semantics<core_parallel>, #tpu.dimension_semantics<subcore_parallel>], iteration_bounds = array<i64: 2, 16>, scalar_prefetch = 0 : i64, scratch_operands = 10 : i64, tpu.core_type = #tpu.core_type<sc_vector_subcore>, window_params = [{transform_indices = #map}, {transform_indices = #map}, {transform_indices = #map}, {transform_indices = #map1}, {transform_indices = #map2}]} {
    %mul3A = arith.constant 2 : i32
    %mul3A_0 = arith.muli %arg1, %mul3A : i32
    %add3A = arith.addi %mul3A_0, %arg0 : i32
    %broadcast_in_dim3A = arith.constant 0.000000e+00 : f32
    %broadcast_in_dim3A_1 = vector.broadcast %broadcast_in_dim3A : f32 to vector<16xf32>
    %swap3A = arith.constant 0 : i32
    %swap3A_2 = arith.index_cast %swap3A : i32 to index
    %swap3A_3 = arith.constant 0 : index
    %swap3A_4 = tpu.vector_load %arg11[%swap3A_2, %swap3A_3] {strides = array<i32>} : memref<16x128xf32, #tpu.memory_space<vmem>>, vector<1x16xf32>,
    %swap3A_5 = vector.shape_cast %swap3A_4 : vector<1x16xf32> to vector<16xf32>
    %swap3A_6 = vector.shape_cast %broadcast_in_dim3A_1 : vector<16xf32> to vector<1x16xf32>
    tpu.vector_store %arg11[%swap3A_2, %swap3A_3], %swap3A_6 {strides = array<i32>} : memref<16x128xf32, #tpu.memory_space<vmem>>, vector<1x16xf32>,
    %swap3A_7 = arith.constant 0 : i32
    %swap3A_8 = arith.index_cast %swap3A_7 : i32 to index
    %swap3A_9 = arith.constant 16 : index
    %swap3A_10 = tpu.vector_load %arg11[%swap3A_8, %swap3A_9] {strides = array<i32>} : memref<16x128xf32, #tpu.memory_space<vmem>>, vector<1x16xf32>,
    %swap3A_11 = vector.shape_cast %swap3A_10 : vector<1x16xf32> to vector<16xf32>
    %swap3A_12 = vector.shape_cast %broadcast_in_dim3A_1 : vector<16xf32> to vector<1x16xf32>
    tpu.vector_store %arg11[%swap3A_8, %swap3A_9], %swap3A_12 {strides = array<i32>} : memref<16x128xf32, #tpu.memory_space<vmem>>, vector<1x16xf32>,
    %swap3A_13 = arith.constant 0 : i32
    %swap3A_14 = arith.index_cast %swap3A_13 : i32 to index
    %swap3A_15 = arith.constant 32 : index
    %swap3A_16 = tpu.vector_load %arg11[%swap3A_14, %swap3A_15] {strides = array<i32>} : memref<16x128xf32, #tpu.memory_space<vmem>>, vector<1x16xf32>,
    %swap3A_17 = vector.shape_cast %swap3A_16 : vector<1x16xf32> to vector<16xf32>
    %swap3A_18 = vector.shape_cast %broadcast_in_dim3A_1 : vector<16xf32> to vector<1x16xf32>
    tpu.vector_store %arg11[%swap3A_14, %swap3A_15], %swap3A_18 {strides = array<i32>} : memref<16x128xf32, #tpu.memory_space<vmem>>, vector<1x16xf32>,
    %swap3A_19 = arith.constant 0 : i32
    %swap3A_20 = arith.index_cast %swap3A_19 : i32 to index
    %swap3A_21 = arith.constant 48 : index
    %swap3A_22 = tpu.vector_load %arg11[%swap3A_20, %swap3A_21] {strides = array<i32>} : memref<16x128xf32, #tpu.memory_space<vmem>>, vector<1x16xf32>,
    %swap3A_23 = vector.shape_cast %swap3A_22 : vector<1x16xf32> to vector<16xf32>
    %swap3A_24 = vector.shape_cast %broadcast_in_dim3A_1 : vector<16xf32> to vector<1x16xf32>
    tpu.vector_store %arg11[%swap3A_20, %swap3A_21], %swap3A_24 {strides = array<i32>} : memref<16x128xf32, #tpu.memory_space<vmem>>, vector<1x16xf32>,
    %swap3A_25 = arith.constant 0 : i32
    %swap3A_26 = arith.index_cast %swap3A_25 : i32 to index
    %swap3A_27 = arith.constant 64 : index
    %swap3A_28 = tpu.vector_load %arg11[%swap3A_26, %swap3A_27] {strides = array<i32>} : memref<16x128xf32, #tpu.memory_space<vmem>>, vector<1x16xf32>,
    %swap3A_29 = vector.shape_cast %swap3A_28 : vector<1x16xf32> to vector<16xf32>
    %swap3A_30 = vector.shape_cast %broadcast_in_dim3A_1 : vector<16xf32> to vector<1x16xf32>
    tpu.vector_store %arg11[%swap3A_26, %swap3A_27], %swap3A_30 {strides = array<i32>} : memref<16x128xf32, #tpu.memory_space<vmem>>, vector<1x16xf32>,
    %swap3A_31 = arith.constant 0 : i32
    %swap3A_32 = arith.index_cast %swap3A_31 : i32 to index
    %swap3A_33 = arith.constant 80 : index
    %swap3A_34 = tpu.vector_load %arg11[%swap3A_32, %swap3A_33] {strides = array<i32>} : memref<16x128xf32, #tpu.memory_space<vmem>>, vector<1x16xf32>,
    %swap3A_35 = vector.shape_cast %swap3A_34 : vector<1x16xf32> to vector<16xf32>
    %swap3A_36 = vector.shape_cast %broadcast_in_dim3A_1 : vector<16xf32> to vector<1x16xf32>
    tpu.vector_store %arg11[%swap3A_32, %swap3A_33], %swap3A_36 {strides = array<i32>} : memref<16x128xf32, #tpu.memory_space<vmem>>, vector<1x16xf32>,
    %swap3A_37 = arith.constant 0 : i32
    %swap3A_38 = arith.index_cast %swap3A_37 : i32 to index
    %swap3A_39 = arith.constant 96 : index
    %swap3A_40 = tpu.vector_load %arg11[%swap3A_38, %swap3A_39] {strides = array<i32>} : memref<16x128xf32, #tpu.memory_space<vmem>>, vector<1x16xf32>,
    %swap3A_41 = vector.shape_cast %swap3A_40 : vector<1x16xf32> to vector<16xf32>
    %swap3A_42 = vector.shape_cast %broadcast_in_dim3A_1 : vector<16xf32> to vector<1x16xf32>
    tpu.vector_store %arg11[%swap3A_38, %swap3A_39], %swap3A_42 {strides = array<i32>} : memref<16x128xf32, #tpu.memory_space<vmem>>, vector<1x16xf32>,
    %swap3A_43 = arith.constant 0 : i32
    %swap3A_44 = arith.index_cast %swap3A_43 : i32 to index
    %swap3A_45 = arith.constant 112 : index
    %swap3A_46 = tpu.vector_load %arg11[%swap3A_44, %swap3A_45] {strides = array<i32>} : memref<16x128xf32, #tpu.memory_space<vmem>>, vector<1x16xf32>,
    %swap3A_47 = vector.shape_cast %swap3A_46 : vector<1x16xf32> to vector<16xf32>
    %swap3A_48 = vector.shape_cast %broadcast_in_dim3A_1 : vector<16xf32> to vector<1x16xf32>
    tpu.vector_store %arg11[%swap3A_44, %swap3A_45], %swap3A_48 {strides = array<i32>} : memref<16x128xf32, #tpu.memory_space<vmem>>, vector<1x16xf32>,
    %swap3A_49 = arith.constant 1 : i32
    %swap3A_50 = arith.index_cast %swap3A_49 : i32 to index
    %swap3A_51 = arith.constant 0 : index
    %swap3A_52 = tpu.vector_load %arg11[%swap3A_50, %swap3A_51] {strides = array<i32>} : memref<16x128xf32, #tpu.memory_space<vmem>>, vector<1x16xf32>,
    %swap3A_53 = vector.shape_cast %swap3A_52 : vector<1x16xf32> to vector<16xf32>
    %swap3A_54 = vector.shape_cast %broadcast_in_dim3A_1 : vector<16xf32> to vector<1x16xf32>
    tpu.vector_store %arg11[%swap3A_50, %swap3A_51], %swap3A_54 {strides = array<i32>} : memref<16x128xf32, #tpu.memory_space<vmem>>, vector<1x16xf32>,
    %swap3A_55 = arith.constant 1 : i32
    %swap3A_56 = arith.index_cast %swap3A_55 : i32 to index
    %swap3A_57 = arith.constant 16 : index
    %swap3A_58 = tpu.vector_load %arg11[%swap3A_56, %swap3A_57] {strides = array<i32>} : memref<16x128xf32, #tpu.memory_space<vmem>>, vector<1x16xf32>,
    %swap3A_59 = vector.shape_cast %swap3A_58 : vector<1x16xf32> to vector<16xf32>
    %swap3A_60 = vector.shape_cast %broadcast_in_dim3A_1 : vector<16xf32> to vector<1x16xf32>
    tpu.vector_store %arg11[%swap3A_56, %swap3A_57], %swap3A_60 {strides = array<i32>} : memref<16x128xf32, #tpu.memory_space<vmem>>, vector<1x16xf32>,
    %swap3A_61 = arith.constant 1 : i32
    %swap3A_62 = arith.index_cast %swap3A_61 : i32 to index
    %swap3A_63 = arith.constant 32 : index
    %swap3A_64 = tpu.vector_load %arg11[%swap3A_62, %swap3A_63] {strides = array<i32>} : memref<16x128xf32, #tpu.memory_space<vmem>>, vector<1x16xf32>,
    %swap3A_65 = vector.shape_cast %swap3A_64 : vector<1x16xf32> to vector<16xf32>
    %swap3A_66 = vector.shape_cast %broadcast_in_dim3A_1 : vector<16xf32> to vector<1x16xf32>
    tpu.vector_store %arg11[%swap3A_62, %swap3A_63], %swap3A_66 {strides = array<i32>} : memref<16x128xf32, #tpu.memory_space<vmem>>, vector<1x16xf32>,
    %swap3A_67 = arith.constant 1 : i32
    %swap3A_68 = arith.index_cast %swap3A_67 : i32 to index
    %swap3A_69 = arith.constant 48 : index
    %swap3A_70 = tpu.vector_load %arg11[%swap3A_68, %swap3A_69] {strides = array<i32>} : memref<16x128xf32, #tpu.memory_space<vmem>>, vector<1x16xf32>,
    %swap3A_71 = vector.shape_cast %swap3A_70 : vector<1x16xf32> to vector<16xf32>
    %swap3A_72 = vector.shape_cast %broadcast_in_dim3A_1 : vector<16xf32> to vector<1x16xf32>
    tpu.vector_store %arg11[%swap3A_68, %swap3A_69], %swap3A_72 {strides = array<i32>} : memref<16x128xf32, #tpu.memory_space<vmem>>, vector<1x16xf32>,
    %swap3A_73 = arith.constant 1 : i32
    %swap3A_74 = arith.index_cast %swap3A_73 : i32 to index
    %swap3A_75 = arith.constant 64 : index
    %swap3A_76 = tpu.vector_load %arg11[%swap3A_74, %swap3A_75] {strides = array<i32>} : memref<16x128xf32, #tpu.memory_space<vmem>>, vector<1x16xf32>,
    %swap3A_77 = vector.shape_cast %swap3A_76 : vector<1x16xf32> to vector<16xf32>
    %swap3A_78 = vector.shape_cast %broadcast_in_dim3A_1 : vector<16xf32> to vector<1x16xf32>
    tpu.vector_store %arg11[%swap3A_74, %swap3A_75], %swap3A_78 {strides = array<i32>} : memref<16x128xf32, #tpu.memory_space<vmem>>, vector<1x16xf32>,
    %swap3A_79 = arith.constant 1 : i32
    %swap3A_80 = arith.index_cast %swap3A_79 : i32 to index
    %swap3A_81 = arith.constant 80 : index
    %swap3A_82 = tpu.vector_load %arg11[%swap3A_80, %swap3A_81] {strides = array<i32>} : memref<16x128xf32, #tpu.memory_space<vmem>>, vector<1x16xf32>,
    %swap3A_83 = vector.shape_cast %swap3A_82 : vector<1x16xf32> to vector<16xf32>
    %swap3A_84 = vector.shape_cast %broadcast_in_dim3A_1 : vector<16xf32> to vector<1x16xf32>
    tpu.vector_store %arg11[%swap3A_80, %swap3A_81], %swap3A_84 {strides = array<i32>} : memref<16x128xf32, #tpu.memory_space<vmem>>, vector<1x16xf32>,
    %swap3A_85 = arith.constant 1 : i32
    %swap3A_86 = arith.index_cast %swap3A_85 : i32 to index
    %swap3A_87 = arith.constant 96 : index
    %swap3A_88 = tpu.vector_load %arg11[%swap3A_86, %swap3A_87] {strides = array<i32>} : memref<16x128xf32, #tpu.memory_space<vmem>>, vector<1x16xf32>,
    %swap3A_89 = vector.shape_cast %swap3A_88 : vector<1x16xf32> to vector<16xf32>
    %swap3A_90 = vector.shape_cast %broadcast_in_dim3A_1 : vector<16xf32> to vector<1x16xf32>
    tpu.vector_store %arg11[%swap3A_86, %swap3A_87], %swap3A_90 {strides = array<i32>} : memref<16x128xf32, #tpu.memory_space<vmem>>, vector<1x16xf32>,
    %swap3A_91 = arith.constant 1 : i32
    %swap3A_92 = arith.index_cast %swap3A_91 : i32 to index
    %swap3A_93 = arith.constant 112 : index
    %swap3A_94 = tpu.vector_load %arg11[%swap3A_92, %swap3A_93] {strides = array<i32>} : memref<16x128xf32, #tpu.memory_space<vmem>>, vector<1x16xf32>,
    %swap3A_95 = vector.shape_cast %swap3A_94 : vector<1x16xf32> to vector<16xf32>
    %swap3A_96 = vector.shape_cast %broadcast_in_dim3A_1 : vector<16xf32> to vector<1x16xf32>
    tpu.vector_store %arg11[%swap3A_92, %swap3A_93], %swap3A_96 {strides = array<i32>} : memref<16x128xf32, #tpu.memory_space<vmem>>, vector<1x16xf32>,
    %swap3A_97 = arith.constant 2 : i32
    %swap3A_98 = arith.index_cast %swap3A_97 : i32 to index
    %swap3A_99 = arith.constant 0 : index
    %swap3A_100 = tpu.vector_load %arg11[%swap3A_98, %swap3A_99] {strides = array<i32>} : memref<16x128xf32, #tpu.memory_space<vmem>>, vector<1x16xf32>,
    %swap3A_101 = vector.shape_cast %swap3A_100 : vector<1x16xf32> to vector<16xf32>
    %swap3A_102 = vector.shape_cast %broadcast_in_dim3A_1 : vector<16xf32> to vector<1x16xf32>
    tpu.vector_store %arg11[%swap3A_98, %swap3A_99], %swap3A_102 {strides = array<i32>} : memref<16x128xf32, #tpu.memory_space<vmem>>, vector<1x16xf32>,
    %swap3A_103 = arith.constant 2 : i32
    %swap3A_104 = arith.index_cast %swap3A_103 : i32 to index
    %swap3A_105 = arith.constant 16 : index
    %swap3A_106 = tpu.vector_load %arg11[%swap3A_104, %swap3A_105] {strides = array<i32>} : memref<16x128xf32, #tpu.memory_space<vmem>>, vector<1x16xf32>,
    %swap3A_107 = vector.shape_cast %swap3A_106 : vector<1x16xf32> to vector<16xf32>
    %swap3A_108 = vector.shape_cast %broadcast_in_dim3A_1 : vector<16xf32> to vector<1x16xf32>
    tpu.vector_store %arg11[%swap3A_104, %swap3A_105], %swap3A_108 {strides = array<i32>} : memref<16x128xf32, #tpu.memory_space<vmem>>, vector<1x16xf32>,
    %swap3A_109 = arith.constant 2 : i32
    %swap3A_110 = arith.index_cast %swap3A_109 : i32 to index
    %swap3A_111 = arith.constant 32 : index
    %swap3A_112 = tpu.vector_load %arg11[%swap3A_110, %swap3A_111] {strides = array<i32>} : memref<16x128xf32, #tpu.memory_space<vmem>>, vector<1x16xf32>,
    %swap3A_113 = vector.shape_cast %swap3A_112 : vector<1x16xf32> to vector<16xf32>
    %swap3A_114 = vector.shape_cast %broadcast_in_dim3A_1 : vector<16xf32> to vector<1x16xf32>
    tpu.vector_store %arg11[%swap3A_110, %swap3A_111], %swap3A_114 {strides = array<i32>} : memref<16x128xf32, #tpu.memory_space<vmem>>, vector<1x16xf32>,
    %swap3A_115 = arith.constant 2 : i32
    %swap3A_116 = arith.index_cast %swap3A_115 : i32 to index
    %swap3A_117 = arith.constant 48 : index
    %swap3A_118 = tpu.vector_load %arg11[%swap3A_116, %swap3A_117] {strides = array<i32>} : memref<16x128xf32, #tpu.memory_space<vmem>>, vector<1x16xf32>,
    %swap3A_119 = vector.shape_cast %swap3A_118 : vector<1x16xf32> to vector<16xf32>
    %swap3A_120 = vector.shape_cast %broadcast_in_dim3A_1 : vector<16xf32> to vector<1x16xf32>
    tpu.vector_store %arg11[%swap3A_116, %swap3A_117], %swap3A_120 {strides = array<i32>} : memref<16x128xf32, #tpu.memory_space<vmem>>, vector<1x16xf32>,
    %swap3A_121 = arith.constant 2 : i32
    %swap3A_122 = arith.index_cast %swap3A_121 : i32 to index
    %swap3A_123 = arith.constant 64 : index
    %swap3A_124 = tpu.vector_load %arg11[%swap3A_122, %swap3A_123] {strides = array<i32>} : memref<16x128xf32, #tpu.memory_space<vmem>>, vector<1x16xf32>,
    %swap3A_125 = vector.shape_cast %swap3A_124 : vector<1x16xf32> to vector<16xf32>
    %swap3A_126 = vector.shape_cast %broadcast_in_dim3A_1 : vector<16xf32> to vector<1x16xf32>
    tpu.vector_store %arg11[%swap3A_122, %swap3A_123], %swap3A_126 {strides = array<i32>} : memref<16x128xf32, #tpu.memory_space<vmem>>, vector<1x16xf32>,
    %swap3A_127 = arith.constant 2 : i32
    %swap3A_128 = arith.index_cast %swap3A_127 : i32 to index
    %swap3A_129 = arith.constant 80 : index
    %swap3A_130 = tpu.vector_load %arg11[%swap3A_128, %swap3A_129] {strides = array<i32>} : memref<16x128xf32, #tpu.memory_space<vmem>>, vector<1x16xf32>,
    %swap3A_131 = vector.shape_cast %swap3A_130 : vector<1x16xf32> to vector<16xf32>
    %swap3A_132 = vector.shape_cast %broadcast_in_dim3A_1 : vector<16xf32> to vector<1x16xf32>
    tpu.vector_store %arg11[%swap3A_128, %swap3A_129], %swap3A_132 {strides = array<i32>} : memref<16x128xf32, #tpu.memory_space<vmem>>, vector<1x16xf32>,
    %swap3A_133 = arith.constant 2 : i32
    %swap3A_134 = arith.index_cast %swap3A_133 : i32 to index
    %swap3A_135 = arith.constant 96 : index
    %swap3A_136 = tpu.vector_load %arg11[%swap3A_134, %swap3A_135] {strides = array<i32>} : memref<16x128xf32, #tpu.memory_space<vmem>>, vector<1x16xf32>,
    %swap3A_137 = vector.shape_cast %swap3A_136 : vector<1x16xf32> to vector<16xf32>
    %swap3A_138 = vector.shape_cast %broadcast_in_dim3A_1 : vector<16xf32> to vector<1x16xf32>
    tpu.vector_store %arg11[%swap3A_134, %swap3A_135], %swap3A_138 {strides = array<i32>} : memref<16x128xf32, #tpu.memory_space<vmem>>, vector<1x16xf32>,
    %swap3A_139 = arith.constant 2 : i32
    %swap3A_140 = arith.index_cast %swap3A_139 : i32 to index
    %swap3A_141 = arith.constant 112 : index
    %swap3A_142 = tpu.vector_load %arg11[%swap3A_140, %swap3A_141] {strides = array<i32>} : memref<16x128xf32, #tpu.memory_space<vmem>>, vector<1x16xf32>,
    %swap3A_143 = vector.shape_cast %swap3A_142 : vector<1x16xf32> to vector<16xf32>
    %swap3A_144 = vector.shape_cast %broadcast_in_dim3A_1 : vector<16xf32> to vector<1x16xf32>
    tpu.vector_store %arg11[%swap3A_140, %swap3A_141], %swap3A_144 {strides = array<i32>} : memref<16x128xf32, #tpu.memory_space<vmem>>, vector<1x16xf32>,
    %swap3A_145 = arith.constant 3 : i32
    %swap3A_146 = arith.index_cast %swap3A_145 : i32 to index
    %swap3A_147 = arith.constant 0 : index
    %swap3A_148 = tpu.vector_load %arg11[%swap3A_146, %swap3A_147] {strides = array<i32>} : memref<16x128xf32, #tpu.memory_space<vmem>>, vector<1x16xf32>,
    %swap3A_149 = vector.shape_cast %swap3A_148 : vector<1x16xf32> to vector<16xf32>
    %swap3A_150 = vector.shape_cast %broadcast_in_dim3A_1 : vector<16xf32> to vector<1x16xf32>
    tpu.vector_store %arg11[%swap3A_146, %swap3A_147], %swap3A_150 {strides = array<i32>} : memref<16x128xf32, #tpu.memory_space<vmem>>, vector<1x16xf32>,
    %swap3A_151 = arith.constant 3 : i32
    %swap3A_152 = arith.index_cast %swap3A_151 : i32 to index
    %swap3A_153 = arith.constant 16 : index
    %swap3A_154 = tpu.vector_load %arg11[%swap3A_152, %swap3A_153] {strides = array<i32>} : memref<16x128xf32, #tpu.memory_space<vmem>>, vector<1x16xf32>,
    %swap3A_155 = vector.shape_cast %swap3A_154 : vector<1x16xf32> to vector<16xf32>
    %swap3A_156 = vector.shape_cast %broadcast_in_dim3A_1 : vector<16xf32> to vector<1x16xf32>
    tpu.vector_store %arg11[%swap3A_152, %swap3A_153], %swap3A_156 {strides = array<i32>} : memref<16x128xf32, #tpu.memory_space<vmem>>, vector<1x16xf32>,
    %swap3A_157 = arith.constant 3 : i32
    %swap3A_158 = arith.index_cast %swap3A_157 : i32 to index
    %swap3A_159 = arith.constant 32 : index
    %swap3A_160 = tpu.vector_load %arg11[%swap3A_158, %swap3A_159] {strides = array<i32>} : memref<16x128xf32, #tpu.memory_space<vmem>>, vector<1x16xf32>,
    %swap3A_161 = vector.shape_cast %swap3A_160 : vector<1x16xf32> to vector<16xf32>
    %swap3A_162 = vector.shape_cast %broadcast_in_dim3A_1 : vector<16xf32> to vector<1x16xf32>
    tpu.vector_store %arg11[%swap3A_158, %swap3A_159], %swap3A_162 {strides = array<i32>} : memref<16x128xf32, #tpu.memory_space<vmem>>, vector<1x16xf32>,
    %swap3A_163 = arith.constant 3 : i32
    %swap3A_164 = arith.index_cast %swap3A_163 : i32 to index
    %swap3A_165 = arith.constant 48 : index
    %swap3A_166 = tpu.vector_load %arg11[%swap3A_164, %swap3A_165] {strides = array<i32>} : memref<16x128xf32, #tpu.memory_space<vmem>>, vector<1x16xf32>,
    %swap3A_167 = vector.shape_cast %swap3A_166 : vector<1x16xf32> to vector<16xf32>
    %swap3A_168 = vector.shape_cast %broadcast_in_dim3A_1 : vector<16xf32> to vector<1x16xf32>
    tpu.vector_store %arg11[%swap3A_164, %swap3A_165], %swap3A_168 {strides = array<i32>} : memref<16x128xf32, #tpu.memory_space<vmem>>, vector<1x16xf32>,
    %swap3A_169 = arith.constant 3 : i32
    %swap3A_170 = arith.index_cast %swap3A_169 : i32 to index
    %swap3A_171 = arith.constant 64 : index
    %swap3A_172 = tpu.vector_load %arg11[%swap3A_170, %swap3A_171] {strides = array<i32>} : memref<16x128xf32, #tpu.memory_space<vmem>>, vector<1x16xf32>,
    %swap3A_173 = vector.shape_cast %swap3A_172 : vector<1x16xf32> to vector<16xf32>
    %swap3A_174 = vector.shape_cast %broadcast_in_dim3A_1 : vector<16xf32> to vector<1x16xf32>
    tpu.vector_store %arg11[%swap3A_170, %swap3A_171], %swap3A_174 {strides = array<i32>} : memref<16x128xf32, #tpu.memory_space<vmem>>, vector<1x16xf32>,
    %swap3A_175 = arith.constant 3 : i32
    %swap3A_176 = arith.index_cast %swap3A_175 : i32 to index
    %swap3A_177 = arith.constant 80 : index
    %swap3A_178 = tpu.vector_load %arg11[%swap3A_176, %swap3A_177] {strides = array<i32>} : memref<16x128xf32, #tpu.memory_space<vmem>>, vector<1x16xf32>,
    %swap3A_179 = vector.shape_cast %swap3A_178 : vector<1x16xf32> to vector<16xf32>
    %swap3A_180 = vector.shape_cast %broadcast_in_dim3A_1 : vector<16xf32> to vector<1x16xf32>
    tpu.vector_store %arg11[%swap3A_176, %swap3A_177], %swap3A_180 {strides = array<i32>} : memref<16x128xf32, #tpu.memory_space<vmem>>, vector<1x16xf32>,
    %swap3A_181 = arith.constant 3 : i32
    %swap3A_182 = arith.index_cast %swap3A_181 : i32 to index
    %swap3A_183 = arith.constant 96 : index
    %swap3A_184 = tpu.vector_load %arg11[%swap3A_182, %swap3A_183] {strides = array<i32>} : memref<16x128xf32, #tpu.memory_space<vmem>>, vector<1x16xf32>,
    %swap3A_185 = vector.shape_cast %swap3A_184 : vector<1x16xf32> to vector<16xf32>
    %swap3A_186 = vector.shape_cast %broadcast_in_dim3A_1 : vector<16xf32> to vector<1x16xf32>
    tpu.vector_store %arg11[%swap3A_182, %swap3A_183], %swap3A_186 {strides = array<i32>} : memref<16x128xf32, #tpu.memory_space<vmem>>, vector<1x16xf32>,
    %swap3A_187 = arith.constant 3 : i32
    %swap3A_188 = arith.index_cast %swap3A_187 : i32 to index
    %swap3A_189 = arith.constant 112 : index
    %swap3A_190 = tpu.vector_load %arg11[%swap3A_188, %swap3A_189] {strides = array<i32>} : memref<16x128xf32, #tpu.memory_space<vmem>>, vector<1x16xf32>,
    %swap3A_191 = vector.shape_cast %swap3A_190 : vector<1x16xf32> to vector<16xf32>
    %swap3A_192 = vector.shape_cast %broadcast_in_dim3A_1 : vector<16xf32> to vector<1x16xf32>
    tpu.vector_store %arg11[%swap3A_188, %swap3A_189], %swap3A_192 {strides = array<i32>} : memref<16x128xf32, #tpu.memory_space<vmem>>, vector<1x16xf32>,
    %swap3A_193 = arith.constant 4 : i32
    %swap3A_194 = arith.index_cast %swap3A_193 : i32 to index
    %swap3A_195 = arith.constant 0 : index
    %swap3A_196 = tpu.vector_load %arg11[%swap3A_194, %swap3A_195] {strides = array<i32>} : memref<16x128xf32, #tpu.memory_space<vmem>>, vector<1x16xf32>,
    %swap3A_197 = vector.shape_cast %swap3A_196 : vector<1x16xf32> to vector<16xf32>
    %swap3A_198 = vector.shape_cast %broadcast_in_dim3A_1 : vector<16xf32> to vector<1x16xf32>
    tpu.vector_store %arg11[%swap3A_194, %swap3A_195], %swap3A_198 {strides = array<i32>} : memref<16x128xf32, #tpu.memory_space<vmem>>, vector<1x16xf32>,
    %swap3A_199 = arith.constant 4 : i32
    %swap3A_200 = arith.index_cast %swap3A_199 : i32 to index
    %swap3A_201 = arith.constant 16 : index
    %swap3A_202 = tpu.vector_load %arg11[%swap3A_200, %swap3A_201] {strides = array<i32>} : memref<16x128xf32, #tpu.memory_space<vmem>>, vector<1x16xf32>,
    %swap3A_203 = vector.shape_cast %swap3A_202 : vector<1x16xf32> to vector<16xf32>
    %swap3A_204 = vector.shape_cast %broadcast_in_dim3A_1 : vector<16xf32> to vector<1x16xf32>
    tpu.vector_store %arg11[%swap3A_200, %swap3A_201], %swap3A_204 {strides = array<i32>} : memref<16x128xf32, #tpu.memory_space<vmem>>, vector<1x16xf32>,
    %swap3A_205 = arith.constant 4 : i32
    %swap3A_206 = arith.index_cast %swap3A_205 : i32 to index
    %swap3A_207 = arith.constant 32 : index
    %swap3A_208 = tpu.vector_load %arg11[%swap3A_206, %swap3A_207] {strides = array<i32>} : memref<16x128xf32, #tpu.memory_space<vmem>>, vector<1x16xf32>,
    %swap3A_209 = vector.shape_cast %swap3A_208 : vector<1x16xf32> to vector<16xf32>
    %swap3A_210 = vector.shape_cast %broadcast_in_dim3A_1 : vector<16xf32> to vector<1x16xf32>
    tpu.vector_store %arg11[%swap3A_206, %swap3A_207], %swap3A_210 {strides = array<i32>} : memref<16x128xf32, #tpu.memory_space<vmem>>, vector<1x16xf32>,
    %swap3A_211 = arith.constant 4 : i32
    %swap3A_212 = arith.index_cast %swap3A_211 : i32 to index
    %swap3A_213 = arith.constant 48 : index
    %swap3A_214 = tpu.vector_load %arg11[%swap3A_212, %swap3A_213] {strides = array<i32>} : memref<16x128xf32, #tpu.memory_space<vmem>>, vector<1x16xf32>,
    %swap3A_215 = vector.shape_cast %swap3A_214 : vector<1x16xf32> to vector<16xf32>
    %swap3A_216 = vector.shape_cast %broadcast_in_dim3A_1 : vector<16xf32> to vector<1x16xf32>
    tpu.vector_store %arg11[%swap3A_212, %swap3A_213], %swap3A_216 {strides = array<i32>} : memref<16x128xf32, #tpu.memory_space<vmem>>, vector<1x16xf32>,
    %swap3A_217 = arith.constant 4 : i32
    %swap3A_218 = arith.index_cast %swap3A_217 : i32 to index
    %swap3A_219 = arith.constant 64 : index
    %swap3A_220 = tpu.vector_load %arg11[%swap3A_218, %swap3A_219] {strides = array<i32>} : memref<16x128xf32, #tpu.memory_space<vmem>>, vector<1x16xf32>,
    %swap3A_221 = vector.shape_cast %swap3A_220 : vector<1x16xf32> to vector<16xf32>
    %swap3A_222 = vector.shape_cast %broadcast_in_dim3A_1 : vector<16xf32> to vector<1x16xf32>
    tpu.vector_store %arg11[%swap3A_218, %swap3A_219], %swap3A_222 {strides = array<i32>} : memref<16x128xf32, #tpu.memory_space<vmem>>, vector<1x16xf32>,
    %swap3A_223 = arith.constant 4 : i32
    %swap3A_224 = arith.index_cast %swap3A_223 : i32 to index
    %swap3A_225 = arith.constant 80 : index
    %swap3A_226 = tpu.vector_load %arg11[%swap3A_224, %swap3A_225] {strides = array<i32>} : memref<16x128xf32, #tpu.memory_space<vmem>>, vector<1x16xf32>,
    %swap3A_227 = vector.shape_cast %swap3A_226 : vector<1x16xf32> to vector<16xf32>
    %swap3A_228 = vector.shape_cast %broadcast_in_dim3A_1 : vector<16xf32> to vector<1x16xf32>
    tpu.vector_store %arg11[%swap3A_224, %swap3A_225], %swap3A_228 {strides = array<i32>} : memref<16x128xf32, #tpu.memory_space<vmem>>, vector<1x16xf32>,
    %swap3A_229 = arith.constant 4 : i32
    %swap3A_230 = arith.index_cast %swap3A_229 : i32 to index
    %swap3A_231 = arith.constant 96 : index
    %swap3A_232 = tpu.vector_load %arg11[%swap3A_230, %swap3A_231] {strides = array<i32>} : memref<16x128xf32, #tpu.memory_space<vmem>>, vector<1x16xf32>,
    %swap3A_233 = vector.shape_cast %swap3A_232 : vector<1x16xf32> to vector<16xf32>
    %swap3A_234 = vector.shape_cast %broadcast_in_dim3A_1 : vector<16xf32> to vector<1x16xf32>
    tpu.vector_store %arg11[%swap3A_230, %swap3A_231], %swap3A_234 {strides = array<i32>} : memref<16x128xf32, #tpu.memory_space<vmem>>, vector<1x16xf32>,
    %swap3A_235 = arith.constant 4 : i32
    %swap3A_236 = arith.index_cast %swap3A_235 : i32 to index
    %swap3A_237 = arith.constant 112 : index
    %swap3A_238 = tpu.vector_load %arg11[%swap3A_236, %swap3A_237] {strides = array<i32>} : memref<16x128xf32, #tpu.memory_space<vmem>>, vector<1x16xf32>,
    %swap3A_239 = vector.shape_cast %swap3A_238 : vector<1x16xf32> to vector<16xf32>
    %swap3A_240 = vector.shape_cast %broadcast_in_dim3A_1 : vector<16xf32> to vector<1x16xf32>
    tpu.vector_store %arg11[%swap3A_236, %swap3A_237], %swap3A_240 {strides = array<i32>} : memref<16x128xf32, #tpu.memory_space<vmem>>, vector<1x16xf32>,
    %swap3A_241 = arith.constant 5 : i32
    %swap3A_242 = arith.index_cast %swap3A_241 : i32 to index
    %swap3A_243 = arith.constant 0 : index
    %swap3A_244 = tpu.vector_load %arg11[%swap3A_242, %swap3A_243] {strides = array<i32>} : memref<16x128xf32, #tpu.memory_space<vmem>>, vector<1x16xf32>,
    %swap3A_245 = vector.shape_cast %swap3A_244 : vector<1x16xf32> to vector<16xf32>
    %swap3A_246 = vector.shape_cast %broadcast_in_dim3A_1 : vector<16xf32> to vector<1x16xf32>
    tpu.vector_store %arg11[%swap3A_242, %swap3A_243], %swap3A_246 {strides = array<i32>} : memref<16x128xf32, #tpu.memory_space<vmem>>, vector<1x16xf32>,
    %swap3A_247 = arith.constant 5 : i32
    %swap3A_248 = arith.index_cast %swap3A_247 : i32 to index
    %swap3A_249 = arith.constant 16 : index
    %swap3A_250 = tpu.vector_load %arg11[%swap3A_248, %swap3A_249] {strides = array<i32>} : memref<16x128xf32, #tpu.memory_space<vmem>>, vector<1x16xf32>,
    %swap3A_251 = vector.shape_cast %swap3A_250 : vector<1x16xf32> to vector<16xf32>
    %swap3A_252 = vector.shape_cast %broadcast_in_dim3A_1 : vector<16xf32> to vector<1x16xf32>
    tpu.vector_store %arg11[%swap3A_248, %swap3A_249], %swap3A_252 {strides = array<i32>} : memref<16x128xf32, #tpu.memory_space<vmem>>, vector<1x16xf32>,
    %swap3A_253 = arith.constant 5 : i32
    %swap3A_254 = arith.index_cast %swap3A_253 : i32 to index
    %swap3A_255 = arith.constant 32 : index
    %swap3A_256 = tpu.vector_load %arg11[%swap3A_254, %swap3A_255] {strides = array<i32>} : memref<16x128xf32, #tpu.memory_space<vmem>>, vector<1x16xf32>,
    %swap3A_257 = vector.shape_cast %swap3A_256 : vector<1x16xf32> to vector<16xf32>
    %swap3A_258 = vector.shape_cast %broadcast_in_dim3A_1 : vector<16xf32> to vector<1x16xf32>
    tpu.vector_store %arg11[%swap3A_254, %swap3A_255], %swap3A_258 {strides = array<i32>} : memref<16x128xf32, #tpu.memory_space<vmem>>, vector<1x16xf32>,
    %swap3A_259 = arith.constant 5 : i32
    %swap3A_260 = arith.index_cast %swap3A_259 : i32 to index
    %swap3A_261 = arith.constant 48 : index
    %swap3A_262 = tpu.vector_load %arg11[%swap3A_260, %swap3A_261] {strides = array<i32>} : memref<16x128xf32, #tpu.memory_space<vmem>>, vector<1x16xf32>,
    %swap3A_263 = vector.shape_cast %swap3A_262 : vector<1x16xf32> to vector<16xf32>
    %swap3A_264 = vector.shape_cast %broadcast_in_dim3A_1 : vector<16xf32> to vector<1x16xf32>
    tpu.vector_store %arg11[%swap3A_260, %swap3A_261], %swap3A_264 {strides = array<i32>} : memref<16x128xf32, #tpu.memory_space<vmem>>, vector<1x16xf32>,
    %swap3A_265 = arith.constant 5 : i32
    %swap3A_266 = arith.index_cast %swap3A_265 : i32 to index
    %swap3A_267 = arith.constant 64 : index
    %swap3A_268 = tpu.vector_load %arg11[%swap3A_266, %swap3A_267] {strides = array<i32>} : memref<16x128xf32, #tpu.memory_space<vmem>>, vector<1x16xf32>,
    %swap3A_269 = vector.shape_cast %swap3A_268 : vector<1x16xf32> to vector<16xf32>
    %swap3A_270 = vector.shape_cast %broadcast_in_dim3A_1 : vector<16xf32> to vector<1x16xf32>
    tpu.vector_store %arg11[%swap3A_266, %swap3A_267], %swap3A_270 {strides = array<i32>} : memref<16x128xf32, #tpu.memory_space<vmem>>, vector<1x16xf32>,
    %swap3A_271 = arith.constant 5 : i32
    %swap3A_272 = arith.index_cast %swap3A_271 : i32 to index
    %swap3A_273 = arith.constant 80 : index
    %swap3A_274 = tpu.vector_load %arg11[%swap3A_272, %swap3A_273] {strides = array<i32>} : memref<16x128xf32, #tpu.memory_space<vmem>>, vector<1x16xf32>,
    %swap3A_275 = vector.shape_cast %swap3A_274 : vector<1x16xf32> to vector<16xf32>
    %swap3A_276 = vector.shape_cast %broadcast_in_dim3A_1 : vector<16xf32> to vector<1x16xf32>
    tpu.vector_store %arg11[%swap3A_272, %swap3A_273], %swap3A_276 {strides = array<i32>} : memref<16x128xf32, #tpu.memory_space<vmem>>, vector<1x16xf32>,
    %swap3A_277 = arith.constant 5 : i32
    %swap3A_278 = arith.index_cast %swap3A_277 : i32 to index
    %swap3A_279 = arith.constant 96 : index
    %swap3A_280 = tpu.vector_load %arg11[%swap3A_278, %swap3A_279] {strides = array<i32>} : memref<16x128xf32, #tpu.memory_space<vmem>>, vector<1x16xf32>,
    %swap3A_281 = vector.shape_cast %swap3A_280 : vector<1x16xf32> to vector<16xf32>
    %swap3A_282 = vector.shape_cast %broadcast_in_dim3A_1 : vector<16xf32> to vector<1x16xf32>
    tpu.vector_store %arg11[%swap3A_278, %swap3A_279], %swap3A_282 {strides = array<i32>} : memref<16x128xf32, #tpu.memory_space<vmem>>, vector<1x16xf32>,
    %swap3A_283 = arith.constant 5 : i32
    %swap3A_284 = arith.index_cast %swap3A_283 : i32 to index
    %swap3A_285 = arith.constant 112 : index
    %swap3A_286 = tpu.vector_load %arg11[%swap3A_284, %swap3A_285] {strides = array<i32>} : memref<16x128xf32, #tpu.memory_space<vmem>>, vector<1x16xf32>,
    %swap3A_287 = vector.shape_cast %swap3A_286 : vector<1x16xf32> to vector<16xf32>
    %swap3A_288 = vector.shape_cast %broadcast_in_dim3A_1 : vector<16xf32> to vector<1x16xf32>
    tpu.vector_store %arg11[%swap3A_284, %swap3A_285], %swap3A_288 {strides = array<i32>} : memref<16x128xf32, #tpu.memory_space<vmem>>, vector<1x16xf32>,
    %swap3A_289 = arith.constant 6 : i32
    %swap3A_290 = arith.index_cast %swap3A_289 : i32 to index
    %swap3A_291 = arith.constant 0 : index
    %swap3A_292 = tpu.vector_load %arg11[%swap3A_290, %swap3A_291] {strides = array<i32>} : memref<16x128xf32, #tpu.memory_space<vmem>>, vector<1x16xf32>,
    %swap3A_293 = vector.shape_cast %swap3A_292 : vector<1x16xf32> to vector<16xf32>
    %swap3A_294 = vector.shape_cast %broadcast_in_dim3A_1 : vector<16xf32> to vector<1x16xf32>
    tpu.vector_store %arg11[%swap3A_290, %swap3A_291], %swap3A_294 {strides = array<i32>} : memref<16x128xf32, #tpu.memory_space<vmem>>, vector<1x16xf32>,
    %swap3A_295 = arith.constant 6 : i32
    %swap3A_296 = arith.index_cast %swap3A_295 : i32 to index
    %swap3A_297 = arith.constant 16 : index
    %swap3A_298 = tpu.vector_load %arg11[%swap3A_296, %swap3A_297] {strides = array<i32>} : memref<16x128xf32, #tpu.memory_space<vmem>>, vector<1x16xf32>,
    %swap3A_299 = vector.shape_cast %swap3A_298 : vector<1x16xf32> to vector<16xf32>
    %swap3A_300 = vector.shape_cast %broadcast_in_dim3A_1 : vector<16xf32> to vector<1x16xf32>
    tpu.vector_store %arg11[%swap3A_296, %swap3A_297], %swap3A_300 {strides = array<i32>} : memref<16x128xf32, #tpu.memory_space<vmem>>, vector<1x16xf32>,
    %swap3A_301 = arith.constant 6 : i32
    %swap3A_302 = arith.index_cast %swap3A_301 : i32 to index
    %swap3A_303 = arith.constant 32 : index
    %swap3A_304 = tpu.vector_load %arg11[%swap3A_302, %swap3A_303] {strides = array<i32>} : memref<16x128xf32, #tpu.memory_space<vmem>>, vector<1x16xf32>,
    %swap3A_305 = vector.shape_cast %swap3A_304 : vector<1x16xf32> to vector<16xf32>
    %swap3A_306 = vector.shape_cast %broadcast_in_dim3A_1 : vector<16xf32> to vector<1x16xf32>
    tpu.vector_store %arg11[%swap3A_302, %swap3A_303], %swap3A_306 {strides = array<i32>} : memref<16x128xf32, #tpu.memory_space<vmem>>, vector<1x16xf32>,
    %swap3A_307 = arith.constant 6 : i32
    %swap3A_308 = arith.index_cast %swap3A_307 : i32 to index
    %swap3A_309 = arith.constant 48 : index
    %swap3A_310 = tpu.vector_load %arg11[%swap3A_308, %swap3A_309] {strides = array<i32>} : memref<16x128xf32, #tpu.memory_space<vmem>>, vector<1x16xf32>,
    %swap3A_311 = vector.shape_cast %swap3A_310 : vector<1x16xf32> to vector<16xf32>
    %swap3A_312 = vector.shape_cast %broadcast_in_dim3A_1 : vector<16xf32> to vector<1x16xf32>
    tpu.vector_store %arg11[%swap3A_308, %swap3A_309], %swap3A_312 {strides = array<i32>} : memref<16x128xf32, #tpu.memory_space<vmem>>, vector<1x16xf32>,
    %swap3A_313 = arith.constant 6 : i32
    %swap3A_314 = arith.index_cast %swap3A_313 : i32 to index
    %swap3A_315 = arith.constant 64 : index
    %swap3A_316 = tpu.vector_load %arg11[%swap3A_314, %swap3A_315] {strides = array<i32>} : memref<16x128xf32, #tpu.memory_space<vmem>>, vector<1x16xf32>,
    %swap3A_317 = vector.shape_cast %swap3A_316 : vector<1x16xf32> to vector<16xf32>
    %swap3A_318 = vector.shape_cast %broadcast_in_dim3A_1 : vector<16xf32> to vector<1x16xf32>
    tpu.vector_store %arg11[%swap3A_314, %swap3A_315], %swap3A_318 {strides = array<i32>} : memref<16x128xf32, #tpu.memory_space<vmem>>, vector<1x16xf32>,
    %swap3A_319 = arith.constant 6 : i32
    %swap3A_320 = arith.index_cast %swap3A_319 : i32 to index
    %swap3A_321 = arith.constant 80 : index
    %swap3A_322 = tpu.vector_load %arg11[%swap3A_320, %swap3A_321] {strides = array<i32>} : memref<16x128xf32, #tpu.memory_space<vmem>>, vector<1x16xf32>,
    %swap3A_323 = vector.shape_cast %swap3A_322 : vector<1x16xf32> to vector<16xf32>
    %swap3A_324 = vector.shape_cast %broadcast_in_dim3A_1 : vector<16xf32> to vector<1x16xf32>
    tpu.vector_store %arg11[%swap3A_320, %swap3A_321], %swap3A_324 {strides = array<i32>} : memref<16x128xf32, #tpu.memory_space<vmem>>, vector<1x16xf32>,
    %swap3A_325 = arith.constant 6 : i32
    %swap3A_326 = arith.index_cast %swap3A_325 : i32 to index
    %swap3A_327 = arith.constant 96 : index
    %swap3A_328 = tpu.vector_load %arg11[%swap3A_326, %swap3A_327] {strides = array<i32>} : memref<16x128xf32, #tpu.memory_space<vmem>>, vector<1x16xf32>,
    %swap3A_329 = vector.shape_cast %swap3A_328 : vector<1x16xf32> to vector<16xf32>
    %swap3A_330 = vector.shape_cast %broadcast_in_dim3A_1 : vector<16xf32> to vector<1x16xf32>
    tpu.vector_store %arg11[%swap3A_326, %swap3A_327], %swap3A_330 {strides = array<i32>} : memref<16x128xf32, #tpu.memory_space<vmem>>, vector<1x16xf32>,
    %swap3A_331 = arith.constant 6 : i32
    %swap3A_332 = arith.index_cast %swap3A_331 : i32 to index
    %swap3A_333 = arith.constant 112 : index
    %swap3A_334 = tpu.vector_load %arg11[%swap3A_332, %swap3A_333] {strides = array<i32>} : memref<16x128xf32, #tpu.memory_space<vmem>>, vector<1x16xf32>,
    %swap3A_335 = vector.shape_cast %swap3A_334 : vector<1x16xf32> to vector<16xf32>
    %swap3A_336 = vector.shape_cast %broadcast_in_dim3A_1 : vector<16xf32> to vector<1x16xf32>
    tpu.vector_store %arg11[%swap3A_332, %swap3A_333], %swap3A_336 {strides = array<i32>} : memref<16x128xf32, #tpu.memory_space<vmem>>, vector<1x16xf32>,
    %swap3A_337 = arith.constant 7 : i32
    %swap3A_338 = arith.index_cast %swap3A_337 : i32 to index
    %swap3A_339 = arith.constant 0 : index
    %swap3A_340 = tpu.vector_load %arg11[%swap3A_338, %swap3A_339] {strides = array<i32>} : memref<16x128xf32, #tpu.memory_space<vmem>>, vector<1x16xf32>,
    %swap3A_341 = vector.shape_cast %swap3A_340 : vector<1x16xf32> to vector<16xf32>
    %swap3A_342 = vector.shape_cast %broadcast_in_dim3A_1 : vector<16xf32> to vector<1x16xf32>
    tpu.vector_store %arg11[%swap3A_338, %swap3A_339], %swap3A_342 {strides = array<i32>} : memref<16x128xf32, #tpu.memory_space<vmem>>, vector<1x16xf32>,
    %swap3A_343 = arith.constant 7 : i32
    %swap3A_344 = arith.index_cast %swap3A_343 : i32 to index
    %swap3A_345 = arith.constant 16 : index
    %swap3A_346 = tpu.vector_load %arg11[%swap3A_344, %swap3A_345] {strides = array<i32>} : memref<16x128xf32, #tpu.memory_space<vmem>>, vector<1x16xf32>,
    %swap3A_347 = vector.shape_cast %swap3A_346 : vector<1x16xf32> to vector<16xf32>
    %swap3A_348 = vector.shape_cast %broadcast_in_dim3A_1 : vector<16xf32> to vector<1x16xf32>
    tpu.vector_store %arg11[%swap3A_344, %swap3A_345], %swap3A_348 {strides = array<i32>} : memref<16x128xf32, #tpu.memory_space<vmem>>, vector<1x16xf32>,
    %swap3A_349 = arith.constant 7 : i32
    %swap3A_350 = arith.index_cast %swap3A_349 : i32 to index
    %swap3A_351 = arith.constant 32 : index
    %swap3A_352 = tpu.vector_load %arg11[%swap3A_350, %swap3A_351] {strides = array<i32>} : memref<16x128xf32, #tpu.memory_space<vmem>>, vector<1x16xf32>,
    %swap3A_353 = vector.shape_cast %swap3A_352 : vector<1x16xf32> to vector<16xf32>
    %swap3A_354 = vector.shape_cast %broadcast_in_dim3A_1 : vector<16xf32> to vector<1x16xf32>
    tpu.vector_store %arg11[%swap3A_350, %swap3A_351], %swap3A_354 {strides = array<i32>} : memref<16x128xf32, #tpu.memory_space<vmem>>, vector<1x16xf32>,
    %swap3A_355 = arith.constant 7 : i32
    %swap3A_356 = arith.index_cast %swap3A_355 : i32 to index
    %swap3A_357 = arith.constant 48 : index
    %swap3A_358 = tpu.vector_load %arg11[%swap3A_356, %swap3A_357] {strides = array<i32>} : memref<16x128xf32, #tpu.memory_space<vmem>>, vector<1x16xf32>,
    %swap3A_359 = vector.shape_cast %swap3A_358 : vector<1x16xf32> to vector<16xf32>
    %swap3A_360 = vector.shape_cast %broadcast_in_dim3A_1 : vector<16xf32> to vector<1x16xf32>
    tpu.vector_store %arg11[%swap3A_356, %swap3A_357], %swap3A_360 {strides = array<i32>} : memref<16x128xf32, #tpu.memory_space<vmem>>, vector<1x16xf32>,
    %swap3A_361 = arith.constant 7 : i32
    %swap3A_362 = arith.index_cast %swap3A_361 : i32 to index
    %swap3A_363 = arith.constant 64 : index
    %swap3A_364 = tpu.vector_load %arg11[%swap3A_362, %swap3A_363] {strides = array<i32>} : memref<16x128xf32, #tpu.memory_space<vmem>>, vector<1x16xf32>,
    %swap3A_365 = vector.shape_cast %swap3A_364 : vector<1x16xf32> to vector<16xf32>
    %swap3A_366 = vector.shape_cast %broadcast_in_dim3A_1 : vector<16xf32> to vector<1x16xf32>
    tpu.vector_store %arg11[%swap3A_362, %swap3A_363], %swap3A_366 {strides = array<i32>} : memref<16x128xf32, #tpu.memory_space<vmem>>, vector<1x16xf32>,
    %swap3A_367 = arith.constant 7 : i32
    %swap3A_368 = arith.index_cast %swap3A_367 : i32 to index
    %swap3A_369 = arith.constant 80 : index
    %swap3A_370 = tpu.vector_load %arg11[%swap3A_368, %swap3A_369] {strides = array<i32>} : memref<16x128xf32, #tpu.memory_space<vmem>>, vector<1x16xf32>,
    %swap3A_371 = vector.shape_cast %swap3A_370 : vector<1x16xf32> to vector<16xf32>
    %swap3A_372 = vector.shape_cast %broadcast_in_dim3A_1 : vector<16xf32> to vector<1x16xf32>
    tpu.vector_store %arg11[%swap3A_368, %swap3A_369], %swap3A_372 {strides = array<i32>} : memref<16x128xf32, #tpu.memory_space<vmem>>, vector<1x16xf32>,
    %swap3A_373 = arith.constant 7 : i32
    %swap3A_374 = arith.index_cast %swap3A_373 : i32 to index
    %swap3A_375 = arith.constant 96 : index
    %swap3A_376 = tpu.vector_load %arg11[%swap3A_374, %swap3A_375] {strides = array<i32>} : memref<16x128xf32, #tpu.memory_space<vmem>>, vector<1x16xf32>,
    %swap3A_377 = vector.shape_cast %swap3A_376 : vector<1x16xf32> to vector<16xf32>
    %swap3A_378 = vector.shape_cast %broadcast_in_dim3A_1 : vector<16xf32> to vector<1x16xf32>
    tpu.vector_store %arg11[%swap3A_374, %swap3A_375], %swap3A_378 {strides = array<i32>} : memref<16x128xf32, #tpu.memory_space<vmem>>, vector<1x16xf32>,
    %swap3A_379 = arith.constant 7 : i32
    %swap3A_380 = arith.index_cast %swap3A_379 : i32 to index
    %swap3A_381 = arith.constant 112 : index
    %swap3A_382 = tpu.vector_load %arg11[%swap3A_380, %swap3A_381] {strides = array<i32>} : memref<16x128xf32, #tpu.memory_space<vmem>>, vector<1x16xf32>,
    %swap3A_383 = vector.shape_cast %swap3A_382 : vector<1x16xf32> to vector<16xf32>
    %swap3A_384 = vector.shape_cast %broadcast_in_dim3A_1 : vector<16xf32> to vector<1x16xf32>
    tpu.vector_store %arg11[%swap3A_380, %swap3A_381], %swap3A_384 {strides = array<i32>} : memref<16x128xf32, #tpu.memory_space<vmem>>, vector<1x16xf32>,
    %swap3A_385 = arith.constant 8 : i32
    %swap3A_386 = arith.index_cast %swap3A_385 : i32 to index
    %swap3A_387 = arith.constant 0 : index
    %swap3A_388 = tpu.vector_load %arg11[%swap3A_386, %swap3A_387] {strides = array<i32>} : memref<16x128xf32, #tpu.memory_space<vmem>>, vector<1x16xf32>,
    %swap3A_389 = vector.shape_cast %swap3A_388 : vector<1x16xf32> to vector<16xf32>
    %swap3A_390 = vector.shape_cast %broadcast_in_dim3A_1 : vector<16xf32> to vector<1x16xf32>
    tpu.vector_store %arg11[%swap3A_386, %swap3A_387], %swap3A_390 {strides = array<i32>} : memref<16x128xf32, #tpu.memory_space<vmem>>, vector<1x16xf32>,
    %swap3A_391 = arith.constant 8 : i32
    %swap3A_392 = arith.index_cast %swap3A_391 : i32 to index
    %swap3A_393 = arith.constant 16 : index
    %swap3A_394 = tpu.vector_load %arg11[%swap3A_392, %swap3A_393] {strides = array<i32>} : memref<16x128xf32, #tpu.memory_space<vmem>>, vector<1x16xf32>,
    %swap3A_395 = vector.shape_cast %swap3A_394 : vector<1x16xf32> to vector<16xf32>
    %swap3A_396 = vector.shape_cast %broadcast_in_dim3A_1 : vector<16xf32> to vector<1x16xf32>
    tpu.vector_store %arg11[%swap3A_392, %swap3A_393], %swap3A_396 {strides = array<i32>} : memref<16x128xf32, #tpu.memory_space<vmem>>, vector<1x16xf32>,
    %swap3A_397 = arith.constant 8 : i32
    %swap3A_398 = arith.index_cast %swap3A_397 : i32 to index
    %swap3A_399 = arith.constant 32 : index
    %swap3A_400 = tpu.vector_load %arg11[%swap3A_398, %swap3A_399] {strides = array<i32>} : memref<16x128xf32, #tpu.memory_space<vmem>>, vector<1x16xf32>,
    %swap3A_401 = vector.shape_cast %swap3A_400 : vector<1x16xf32> to vector<16xf32>
    %swap3A_402 = vector.shape_cast %broadcast_in_dim3A_1 : vector<16xf32> to vector<1x16xf32>
    tpu.vector_store %arg11[%swap3A_398, %swap3A_399], %swap3A_402 {strides = array<i32>} : memref<16x128xf32, #tpu.memory_space<vmem>>, vector<1x16xf32>,
    %swap3A_403 = arith.constant 8 : i32
    %swap3A_404 = arith.index_cast %swap3A_403 : i32 to index
    %swap3A_405 = arith.constant 48 : index
    %swap3A_406 = tpu.vector_load %arg11[%swap3A_404, %swap3A_405] {strides = array<i32>} : memref<16x128xf32, #tpu.memory_space<vmem>>, vector<1x16xf32>,
    %swap3A_407 = vector.shape_cast %swap3A_406 : vector<1x16xf32> to vector<16xf32>
    %swap3A_408 = vector.shape_cast %broadcast_in_dim3A_1 : vector<16xf32> to vector<1x16xf32>
    tpu.vector_store %arg11[%swap3A_404, %swap3A_405], %swap3A_408 {strides = array<i32>} : memref<16x128xf32, #tpu.memory_space<vmem>>, vector<1x16xf32>,
    %swap3A_409 = arith.constant 8 : i32
    %swap3A_410 = arith.index_cast %swap3A_409 : i32 to index
    %swap3A_411 = arith.constant 64 : index
    %swap3A_412 = tpu.vector_load %arg11[%swap3A_410, %swap3A_411] {strides = array<i32>} : memref<16x128xf32, #tpu.memory_space<vmem>>, vector<1x16xf32>,
    %swap3A_413 = vector.shape_cast %swap3A_412 : vector<1x16xf32> to vector<16xf32>
    %swap3A_414 = vector.shape_cast %broadcast_in_dim3A_1 : vector<16xf32> to vector<1x16xf32>
    tpu.vector_store %arg11[%swap3A_410, %swap3A_411], %swap3A_414 {strides = array<i32>} : memref<16x128xf32, #tpu.memory_space<vmem>>, vector<1x16xf32>,
    %swap3A_415 = arith.constant 8 : i32
    %swap3A_416 = arith.index_cast %swap3A_415 : i32 to index
    %swap3A_417 = arith.constant 80 : index
    %swap3A_418 = tpu.vector_load %arg11[%swap3A_416, %swap3A_417] {strides = array<i32>} : memref<16x128xf32, #tpu.memory_space<vmem>>, vector<1x16xf32>,
    %swap3A_419 = vector.shape_cast %swap3A_418 : vector<1x16xf32> to vector<16xf32>
    %swap3A_420 = vector.shape_cast %broadcast_in_dim3A_1 : vector<16xf32> to vector<1x16xf32>
    tpu.vector_store %arg11[%swap3A_416, %swap3A_417], %swap3A_420 {strides = array<i32>} : memref<16x128xf32, #tpu.memory_space<vmem>>, vector<1x16xf32>,
    %swap3A_421 = arith.constant 8 : i32
    %swap3A_422 = arith.index_cast %swap3A_421 : i32 to index
    %swap3A_423 = arith.constant 96 : index
    %swap3A_424 = tpu.vector_load %arg11[%swap3A_422, %swap3A_423] {strides = array<i32>} : memref<16x128xf32, #tpu.memory_space<vmem>>, vector<1x16xf32>,
    %swap3A_425 = vector.shape_cast %swap3A_424 : vector<1x16xf32> to vector<16xf32>
    %swap3A_426 = vector.shape_cast %broadcast_in_dim3A_1 : vector<16xf32> to vector<1x16xf32>
    tpu.vector_store %arg11[%swap3A_422, %swap3A_423], %swap3A_426 {strides = array<i32>} : memref<16x128xf32, #tpu.memory_space<vmem>>, vector<1x16xf32>,
    %swap3A_427 = arith.constant 8 : i32
    %swap3A_428 = arith.index_cast %swap3A_427 : i32 to index
    %swap3A_429 = arith.constant 112 : index
    %swap3A_430 = tpu.vector_load %arg11[%swap3A_428, %swap3A_429] {strides = array<i32>} : memref<16x128xf32, #tpu.memory_space<vmem>>, vector<1x16xf32>,
    %swap3A_431 = vector.shape_cast %swap3A_430 : vector<1x16xf32> to vector<16xf32>
    %swap3A_432 = vector.shape_cast %broadcast_in_dim3A_1 : vector<16xf32> to vector<1x16xf32>
    tpu.vector_store %arg11[%swap3A_428, %swap3A_429], %swap3A_432 {strides = array<i32>} : memref<16x128xf32, #tpu.memory_space<vmem>>, vector<1x16xf32>,
    %swap3A_433 = arith.constant 9 : i32
    %swap3A_434 = arith.index_cast %swap3A_433 : i32 to index
    %swap3A_435 = arith.constant 0 : index
    %swap3A_436 = tpu.vector_load %arg11[%swap3A_434, %swap3A_435] {strides = array<i32>} : memref<16x128xf32, #tpu.memory_space<vmem>>, vector<1x16xf32>,
    %swap3A_437 = vector.shape_cast %swap3A_436 : vector<1x16xf32> to vector<16xf32>
    %swap3A_438 = vector.shape_cast %broadcast_in_dim3A_1 : vector<16xf32> to vector<1x16xf32>
    tpu.vector_store %arg11[%swap3A_434, %swap3A_435], %swap3A_438 {strides = array<i32>} : memref<16x128xf32, #tpu.memory_space<vmem>>, vector<1x16xf32>,
    %swap3A_439 = arith.constant 9 : i32
    %swap3A_440 = arith.index_cast %swap3A_439 : i32 to index
    %swap3A_441 = arith.constant 16 : index
    %swap3A_442 = tpu.vector_load %arg11[%swap3A_440, %swap3A_441] {strides = array<i32>} : memref<16x128xf32, #tpu.memory_space<vmem>>, vector<1x16xf32>,
    %swap3A_443 = vector.shape_cast %swap3A_442 : vector<1x16xf32> to vector<16xf32>
    %swap3A_444 = vector.shape_cast %broadcast_in_dim3A_1 : vector<16xf32> to vector<1x16xf32>
    tpu.vector_store %arg11[%swap3A_440, %swap3A_441], %swap3A_444 {strides = array<i32>} : memref<16x128xf32, #tpu.memory_space<vmem>>, vector<1x16xf32>,
    %swap3A_445 = arith.constant 9 : i32
    %swap3A_446 = arith.index_cast %swap3A_445 : i32 to index
    %swap3A_447 = arith.constant 32 : index
    %swap3A_448 = tpu.vector_load %arg11[%swap3A_446, %swap3A_447] {strides = array<i32>} : memref<16x128xf32, #tpu.memory_space<vmem>>, vector<1x16xf32>,
    %swap3A_449 = vector.shape_cast %swap3A_448 : vector<1x16xf32> to vector<16xf32>
    %swap3A_450 = vector.shape_cast %broadcast_in_dim3A_1 : vector<16xf32> to vector<1x16xf32>
    tpu.vector_store %arg11[%swap3A_446, %swap3A_447], %swap3A_450 {strides = array<i32>} : memref<16x128xf32, #tpu.memory_space<vmem>>, vector<1x16xf32>,
    %swap3A_451 = arith.constant 9 : i32
    %swap3A_452 = arith.index_cast %swap3A_451 : i32 to index
    %swap3A_453 = arith.constant 48 : index
    %swap3A_454 = tpu.vector_load %arg11[%swap3A_452, %swap3A_453] {strides = array<i32>} : memref<16x128xf32, #tpu.memory_space<vmem>>, vector<1x16xf32>,
    %swap3A_455 = vector.shape_cast %swap3A_454 : vector<1x16xf32> to vector<16xf32>
    %swap3A_456 = vector.shape_cast %broadcast_in_dim3A_1 : vector<16xf32> to vector<1x16xf32>
    tpu.vector_store %arg11[%swap3A_452, %swap3A_453], %swap3A_456 {strides = array<i32>} : memref<16x128xf32, #tpu.memory_space<vmem>>, vector<1x16xf32>,
    %swap3A_457 = arith.constant 9 : i32
    %swap3A_458 = arith.index_cast %swap3A_457 : i32 to index
    %swap3A_459 = arith.constant 64 : index
    %swap3A_460 = tpu.vector_load %arg11[%swap3A_458, %swap3A_459] {strides = array<i32>} : memref<16x128xf32, #tpu.memory_space<vmem>>, vector<1x16xf32>,
    %swap3A_461 = vector.shape_cast %swap3A_460 : vector<1x16xf32> to vector<16xf32>
    %swap3A_462 = vector.shape_cast %broadcast_in_dim3A_1 : vector<16xf32> to vector<1x16xf32>
    tpu.vector_store %arg11[%swap3A_458, %swap3A_459], %swap3A_462 {strides = array<i32>} : memref<16x128xf32, #tpu.memory_space<vmem>>, vector<1x16xf32>,
    %swap3A_463 = arith.constant 9 : i32
    %swap3A_464 = arith.index_cast %swap3A_463 : i32 to index
    %swap3A_465 = arith.constant 80 : index
    %swap3A_466 = tpu.vector_load %arg11[%swap3A_464, %swap3A_465] {strides = array<i32>} : memref<16x128xf32, #tpu.memory_space<vmem>>, vector<1x16xf32>,
    %swap3A_467 = vector.shape_cast %swap3A_466 : vector<1x16xf32> to vector<16xf32>
    %swap3A_468 = vector.shape_cast %broadcast_in_dim3A_1 : vector<16xf32> to vector<1x16xf32>
    tpu.vector_store %arg11[%swap3A_464, %swap3A_465], %swap3A_468 {strides = array<i32>} : memref<16x128xf32, #tpu.memory_space<vmem>>, vector<1x16xf32>,
    %swap3A_469 = arith.constant 9 : i32
    %swap3A_470 = arith.index_cast %swap3A_469 : i32 to index
    %swap3A_471 = arith.constant 96 : index
    %swap3A_472 = tpu.vector_load %arg11[%swap3A_470, %swap3A_471] {strides = array<i32>} : memref<16x128xf32, #tpu.memory_space<vmem>>, vector<1x16xf32>,
    %swap3A_473 = vector.shape_cast %swap3A_472 : vector<1x16xf32> to vector<16xf32>
    %swap3A_474 = vector.shape_cast %broadcast_in_dim3A_1 : vector<16xf32> to vector<1x16xf32>
    tpu.vector_store %arg11[%swap3A_470, %swap3A_471], %swap3A_474 {strides = array<i32>} : memref<16x128xf32, #tpu.memory_space<vmem>>, vector<1x16xf32>,
    %swap3A_475 = arith.constant 9 : i32
    %swap3A_476 = arith.index_cast %swap3A_475 : i32 to index
    %swap3A_477 = arith.constant 112 : index
    %swap3A_478 = tpu.vector_load %arg11[%swap3A_476, %swap3A_477] {strides = array<i32>} : memref<16x128xf32, #tpu.memory_space<vmem>>, vector<1x16xf32>,
    %swap3A_479 = vector.shape_cast %swap3A_478 : vector<1x16xf32> to vector<16xf32>
    %swap3A_480 = vector.shape_cast %broadcast_in_dim3A_1 : vector<16xf32> to vector<1x16xf32>
    tpu.vector_store %arg11[%swap3A_476, %swap3A_477], %swap3A_480 {strides = array<i32>} : memref<16x128xf32, #tpu.memory_space<vmem>>, vector<1x16xf32>,
    %swap3A_481 = arith.constant 10 : i32
    %swap3A_482 = arith.index_cast %swap3A_481 : i32 to index
    %swap3A_483 = arith.constant 0 : index
    %swap3A_484 = tpu.vector_load %arg11[%swap3A_482, %swap3A_483] {strides = array<i32>} : memref<16x128xf32, #tpu.memory_space<vmem>>, vector<1x16xf32>,
    %swap3A_485 = vector.shape_cast %swap3A_484 : vector<1x16xf32> to vector<16xf32>
    %swap3A_486 = vector.shape_cast %broadcast_in_dim3A_1 : vector<16xf32> to vector<1x16xf32>
    tpu.vector_store %arg11[%swap3A_482, %swap3A_483], %swap3A_486 {strides = array<i32>} : memref<16x128xf32, #tpu.memory_space<vmem>>, vector<1x16xf32>,
    %swap3A_487 = arith.constant 10 : i32
    %swap3A_488 = arith.index_cast %swap3A_487 : i32 to index
    %swap3A_489 = arith.constant 16 : index
    %swap3A_490 = tpu.vector_load %arg11[%swap3A_488, %swap3A_489] {strides = array<i32>} : memref<16x128xf32, #tpu.memory_space<vmem>>, vector<1x16xf32>,
    %swap3A_491 = vector.shape_cast %swap3A_490 : vector<1x16xf32> to vector<16xf32>
    %swap3A_492 = vector.shape_cast %broadcast_in_dim3A_1 : vector<16xf32> to vector<1x16xf32>
    tpu.vector_store %arg11[%swap3A_488, %swap3A_489], %swap3A_492 {strides = array<i32>} : memref<16x128xf32, #tpu.memory_space<vmem>>, vector<1x16xf32>,
    %swap3A_493 = arith.constant 10 : i32
    %swap3A_494 = arith.index_cast %swap3A_493 : i32 to index
    %swap3A_495 = arith.constant 32 : index
    %swap3A_496 = tpu.vector_load %arg11[%swap3A_494, %swap3A_495] {strides = array<i32>} : memref<16x128xf32, #tpu.memory_space<vmem>>, vector<1x16xf32>,
    %swap3A_497 = vector.shape_cast %swap3A_496 : vector<1x16xf32> to vector<16xf32>
    %swap3A_498 = vector.shape_cast %broadcast_in_dim3A_1 : vector<16xf32> to vector<1x16xf32>
    tpu.vector_store %arg11[%swap3A_494, %swap3A_495], %swap3A_498 {strides = array<i32>} : memref<16x128xf32, #tpu.memory_space<vmem>>, vector<1x16xf32>,
    %swap3A_499 = arith.constant 10 : i32
    %swap3A_500 = arith.index_cast %swap3A_499 : i32 to index
    %swap3A_501 = arith.constant 48 : index
    %swap3A_502 = tpu.vector_load %arg11[%swap3A_500, %swap3A_501] {strides = array<i32>} : memref<16x128xf32, #tpu.memory_space<vmem>>, vector<1x16xf32>,
    %swap3A_503 = vector.shape_cast %swap3A_502 : vector<1x16xf32> to vector<16xf32>
    %swap3A_504 = vector.shape_cast %broadcast_in_dim3A_1 : vector<16xf32> to vector<1x16xf32>
    tpu.vector_store %arg11[%swap3A_500, %swap3A_501], %swap3A_504 {strides = array<i32>} : memref<16x128xf32, #tpu.memory_space<vmem>>, vector<1x16xf32>,
    %swap3A_505 = arith.constant 10 : i32
    %swap3A_506 = arith.index_cast %swap3A_505 : i32 to index
    %swap3A_507 = arith.constant 64 : index
    %swap3A_508 = tpu.vector_load %arg11[%swap3A_506, %swap3A_507] {strides = array<i32>} : memref<16x128xf32, #tpu.memory_space<vmem>>, vector<1x16xf32>,
    %swap3A_509 = vector.shape_cast %swap3A_508 : vector<1x16xf32> to vector<16xf32>
    %swap3A_510 = vector.shape_cast %broadcast_in_dim3A_1 : vector<16xf32> to vector<1x16xf32>
    tpu.vector_store %arg11[%swap3A_506, %swap3A_507], %swap3A_510 {strides = array<i32>} : memref<16x128xf32, #tpu.memory_space<vmem>>, vector<1x16xf32>,
    %swap3A_511 = arith.constant 10 : i32
    %swap3A_512 = arith.index_cast %swap3A_511 : i32 to index
    %swap3A_513 = arith.constant 80 : index
    %swap3A_514 = tpu.vector_load %arg11[%swap3A_512, %swap3A_513] {strides = array<i32>} : memref<16x128xf32, #tpu.memory_space<vmem>>, vector<1x16xf32>,
    %swap3A_515 = vector.shape_cast %swap3A_514 : vector<1x16xf32> to vector<16xf32>
    %swap3A_516 = vector.shape_cast %broadcast_in_dim3A_1 : vector<16xf32> to vector<1x16xf32>
    tpu.vector_store %arg11[%swap3A_512, %swap3A_513], %swap3A_516 {strides = array<i32>} : memref<16x128xf32, #tpu.memory_space<vmem>>, vector<1x16xf32>,
    %swap3A_517 = arith.constant 10 : i32
    %swap3A_518 = arith.index_cast %swap3A_517 : i32 to index
    %swap3A_519 = arith.constant 96 : index
    %swap3A_520 = tpu.vector_load %arg11[%swap3A_518, %swap3A_519] {strides = array<i32>} : memref<16x128xf32, #tpu.memory_space<vmem>>, vector<1x16xf32>,
    %swap3A_521 = vector.shape_cast %swap3A_520 : vector<1x16xf32> to vector<16xf32>
    %swap3A_522 = vector.shape_cast %broadcast_in_dim3A_1 : vector<16xf32> to vector<1x16xf32>
    tpu.vector_store %arg11[%swap3A_518, %swap3A_519], %swap3A_522 {strides = array<i32>} : memref<16x128xf32, #tpu.memory_space<vmem>>, vector<1x16xf32>,
    %swap3A_523 = arith.constant 10 : i32
    %swap3A_524 = arith.index_cast %swap3A_523 : i32 to index
    %swap3A_525 = arith.constant 112 : index
    %swap3A_526 = tpu.vector_load %arg11[%swap3A_524, %swap3A_525] {strides = array<i32>} : memref<16x128xf32, #tpu.memory_space<vmem>>, vector<1x16xf32>,
    %swap3A_527 = vector.shape_cast %swap3A_526 : vector<1x16xf32> to vector<16xf32>
    %swap3A_528 = vector.shape_cast %broadcast_in_dim3A_1 : vector<16xf32> to vector<1x16xf32>
    tpu.vector_store %arg11[%swap3A_524, %swap3A_525], %swap3A_528 {strides = array<i32>} : memref<16x128xf32, #tpu.memory_space<vmem>>, vector<1x16xf32>,
    %swap3A_529 = arith.constant 11 : i32
    %swap3A_530 = arith.index_cast %swap3A_529 : i32 to index
    %swap3A_531 = arith.constant 0 : index
    %swap3A_532 = tpu.vector_load %arg11[%swap3A_530, %swap3A_531] {strides = array<i32>} : memref<16x128xf32, #tpu.memory_space<vmem>>, vector<1x16xf32>,
    %swap3A_533 = vector.shape_cast %swap3A_532 : vector<1x16xf32> to vector<16xf32>
    %swap3A_534 = vector.shape_cast %broadcast_in_dim3A_1 : vector<16xf32> to vector<1x16xf32>
    tpu.vector_store %arg11[%swap3A_530, %swap3A_531], %swap3A_534 {strides = array<i32>} : memref<16x128xf32, #tpu.memory_space<vmem>>, vector<1x16xf32>,
    %swap3A_535 = arith.constant 11 : i32
    %swap3A_536 = arith.index_cast %swap3A_535 : i32 to index
    %swap3A_537 = arith.constant 16 : index
    %swap3A_538 = tpu.vector_load %arg11[%swap3A_536, %swap3A_537] {strides = array<i32>} : memref<16x128xf32, #tpu.memory_space<vmem>>, vector<1x16xf32>,
    %swap3A_539 = vector.shape_cast %swap3A_538 : vector<1x16xf32> to vector<16xf32>
    %swap3A_540 = vector.shape_cast %broadcast_in_dim3A_1 : vector<16xf32> to vector<1x16xf32>
    tpu.vector_store %arg11[%swap3A_536, %swap3A_537], %swap3A_540 {strides = array<i32>} : memref<16x128xf32, #tpu.memory_space<vmem>>, vector<1x16xf32>,
    %swap3A_541 = arith.constant 11 : i32
    %swap3A_542 = arith.index_cast %swap3A_541 : i32 to index
    %swap3A_543 = arith.constant 32 : index
    %swap3A_544 = tpu.vector_load %arg11[%swap3A_542, %swap3A_543] {strides = array<i32>} : memref<16x128xf32, #tpu.memory_space<vmem>>, vector<1x16xf32>,
    %swap3A_545 = vector.shape_cast %swap3A_544 : vector<1x16xf32> to vector<16xf32>
    %swap3A_546 = vector.shape_cast %broadcast_in_dim3A_1 : vector<16xf32> to vector<1x16xf32>
    tpu.vector_store %arg11[%swap3A_542, %swap3A_543], %swap3A_546 {strides = array<i32>} : memref<16x128xf32, #tpu.memory_space<vmem>>, vector<1x16xf32>,
    %swap3A_547 = arith.constant 11 : i32
    %swap3A_548 = arith.index_cast %swap3A_547 : i32 to index
    %swap3A_549 = arith.constant 48 : index
    %swap3A_550 = tpu.vector_load %arg11[%swap3A_548, %swap3A_549] {strides = array<i32>} : memref<16x128xf32, #tpu.memory_space<vmem>>, vector<1x16xf32>,
    %swap3A_551 = vector.shape_cast %swap3A_550 : vector<1x16xf32> to vector<16xf32>
    %swap3A_552 = vector.shape_cast %broadcast_in_dim3A_1 : vector<16xf32> to vector<1x16xf32>
    tpu.vector_store %arg11[%swap3A_548, %swap3A_549], %swap3A_552 {strides = array<i32>} : memref<16x128xf32, #tpu.memory_space<vmem>>, vector<1x16xf32>,
    %swap3A_553 = arith.constant 11 : i32
    %swap3A_554 = arith.index_cast %swap3A_553 : i32 to index
    %swap3A_555 = arith.constant 64 : index
    %swap3A_556 = tpu.vector_load %arg11[%swap3A_554, %swap3A_555] {strides = array<i32>} : memref<16x128xf32, #tpu.memory_space<vmem>>, vector<1x16xf32>,
    %swap3A_557 = vector.shape_cast %swap3A_556 : vector<1x16xf32> to vector<16xf32>
    %swap3A_558 = vector.shape_cast %broadcast_in_dim3A_1 : vector<16xf32> to vector<1x16xf32>
    tpu.vector_store %arg11[%swap3A_554, %swap3A_555], %swap3A_558 {strides = array<i32>} : memref<16x128xf32, #tpu.memory_space<vmem>>, vector<1x16xf32>,
    %swap3A_559 = arith.constant 11 : i32
    %swap3A_560 = arith.index_cast %swap3A_559 : i32 to index
    %swap3A_561 = arith.constant 80 : index
    %swap3A_562 = tpu.vector_load %arg11[%swap3A_560, %swap3A_561] {strides = array<i32>} : memref<16x128xf32, #tpu.memory_space<vmem>>, vector<1x16xf32>,
    %swap3A_563 = vector.shape_cast %swap3A_562 : vector<1x16xf32> to vector<16xf32>
    %swap3A_564 = vector.shape_cast %broadcast_in_dim3A_1 : vector<16xf32> to vector<1x16xf32>
    tpu.vector_store %arg11[%swap3A_560, %swap3A_561], %swap3A_564 {strides = array<i32>} : memref<16x128xf32, #tpu.memory_space<vmem>>, vector<1x16xf32>,
    %swap3A_565 = arith.constant 11 : i32
    %swap3A_566 = arith.index_cast %swap3A_565 : i32 to index
    %swap3A_567 = arith.constant 96 : index
    %swap3A_568 = tpu.vector_load %arg11[%swap3A_566, %swap3A_567] {strides = array<i32>} : memref<16x128xf32, #tpu.memory_space<vmem>>, vector<1x16xf32>,
    %swap3A_569 = vector.shape_cast %swap3A_568 : vector<1x16xf32> to vector<16xf32>
    %swap3A_570 = vector.shape_cast %broadcast_in_dim3A_1 : vector<16xf32> to vector<1x16xf32>
    tpu.vector_store %arg11[%swap3A_566, %swap3A_567], %swap3A_570 {strides = array<i32>} : memref<16x128xf32, #tpu.memory_space<vmem>>, vector<1x16xf32>,
    %swap3A_571 = arith.constant 11 : i32
    %swap3A_572 = arith.index_cast %swap3A_571 : i32 to index
    %swap3A_573 = arith.constant 112 : index
    %swap3A_574 = tpu.vector_load %arg11[%swap3A_572, %swap3A_573] {strides = array<i32>} : memref<16x128xf32, #tpu.memory_space<vmem>>, vector<1x16xf32>,
    %swap3A_575 = vector.shape_cast %swap3A_574 : vector<1x16xf32> to vector<16xf32>
    %swap3A_576 = vector.shape_cast %broadcast_in_dim3A_1 : vector<16xf32> to vector<1x16xf32>
    tpu.vector_store %arg11[%swap3A_572, %swap3A_573], %swap3A_576 {strides = array<i32>} : memref<16x128xf32, #tpu.memory_space<vmem>>, vector<1x16xf32>,
    %swap3A_577 = arith.constant 12 : i32
    %swap3A_578 = arith.index_cast %swap3A_577 : i32 to index
    %swap3A_579 = arith.constant 0 : index
    %swap3A_580 = tpu.vector_load %arg11[%swap3A_578, %swap3A_579] {strides = array<i32>} : memref<16x128xf32, #tpu.memory_space<vmem>>, vector<1x16xf32>,
    %swap3A_581 = vector.shape_cast %swap3A_580 : vector<1x16xf32> to vector<16xf32>
    %swap3A_582 = vector.shape_cast %broadcast_in_dim3A_1 : vector<16xf32> to vector<1x16xf32>
    tpu.vector_store %arg11[%swap3A_578, %swap3A_579], %swap3A_582 {strides = array<i32>} : memref<16x128xf32, #tpu.memory_space<vmem>>, vector<1x16xf32>,
    %swap3A_583 = arith.constant 12 : i32
    %swap3A_584 = arith.index_cast %swap3A_583 : i32 to index
    %swap3A_585 = arith.constant 16 : index
    %swap3A_586 = tpu.vector_load %arg11[%swap3A_584, %swap3A_585] {strides = array<i32>} : memref<16x128xf32, #tpu.memory_space<vmem>>, vector<1x16xf32>,
    %swap3A_587 = vector.shape_cast %swap3A_586 : vector<1x16xf32> to vector<16xf32>
    %swap3A_588 = vector.shape_cast %broadcast_in_dim3A_1 : vector<16xf32> to vector<1x16xf32>
    tpu.vector_store %arg11[%swap3A_584, %swap3A_585], %swap3A_588 {strides = array<i32>} : memref<16x128xf32, #tpu.memory_space<vmem>>, vector<1x16xf32>,
    %swap3A_589 = arith.constant 12 : i32
    %swap3A_590 = arith.index_cast %swap3A_589 : i32 to index
    %swap3A_591 = arith.constant 32 : index
    %swap3A_592 = tpu.vector_load %arg11[%swap3A_590, %swap3A_591] {strides = array<i32>} : memref<16x128xf32, #tpu.memory_space<vmem>>, vector<1x16xf32>,
    %swap3A_593 = vector.shape_cast %swap3A_592 : vector<1x16xf32> to vector<16xf32>
    %swap3A_594 = vector.shape_cast %broadcast_in_dim3A_1 : vector<16xf32> to vector<1x16xf32>
    tpu.vector_store %arg11[%swap3A_590, %swap3A_591], %swap3A_594 {strides = array<i32>} : memref<16x128xf32, #tpu.memory_space<vmem>>, vector<1x16xf32>,
    %swap3A_595 = arith.constant 12 : i32
    %swap3A_596 = arith.index_cast %swap3A_595 : i32 to index
    %swap3A_597 = arith.constant 48 : index
    %swap3A_598 = tpu.vector_load %arg11[%swap3A_596, %swap3A_597] {strides = array<i32>} : memref<16x128xf32, #tpu.memory_space<vmem>>, vector<1x16xf32>,
    %swap3A_599 = vector.shape_cast %swap3A_598 : vector<1x16xf32> to vector<16xf32>
    %swap3A_600 = vector.shape_cast %broadcast_in_dim3A_1 : vector<16xf32> to vector<1x16xf32>
    tpu.vector_store %arg11[%swap3A_596, %swap3A_597], %swap3A_600 {strides = array<i32>} : memref<16x128xf32, #tpu.memory_space<vmem>>, vector<1x16xf32>,
    %swap3A_601 = arith.constant 12 : i32
    %swap3A_602 = arith.index_cast %swap3A_601 : i32 to index
    %swap3A_603 = arith.constant 64 : index
    %swap3A_604 = tpu.vector_load %arg11[%swap3A_602, %swap3A_603] {strides = array<i32>} : memref<16x128xf32, #tpu.memory_space<vmem>>, vector<1x16xf32>,
    %swap3A_605 = vector.shape_cast %swap3A_604 : vector<1x16xf32> to vector<16xf32>
    %swap3A_606 = vector.shape_cast %broadcast_in_dim3A_1 : vector<16xf32> to vector<1x16xf32>
    tpu.vector_store %arg11[%swap3A_602, %swap3A_603], %swap3A_606 {strides = array<i32>} : memref<16x128xf32, #tpu.memory_space<vmem>>, vector<1x16xf32>,
    %swap3A_607 = arith.constant 12 : i32
    %swap3A_608 = arith.index_cast %swap3A_607 : i32 to index
    %swap3A_609 = arith.constant 80 : index
    %swap3A_610 = tpu.vector_load %arg11[%swap3A_608, %swap3A_609] {strides = array<i32>} : memref<16x128xf32, #tpu.memory_space<vmem>>, vector<1x16xf32>,
    %swap3A_611 = vector.shape_cast %swap3A_610 : vector<1x16xf32> to vector<16xf32>
    %swap3A_612 = vector.shape_cast %broadcast_in_dim3A_1 : vector<16xf32> to vector<1x16xf32>
    tpu.vector_store %arg11[%swap3A_608, %swap3A_609], %swap3A_612 {strides = array<i32>} : memref<16x128xf32, #tpu.memory_space<vmem>>, vector<1x16xf32>,
    %swap3A_613 = arith.constant 12 : i32
    %swap3A_614 = arith.index_cast %swap3A_613 : i32 to index
    %swap3A_615 = arith.constant 96 : index
    %swap3A_616 = tpu.vector_load %arg11[%swap3A_614, %swap3A_615] {strides = array<i32>} : memref<16x128xf32, #tpu.memory_space<vmem>>, vector<1x16xf32>,
    %swap3A_617 = vector.shape_cast %swap3A_616 : vector<1x16xf32> to vector<16xf32>
    %swap3A_618 = vector.shape_cast %broadcast_in_dim3A_1 : vector<16xf32> to vector<1x16xf32>
    tpu.vector_store %arg11[%swap3A_614, %swap3A_615], %swap3A_618 {strides = array<i32>} : memref<16x128xf32, #tpu.memory_space<vmem>>, vector<1x16xf32>,
    %swap3A_619 = arith.constant 12 : i32
    %swap3A_620 = arith.index_cast %swap3A_619 : i32 to index
    %swap3A_621 = arith.constant 112 : index
    %swap3A_622 = tpu.vector_load %arg11[%swap3A_620, %swap3A_621] {strides = array<i32>} : memref<16x128xf32, #tpu.memory_space<vmem>>, vector<1x16xf32>,
    %swap3A_623 = vector.shape_cast %swap3A_622 : vector<1x16xf32> to vector<16xf32>
    %swap3A_624 = vector.shape_cast %broadcast_in_dim3A_1 : vector<16xf32> to vector<1x16xf32>
    tpu.vector_store %arg11[%swap3A_620, %swap3A_621], %swap3A_624 {strides = array<i32>} : memref<16x128xf32, #tpu.memory_space<vmem>>, vector<1x16xf32>,
    %swap3A_625 = arith.constant 13 : i32
    %swap3A_626 = arith.index_cast %swap3A_625 : i32 to index
    %swap3A_627 = arith.constant 0 : index
    %swap3A_628 = tpu.vector_load %arg11[%swap3A_626, %swap3A_627] {strides = array<i32>} : memref<16x128xf32, #tpu.memory_space<vmem>>, vector<1x16xf32>,
    %swap3A_629 = vector.shape_cast %swap3A_628 : vector<1x16xf32> to vector<16xf32>
    %swap3A_630 = vector.shape_cast %broadcast_in_dim3A_1 : vector<16xf32> to vector<1x16xf32>
    tpu.vector_store %arg11[%swap3A_626, %swap3A_627], %swap3A_630 {strides = array<i32>} : memref<16x128xf32, #tpu.memory_space<vmem>>, vector<1x16xf32>,
    %swap3A_631 = arith.constant 13 : i32
    %swap3A_632 = arith.index_cast %swap3A_631 : i32 to index
    %swap3A_633 = arith.constant 16 : index
    %swap3A_634 = tpu.vector_load %arg11[%swap3A_632, %swap3A_633] {strides = array<i32>} : memref<16x128xf32, #tpu.memory_space<vmem>>, vector<1x16xf32>,
    %swap3A_635 = vector.shape_cast %swap3A_634 : vector<1x16xf32> to vector<16xf32>
    %swap3A_636 = vector.shape_cast %broadcast_in_dim3A_1 : vector<16xf32> to vector<1x16xf32>
    tpu.vector_store %arg11[%swap3A_632, %swap3A_633], %swap3A_636 {strides = array<i32>} : memref<16x128xf32, #tpu.memory_space<vmem>>, vector<1x16xf32>,
    %swap3A_637 = arith.constant 13 : i32
    %swap3A_638 = arith.index_cast %swap3A_637 : i32 to index
    %swap3A_639 = arith.constant 32 : index
    %swap3A_640 = tpu.vector_load %arg11[%swap3A_638, %swap3A_639] {strides = array<i32>} : memref<16x128xf32, #tpu.memory_space<vmem>>, vector<1x16xf32>,
    %swap3A_641 = vector.shape_cast %swap3A_640 : vector<1x16xf32> to vector<16xf32>
    %swap3A_642 = vector.shape_cast %broadcast_in_dim3A_1 : vector<16xf32> to vector<1x16xf32>
    tpu.vector_store %arg11[%swap3A_638, %swap3A_639], %swap3A_642 {strides = array<i32>} : memref<16x128xf32, #tpu.memory_space<vmem>>, vector<1x16xf32>,
    %swap3A_643 = arith.constant 13 : i32
    %swap3A_644 = arith.index_cast %swap3A_643 : i32 to index
    %swap3A_645 = arith.constant 48 : index
    %swap3A_646 = tpu.vector_load %arg11[%swap3A_644, %swap3A_645] {strides = array<i32>} : memref<16x128xf32, #tpu.memory_space<vmem>>, vector<1x16xf32>,
    %swap3A_647 = vector.shape_cast %swap3A_646 : vector<1x16xf32> to vector<16xf32>
    %swap3A_648 = vector.shape_cast %broadcast_in_dim3A_1 : vector<16xf32> to vector<1x16xf32>
    tpu.vector_store %arg11[%swap3A_644, %swap3A_645], %swap3A_648 {strides = array<i32>} : memref<16x128xf32, #tpu.memory_space<vmem>>, vector<1x16xf32>,
    %swap3A_649 = arith.constant 13 : i32
    %swap3A_650 = arith.index_cast %swap3A_649 : i32 to index
    %swap3A_651 = arith.constant 64 : index
    %swap3A_652 = tpu.vector_load %arg11[%swap3A_650, %swap3A_651] {strides = array<i32>} : memref<16x128xf32, #tpu.memory_space<vmem>>, vector<1x16xf32>,
    %swap3A_653 = vector.shape_cast %swap3A_652 : vector<1x16xf32> to vector<16xf32>
    %swap3A_654 = vector.shape_cast %broadcast_in_dim3A_1 : vector<16xf32> to vector<1x16xf32>
    tpu.vector_store %arg11[%swap3A_650, %swap3A_651], %swap3A_654 {strides = array<i32>} : memref<16x128xf32, #tpu.memory_space<vmem>>, vector<1x16xf32>,
    %swap3A_655 = arith.constant 13 : i32
    %swap3A_656 = arith.index_cast %swap3A_655 : i32 to index
    %swap3A_657 = arith.constant 80 : index
    %swap3A_658 = tpu.vector_load %arg11[%swap3A_656, %swap3A_657] {strides = array<i32>} : memref<16x128xf32, #tpu.memory_space<vmem>>, vector<1x16xf32>,
    %swap3A_659 = vector.shape_cast %swap3A_658 : vector<1x16xf32> to vector<16xf32>
    %swap3A_660 = vector.shape_cast %broadcast_in_dim3A_1 : vector<16xf32> to vector<1x16xf32>
    tpu.vector_store %arg11[%swap3A_656, %swap3A_657], %swap3A_660 {strides = array<i32>} : memref<16x128xf32, #tpu.memory_space<vmem>>, vector<1x16xf32>,
    %swap3A_661 = arith.constant 13 : i32
    %swap3A_662 = arith.index_cast %swap3A_661 : i32 to index
    %swap3A_663 = arith.constant 96 : index
    %swap3A_664 = tpu.vector_load %arg11[%swap3A_662, %swap3A_663] {strides = array<i32>} : memref<16x128xf32, #tpu.memory_space<vmem>>, vector<1x16xf32>,
    %swap3A_665 = vector.shape_cast %swap3A_664 : vector<1x16xf32> to vector<16xf32>
    %swap3A_666 = vector.shape_cast %broadcast_in_dim3A_1 : vector<16xf32> to vector<1x16xf32>
    tpu.vector_store %arg11[%swap3A_662, %swap3A_663], %swap3A_666 {strides = array<i32>} : memref<16x128xf32, #tpu.memory_space<vmem>>, vector<1x16xf32>,
    %swap3A_667 = arith.constant 13 : i32
    %swap3A_668 = arith.index_cast %swap3A_667 : i32 to index
    %swap3A_669 = arith.constant 112 : index
    %swap3A_670 = tpu.vector_load %arg11[%swap3A_668, %swap3A_669] {strides = array<i32>} : memref<16x128xf32, #tpu.memory_space<vmem>>, vector<1x16xf32>,
    %swap3A_671 = vector.shape_cast %swap3A_670 : vector<1x16xf32> to vector<16xf32>
    %swap3A_672 = vector.shape_cast %broadcast_in_dim3A_1 : vector<16xf32> to vector<1x16xf32>
    tpu.vector_store %arg11[%swap3A_668, %swap3A_669], %swap3A_672 {strides = array<i32>} : memref<16x128xf32, #tpu.memory_space<vmem>>, vector<1x16xf32>,
    %swap3A_673 = arith.constant 14 : i32
    %swap3A_674 = arith.index_cast %swap3A_673 : i32 to index
    %swap3A_675 = arith.constant 0 : index
    %swap3A_676 = tpu.vector_load %arg11[%swap3A_674, %swap3A_675] {strides = array<i32>} : memref<16x128xf32, #tpu.memory_space<vmem>>, vector<1x16xf32>,
    %swap3A_677 = vector.shape_cast %swap3A_676 : vector<1x16xf32> to vector<16xf32>
    %swap3A_678 = vector.shape_cast %broadcast_in_dim3A_1 : vector<16xf32> to vector<1x16xf32>
    tpu.vector_store %arg11[%swap3A_674, %swap3A_675], %swap3A_678 {strides = array<i32>} : memref<16x128xf32, #tpu.memory_space<vmem>>, vector<1x16xf32>,
    %swap3A_679 = arith.constant 14 : i32
    %swap3A_680 = arith.index_cast %swap3A_679 : i32 to index
    %swap3A_681 = arith.constant 16 : index
    %swap3A_682 = tpu.vector_load %arg11[%swap3A_680, %swap3A_681] {strides = array<i32>} : memref<16x128xf32, #tpu.memory_space<vmem>>, vector<1x16xf32>,
    %swap3A_683 = vector.shape_cast %swap3A_682 : vector<1x16xf32> to vector<16xf32>
    %swap3A_684 = vector.shape_cast %broadcast_in_dim3A_1 : vector<16xf32> to vector<1x16xf32>
    tpu.vector_store %arg11[%swap3A_680, %swap3A_681], %swap3A_684 {strides = array<i32>} : memref<16x128xf32, #tpu.memory_space<vmem>>, vector<1x16xf32>,
    %swap3A_685 = arith.constant 14 : i32
    %swap3A_686 = arith.index_cast %swap3A_685 : i32 to index
    %swap3A_687 = arith.constant 32 : index
    %swap3A_688 = tpu.vector_load %arg11[%swap3A_686, %swap3A_687] {strides = array<i32>} : memref<16x128xf32, #tpu.memory_space<vmem>>, vector<1x16xf32>,
    %swap3A_689 = vector.shape_cast %swap3A_688 : vector<1x16xf32> to vector<16xf32>
    %swap3A_690 = vector.shape_cast %broadcast_in_dim3A_1 : vector<16xf32> to vector<1x16xf32>
    tpu.vector_store %arg11[%swap3A_686, %swap3A_687], %swap3A_690 {strides = array<i32>} : memref<16x128xf32, #tpu.memory_space<vmem>>, vector<1x16xf32>,
    %swap3A_691 = arith.constant 14 : i32
    %swap3A_692 = arith.index_cast %swap3A_691 : i32 to index
    %swap3A_693 = arith.constant 48 : index
    %swap3A_694 = tpu.vector_load %arg11[%swap3A_692, %swap3A_693] {strides = array<i32>} : memref<16x128xf32, #tpu.memory_space<vmem>>, vector<1x16xf32>,
    %swap3A_695 = vector.shape_cast %swap3A_694 : vector<1x16xf32> to vector<16xf32>
    %swap3A_696 = vector.shape_cast %broadcast_in_dim3A_1 : vector<16xf32> to vector<1x16xf32>
    tpu.vector_store %arg11[%swap3A_692, %swap3A_693], %swap3A_696 {strides = array<i32>} : memref<16x128xf32, #tpu.memory_space<vmem>>, vector<1x16xf32>,
    %swap3A_697 = arith.constant 14 : i32
    %swap3A_698 = arith.index_cast %swap3A_697 : i32 to index
    %swap3A_699 = arith.constant 64 : index
    %swap3A_700 = tpu.vector_load %arg11[%swap3A_698, %swap3A_699] {strides = array<i32>} : memref<16x128xf32, #tpu.memory_space<vmem>>, vector<1x16xf32>,
    %swap3A_701 = vector.shape_cast %swap3A_700 : vector<1x16xf32> to vector<16xf32>
    %swap3A_702 = vector.shape_cast %broadcast_in_dim3A_1 : vector<16xf32> to vector<1x16xf32>
    tpu.vector_store %arg11[%swap3A_698, %swap3A_699], %swap3A_702 {strides = array<i32>} : memref<16x128xf32, #tpu.memory_space<vmem>>, vector<1x16xf32>,
    %swap3A_703 = arith.constant 14 : i32
    %swap3A_704 = arith.index_cast %swap3A_703 : i32 to index
    %swap3A_705 = arith.constant 80 : index
    %swap3A_706 = tpu.vector_load %arg11[%swap3A_704, %swap3A_705] {strides = array<i32>} : memref<16x128xf32, #tpu.memory_space<vmem>>, vector<1x16xf32>,
    %swap3A_707 = vector.shape_cast %swap3A_706 : vector<1x16xf32> to vector<16xf32>
    %swap3A_708 = vector.shape_cast %broadcast_in_dim3A_1 : vector<16xf32> to vector<1x16xf32>
    tpu.vector_store %arg11[%swap3A_704, %swap3A_705], %swap3A_708 {strides = array<i32>} : memref<16x128xf32, #tpu.memory_space<vmem>>, vector<1x16xf32>,
    %swap3A_709 = arith.constant 14 : i32
    %swap3A_710 = arith.index_cast %swap3A_709 : i32 to index
    %swap3A_711 = arith.constant 96 : index
    %swap3A_712 = tpu.vector_load %arg11[%swap3A_710, %swap3A_711] {strides = array<i32>} : memref<16x128xf32, #tpu.memory_space<vmem>>, vector<1x16xf32>,
    %swap3A_713 = vector.shape_cast %swap3A_712 : vector<1x16xf32> to vector<16xf32>
    %swap3A_714 = vector.shape_cast %broadcast_in_dim3A_1 : vector<16xf32> to vector<1x16xf32>
    tpu.vector_store %arg11[%swap3A_710, %swap3A_711], %swap3A_714 {strides = array<i32>} : memref<16x128xf32, #tpu.memory_space<vmem>>, vector<1x16xf32>,
    %swap3A_715 = arith.constant 14 : i32
    %swap3A_716 = arith.index_cast %swap3A_715 : i32 to index
    %swap3A_717 = arith.constant 112 : index
    %swap3A_718 = tpu.vector_load %arg11[%swap3A_716, %swap3A_717] {strides = array<i32>} : memref<16x128xf32, #tpu.memory_space<vmem>>, vector<1x16xf32>,
    %swap3A_719 = vector.shape_cast %swap3A_718 : vector<1x16xf32> to vector<16xf32>
    %swap3A_720 = vector.shape_cast %broadcast_in_dim3A_1 : vector<16xf32> to vector<1x16xf32>
    tpu.vector_store %arg11[%swap3A_716, %swap3A_717], %swap3A_720 {strides = array<i32>} : memref<16x128xf32, #tpu.memory_space<vmem>>, vector<1x16xf32>,
    %swap3A_721 = arith.constant 15 : i32
    %swap3A_722 = arith.index_cast %swap3A_721 : i32 to index
    %swap3A_723 = arith.constant 0 : index
    %swap3A_724 = tpu.vector_load %arg11[%swap3A_722, %swap3A_723] {strides = array<i32>} : memref<16x128xf32, #tpu.memory_space<vmem>>, vector<1x16xf32>,
    %swap3A_725 = vector.shape_cast %swap3A_724 : vector<1x16xf32> to vector<16xf32>
    %swap3A_726 = vector.shape_cast %broadcast_in_dim3A_1 : vector<16xf32> to vector<1x16xf32>
    tpu.vector_store %arg11[%swap3A_722, %swap3A_723], %swap3A_726 {strides = array<i32>} : memref<16x128xf32, #tpu.memory_space<vmem>>, vector<1x16xf32>,
    %swap3A_727 = arith.constant 15 : i32
    %swap3A_728 = arith.index_cast %swap3A_727 : i32 to index
    %swap3A_729 = arith.constant 16 : index
    %swap3A_730 = tpu.vector_load %arg11[%swap3A_728, %swap3A_729] {strides = array<i32>} : memref<16x128xf32, #tpu.memory_space<vmem>>, vector<1x16xf32>,
    %swap3A_731 = vector.shape_cast %swap3A_730 : vector<1x16xf32> to vector<16xf32>
    %swap3A_732 = vector.shape_cast %broadcast_in_dim3A_1 : vector<16xf32> to vector<1x16xf32>
    tpu.vector_store %arg11[%swap3A_728, %swap3A_729], %swap3A_732 {strides = array<i32>} : memref<16x128xf32, #tpu.memory_space<vmem>>, vector<1x16xf32>,
    %swap3A_733 = arith.constant 15 : i32
    %swap3A_734 = arith.index_cast %swap3A_733 : i32 to index
    %swap3A_735 = arith.constant 32 : index
    %swap3A_736 = tpu.vector_load %arg11[%swap3A_734, %swap3A_735] {strides = array<i32>} : memref<16x128xf32, #tpu.memory_space<vmem>>, vector<1x16xf32>,
    %swap3A_737 = vector.shape_cast %swap3A_736 : vector<1x16xf32> to vector<16xf32>
    %swap3A_738 = vector.shape_cast %broadcast_in_dim3A_1 : vector<16xf32> to vector<1x16xf32>
    tpu.vector_store %arg11[%swap3A_734, %swap3A_735], %swap3A_738 {strides = array<i32>} : memref<16x128xf32, #tpu.memory_space<vmem>>, vector<1x16xf32>,
    %swap3A_739 = arith.constant 15 : i32
    %swap3A_740 = arith.index_cast %swap3A_739 : i32 to index
    %swap3A_741 = arith.constant 48 : index
    %swap3A_742 = tpu.vector_load %arg11[%swap3A_740, %swap3A_741] {strides = array<i32>} : memref<16x128xf32, #tpu.memory_space<vmem>>, vector<1x16xf32>,
    %swap3A_743 = vector.shape_cast %swap3A_742 : vector<1x16xf32> to vector<16xf32>
    %swap3A_744 = vector.shape_cast %broadcast_in_dim3A_1 : vector<16xf32> to vector<1x16xf32>
    tpu.vector_store %arg11[%swap3A_740, %swap3A_741], %swap3A_744 {strides = array<i32>} : memref<16x128xf32, #tpu.memory_space<vmem>>, vector<1x16xf32>,
    %swap3A_745 = arith.constant 15 : i32
    %swap3A_746 = arith.index_cast %swap3A_745 : i32 to index
    %swap3A_747 = arith.constant 64 : index
    %swap3A_748 = tpu.vector_load %arg11[%swap3A_746, %swap3A_747] {strides = array<i32>} : memref<16x128xf32, #tpu.memory_space<vmem>>, vector<1x16xf32>,
    %swap3A_749 = vector.shape_cast %swap3A_748 : vector<1x16xf32> to vector<16xf32>
    %swap3A_750 = vector.shape_cast %broadcast_in_dim3A_1 : vector<16xf32> to vector<1x16xf32>
    tpu.vector_store %arg11[%swap3A_746, %swap3A_747], %swap3A_750 {strides = array<i32>} : memref<16x128xf32, #tpu.memory_space<vmem>>, vector<1x16xf32>,
    %swap3A_751 = arith.constant 15 : i32
    %swap3A_752 = arith.index_cast %swap3A_751 : i32 to index
    %swap3A_753 = arith.constant 80 : index
    %swap3A_754 = tpu.vector_load %arg11[%swap3A_752, %swap3A_753] {strides = array<i32>} : memref<16x128xf32, #tpu.memory_space<vmem>>, vector<1x16xf32>,
    %swap3A_755 = vector.shape_cast %swap3A_754 : vector<1x16xf32> to vector<16xf32>
    %swap3A_756 = vector.shape_cast %broadcast_in_dim3A_1 : vector<16xf32> to vector<1x16xf32>
    tpu.vector_store %arg11[%swap3A_752, %swap3A_753], %swap3A_756 {strides = array<i32>} : memref<16x128xf32, #tpu.memory_space<vmem>>, vector<1x16xf32>,
    %swap3A_757 = arith.constant 15 : i32
    %swap3A_758 = arith.index_cast %swap3A_757 : i32 to index
    %swap3A_759 = arith.constant 96 : index
    %swap3A_760 = tpu.vector_load %arg11[%swap3A_758, %swap3A_759] {strides = array<i32>} : memref<16x128xf32, #tpu.memory_space<vmem>>, vector<1x16xf32>,
    %swap3A_761 = vector.shape_cast %swap3A_760 : vector<1x16xf32> to vector<16xf32>
    %swap3A_762 = vector.shape_cast %broadcast_in_dim3A_1 : vector<16xf32> to vector<1x16xf32>
    tpu.vector_store %arg11[%swap3A_758, %swap3A_759], %swap3A_762 {strides = array<i32>} : memref<16x128xf32, #tpu.memory_space<vmem>>, vector<1x16xf32>,
    %swap3A_763 = arith.constant 15 : i32
    %swap3A_764 = arith.index_cast %swap3A_763 : i32 to index
    %swap3A_765 = arith.constant 112 : index
    %swap3A_766 = tpu.vector_load %arg11[%swap3A_764, %swap3A_765] {strides = array<i32>} : memref<16x128xf32, #tpu.memory_space<vmem>>, vector<1x16xf32>,
    %swap3A_767 = vector.shape_cast %swap3A_766 : vector<1x16xf32> to vector<16xf32>
    %swap3A_768 = vector.shape_cast %broadcast_in_dim3A_1 : vector<16xf32> to vector<1x16xf32>
    tpu.vector_store %arg11[%swap3A_764, %swap3A_765], %swap3A_768 {strides = array<i32>} : memref<16x128xf32, #tpu.memory_space<vmem>>, vector<1x16xf32>,
    %swap3A_769 = arith.constant 0 : index
    %swap3A_770 = tpu.vector_load %arg12[%swap3A_769] {strides = array<i32>} : memref<16xf32, #tpu.memory_space<vmem>>, vector<16xf32>,
    %swap3A_771 = vector.shape_cast %swap3A_770 : vector<16xf32> to vector<16xf32>
    %swap3A_772 = vector.shape_cast %broadcast_in_dim3A_1 : vector<16xf32> to vector<16xf32>
    tpu.vector_store %arg12[%swap3A_769], %swap3A_772 {strides = array<i32>} : memref<16xf32, #tpu.memory_space<vmem>>, vector<16xf32>,
    %broadcast_in_dim3A_773 = arith.constant 1.000000e+00 : f32
    %broadcast_in_dim3A_774 = vector.broadcast %broadcast_in_dim3A_773 : f32 to vector<16xf32>
    %swap3A_775 = arith.constant 0 : index
    %swap3A_776 = tpu.vector_load %arg10[%swap3A_775] {strides = array<i32>} : memref<208xf32, #tpu.memory_space<vmem>>, vector<16xf32>,
    %swap3A_777 = vector.shape_cast %swap3A_776 : vector<16xf32> to vector<16xf32>
    %swap3A_778 = vector.shape_cast %broadcast_in_dim3A_774 : vector<16xf32> to vector<16xf32>
    tpu.vector_store %arg10[%swap3A_775], %swap3A_778 {strides = array<i32>} : memref<208xf32, #tpu.memory_space<vmem>>, vector<16xf32>,
    %broadcast_in_dim3A_779 = arith.constant 1.000000e+00 : f32
    %broadcast_in_dim3A_780 = vector.broadcast %broadcast_in_dim3A_779 : f32 to vector<16xf32>
    %swap3A_781 = arith.constant 16 : index
    %swap3A_782 = tpu.vector_load %arg10[%swap3A_781] {strides = array<i32>} : memref<208xf32, #tpu.memory_space<vmem>>, vector<16xf32>,
    %swap3A_783 = vector.shape_cast %swap3A_782 : vector<16xf32> to vector<16xf32>
    %swap3A_784 = vector.shape_cast %broadcast_in_dim3A_780 : vector<16xf32> to vector<16xf32>
    tpu.vector_store %arg10[%swap3A_781], %swap3A_784 {strides = array<i32>} : memref<208xf32, #tpu.memory_space<vmem>>, vector<16xf32>,
    %broadcast_in_dim3A_785 = arith.constant 1.000000e+00 : f32
    %broadcast_in_dim3A_786 = vector.broadcast %broadcast_in_dim3A_785 : f32 to vector<16xf32>
    %swap3A_787 = arith.constant 32 : index
    %swap3A_788 = tpu.vector_load %arg10[%swap3A_787] {strides = array<i32>} : memref<208xf32, #tpu.memory_space<vmem>>, vector<16xf32>,
    %swap3A_789 = vector.shape_cast %swap3A_788 : vector<16xf32> to vector<16xf32>
    %swap3A_790 = vector.shape_cast %broadcast_in_dim3A_786 : vector<16xf32> to vector<16xf32>
    tpu.vector_store %arg10[%swap3A_787], %swap3A_790 {strides = array<i32>} : memref<208xf32, #tpu.memory_space<vmem>>, vector<16xf32>,
    %broadcast_in_dim3A_791 = arith.constant 1.000000e+00 : f32
    %broadcast_in_dim3A_792 = vector.broadcast %broadcast_in_dim3A_791 : f32 to vector<16xf32>
    %swap3A_793 = arith.constant 48 : index
    %swap3A_794 = tpu.vector_load %arg10[%swap3A_793] {strides = array<i32>} : memref<208xf32, #tpu.memory_space<vmem>>, vector<16xf32>,
    %swap3A_795 = vector.shape_cast %swap3A_794 : vector<16xf32> to vector<16xf32>
    %swap3A_796 = vector.shape_cast %broadcast_in_dim3A_792 : vector<16xf32> to vector<16xf32>
    tpu.vector_store %arg10[%swap3A_793], %swap3A_796 {strides = array<i32>} : memref<208xf32, #tpu.memory_space<vmem>>, vector<16xf32>,
    %broadcast_in_dim3A_797 = arith.constant 1.000000e+00 : f32
    %broadcast_in_dim3A_798 = vector.broadcast %broadcast_in_dim3A_797 : f32 to vector<16xf32>
    %swap3A_799 = arith.constant 64 : index
    %swap3A_800 = tpu.vector_load %arg10[%swap3A_799] {strides = array<i32>} : memref<208xf32, #tpu.memory_space<vmem>>, vector<16xf32>,
    %swap3A_801 = vector.shape_cast %swap3A_800 : vector<16xf32> to vector<16xf32>
    %swap3A_802 = vector.shape_cast %broadcast_in_dim3A_798 : vector<16xf32> to vector<16xf32>
    tpu.vector_store %arg10[%swap3A_799], %swap3A_802 {strides = array<i32>} : memref<208xf32, #tpu.memory_space<vmem>>, vector<16xf32>,
    %broadcast_in_dim3A_803 = arith.constant 1.000000e+00 : f32
    %broadcast_in_dim3A_804 = vector.broadcast %broadcast_in_dim3A_803 : f32 to vector<16xf32>
    %swap3A_805 = arith.constant 80 : index
    %swap3A_806 = tpu.vector_load %arg10[%swap3A_805] {strides = array<i32>} : memref<208xf32, #tpu.memory_space<vmem>>, vector<16xf32>,
    %swap3A_807 = vector.shape_cast %swap3A_806 : vector<16xf32> to vector<16xf32>
    %swap3A_808 = vector.shape_cast %broadcast_in_dim3A_804 : vector<16xf32> to vector<16xf32>
    tpu.vector_store %arg10[%swap3A_805], %swap3A_808 {strides = array<i32>} : memref<208xf32, #tpu.memory_space<vmem>>, vector<16xf32>,
    %broadcast_in_dim3A_809 = arith.constant 1.000000e+00 : f32
    %broadcast_in_dim3A_810 = vector.broadcast %broadcast_in_dim3A_809 : f32 to vector<16xf32>
    %swap3A_811 = arith.constant 96 : index
    %swap3A_812 = tpu.vector_load %arg10[%swap3A_811] {strides = array<i32>} : memref<208xf32, #tpu.memory_space<vmem>>, vector<16xf32>,
    %swap3A_813 = vector.shape_cast %swap3A_812 : vector<16xf32> to vector<16xf32>
    %swap3A_814 = vector.shape_cast %broadcast_in_dim3A_810 : vector<16xf32> to vector<16xf32>
    tpu.vector_store %arg10[%swap3A_811], %swap3A_814 {strides = array<i32>} : memref<208xf32, #tpu.memory_space<vmem>>, vector<16xf32>,
    %broadcast_in_dim3A_815 = arith.constant 1.000000e+00 : f32
    %broadcast_in_dim3A_816 = vector.broadcast %broadcast_in_dim3A_815 : f32 to vector<16xf32>
    %swap3A_817 = arith.constant 112 : index
    %swap3A_818 = tpu.vector_load %arg10[%swap3A_817] {strides = array<i32>} : memref<208xf32, #tpu.memory_space<vmem>>, vector<16xf32>,
    %swap3A_819 = vector.shape_cast %swap3A_818 : vector<16xf32> to vector<16xf32>
    %swap3A_820 = vector.shape_cast %broadcast_in_dim3A_816 : vector<16xf32> to vector<16xf32>
    tpu.vector_store %arg10[%swap3A_817], %swap3A_820 {strides = array<i32>} : memref<208xf32, #tpu.memory_space<vmem>>, vector<16xf32>,
    %broadcast_in_dim3A_821 = arith.constant 1.000000e+00 : f32
    %broadcast_in_dim3A_822 = vector.broadcast %broadcast_in_dim3A_821 : f32 to vector<16xf32>
    %swap3A_823 = arith.constant 128 : index
    %swap3A_824 = tpu.vector_load %arg10[%swap3A_823] {strides = array<i32>} : memref<208xf32, #tpu.memory_space<vmem>>, vector<16xf32>,
    %swap3A_825 = vector.shape_cast %swap3A_824 : vector<16xf32> to vector<16xf32>
    %swap3A_826 = vector.shape_cast %broadcast_in_dim3A_822 : vector<16xf32> to vector<16xf32>
    tpu.vector_store %arg10[%swap3A_823], %swap3A_826 {strides = array<i32>} : memref<208xf32, #tpu.memory_space<vmem>>, vector<16xf32>,
    %broadcast_in_dim3A_827 = arith.constant 1.000000e+00 : f32
    %broadcast_in_dim3A_828 = vector.broadcast %broadcast_in_dim3A_827 : f32 to vector<16xf32>
    %swap3A_829 = arith.constant 144 : index
    %swap3A_830 = tpu.vector_load %arg10[%swap3A_829] {strides = array<i32>} : memref<208xf32, #tpu.memory_space<vmem>>, vector<16xf32>,
    %swap3A_831 = vector.shape_cast %swap3A_830 : vector<16xf32> to vector<16xf32>
    %swap3A_832 = vector.shape_cast %broadcast_in_dim3A_828 : vector<16xf32> to vector<16xf32>
    tpu.vector_store %arg10[%swap3A_829], %swap3A_832 {strides = array<i32>} : memref<208xf32, #tpu.memory_space<vmem>>, vector<16xf32>,
    %broadcast_in_dim3A_833 = arith.constant 1.000000e+00 : f32
    %broadcast_in_dim3A_834 = vector.broadcast %broadcast_in_dim3A_833 : f32 to vector<16xf32>
    %swap3A_835 = arith.constant 160 : index
    %swap3A_836 = tpu.vector_load %arg10[%swap3A_835] {strides = array<i32>} : memref<208xf32, #tpu.memory_space<vmem>>, vector<16xf32>,
    %swap3A_837 = vector.shape_cast %swap3A_836 : vector<16xf32> to vector<16xf32>
    %swap3A_838 = vector.shape_cast %broadcast_in_dim3A_834 : vector<16xf32> to vector<16xf32>
    tpu.vector_store %arg10[%swap3A_835], %swap3A_838 {strides = array<i32>} : memref<208xf32, #tpu.memory_space<vmem>>, vector<16xf32>,
    %broadcast_in_dim3A_839 = arith.constant 1.000000e+00 : f32
    %broadcast_in_dim3A_840 = vector.broadcast %broadcast_in_dim3A_839 : f32 to vector<16xf32>
    %swap3A_841 = arith.constant 176 : index
    %swap3A_842 = tpu.vector_load %arg10[%swap3A_841] {strides = array<i32>} : memref<208xf32, #tpu.memory_space<vmem>>, vector<16xf32>,
    %swap3A_843 = vector.shape_cast %swap3A_842 : vector<16xf32> to vector<16xf32>
    %swap3A_844 = vector.shape_cast %broadcast_in_dim3A_840 : vector<16xf32> to vector<16xf32>
    tpu.vector_store %arg10[%swap3A_841], %swap3A_844 {strides = array<i32>} : memref<208xf32, #tpu.memory_space<vmem>>, vector<16xf32>,
    %broadcast_in_dim3A_845 = arith.constant 1.000000e+00 : f32
    %broadcast_in_dim3A_846 = vector.broadcast %broadcast_in_dim3A_845 : f32 to vector<16xf32>
    %swap3A_847 = arith.constant 192 : index
    %swap3A_848 = tpu.vector_load %arg10[%swap3A_847] {strides = array<i32>} : memref<208xf32, #tpu.memory_space<vmem>>, vector<16xf32>,
    %swap3A_849 = vector.shape_cast %swap3A_848 : vector<16xf32> to vector<16xf32>
    %swap3A_850 = vector.shape_cast %broadcast_in_dim3A_846 : vector<16xf32> to vector<16xf32>
    tpu.vector_store %arg10[%swap3A_847], %swap3A_850 {strides = array<i32>} : memref<208xf32, #tpu.memory_space<vmem>>, vector<16xf32>,
    %scan3A = arith.constant 0 : i32
    %scan3A_851 = arith.constant 0 : i32
    %scan3A_852 = arith.constant 39 : i32
    %scan3A_853 = arith.addi %scan3A_851, %scan3A_852 : i32
    %scan3A_854 = arith.constant 1 : i32
    scf.for %scan3A_903 = %scan3A_851 to %scan3A_853 step %scan3A_854  : i32 {
      %mul3A_904 = arith.constant 624 : i32
      %mul3A_905 = arith.muli %arg1, %mul3A_904 : i32
      %mul3A_906 = arith.constant 16 : i32
      %mul3A_907 = arith.muli %scan3A_903, %mul3A_906 : i32
      %add3A_908 = arith.addi %mul3A_905, %mul3A_907 : i32
      "tpu.region"() ({
        %run_scoped3A = tpu.sem_alloc : memref<!tpu.dma_semaphore, #tpu.memory_space<semaphore_mem>>
        %dma_start3A = arith.constant 0 : i32
        %dma_start3A_914 = tpu.memref_slice %arg14[%add3A_908, %dma_start3A] : memref<10000x128xf32, #tpu.memory_space<vmem_shared>> -> memref<16x128xf32, #tpu.memory_space<vmem_shared>>
        %dma_start3A_915 = arith.constant 0 : i32
        %dma_start3A_916 = tpu.memref_slice %arg14[%add3A_908, %dma_start3A_915] : memref<10000x128xf32, #tpu.memory_space<vmem_shared>> -> memref<16x128xf32, #tpu.memory_space<vmem_shared>>
        tpu.enqueue_dma source(%arg11 : memref<16x128xf32, #tpu.memory_space<vmem>>) target(%dma_start3A_916 : memref<16x128xf32, #tpu.memory_space<vmem_shared>>) target_semaphore(%run_scoped3A : memref<!tpu.dma_semaphore, #tpu.memory_space<semaphore_mem>>)
        %dma_wait3A = arith.constant 0 : i32
        %dma_wait3A_917 = tpu.memref_slice %arg14[%add3A_908, %dma_wait3A] : memref<10000x128xf32, #tpu.memory_space<vmem_shared>> -> memref<16x128xf32, #tpu.memory_space<vmem_shared>>
        %dma_wait3A_918 = arith.constant 0 : i32
        %dma_wait3A_919 = tpu.memref_slice %arg14[%add3A_908, %dma_wait3A_918] : memref<10000x128xf32, #tpu.memory_space<vmem_shared>> -> memref<16x128xf32, #tpu.memory_space<vmem_shared>>
        tpu.wait_dma2 semaphore(%run_scoped3A : memref<!tpu.dma_semaphore, #tpu.memory_space<semaphore_mem>>) src(%arg11 : memref<16x128xf32, #tpu.memory_space<vmem>>) dst(%dma_wait3A_919 : memref<16x128xf32, #tpu.memory_space<vmem_shared>>)
        tpu.yield
      }) : () -> ()
      %mul3A_909 = arith.constant 624 : i32
      %mul3A_910 = arith.muli %arg1, %mul3A_909 : i32
      %mul3A_911 = arith.constant 16 : i32
      %mul3A_912 = arith.muli %scan3A_903, %mul3A_911 : i32
      %add3A_913 = arith.addi %mul3A_910, %mul3A_912 : i32
      "tpu.region"() ({
        %run_scoped3A = tpu.sem_alloc : memref<!tpu.dma_semaphore, #tpu.memory_space<semaphore_mem>>
        %dma_start3A = tpu.memref_slice %arg15[%add3A_913] : memref<10000xf32, #tpu.memory_space<vmem_shared>> -> memref<16xf32, #tpu.memory_space<vmem_shared>>
        %dma_start3A_914 = tpu.memref_slice %arg15[%add3A_913] : memref<10000xf32, #tpu.memory_space<vmem_shared>> -> memref<16xf32, #tpu.memory_space<vmem_shared>>
        tpu.enqueue_dma source(%arg12 : memref<16xf32, #tpu.memory_space<vmem>>) target(%dma_start3A_914 : memref<16xf32, #tpu.memory_space<vmem_shared>>) target_semaphore(%run_scoped3A : memref<!tpu.dma_semaphore, #tpu.memory_space<semaphore_mem>>)
        %dma_wait3A = tpu.memref_slice %arg15[%add3A_913] : memref<10000xf32, #tpu.memory_space<vmem_shared>> -> memref<16xf32, #tpu.memory_space<vmem_shared>>
        %dma_wait3A_915 = tpu.memref_slice %arg15[%add3A_913] : memref<10000xf32, #tpu.memory_space<vmem_shared>> -> memref<16xf32, #tpu.memory_space<vmem_shared>>
        tpu.wait_dma2 semaphore(%run_scoped3A : memref<!tpu.dma_semaphore, #tpu.memory_space<semaphore_mem>>) src(%arg12 : memref<16xf32, #tpu.memory_space<vmem>>) dst(%dma_wait3A_915 : memref<16xf32, #tpu.memory_space<vmem_shared>>)
        tpu.yield
      }) : () -> ()
    }
    %scan3A_855 = arith.constant 39 : i32
    %eq3A = arith.constant 15 : i32
    %eq3A_856 = arith.cmpi eq, %arg1, %eq3A : i32
    %convert_element_type3A = arith.extui %eq3A_856 : i1 to i32
    %cond3A = arith.constant 0 : i32
    %cond3A_857 = arith.cmpi ne, %convert_element_type3A, %cond3A : i32
    scf.if %cond3A_857 {
      "tpu.region"() ({
        %run_scoped3A = tpu.sem_alloc : memref<!tpu.dma_semaphore, #tpu.memory_space<semaphore_mem>>
        %dma_start3A = arith.constant 9984 : i32
        %dma_start3A_903 = arith.constant 0 : i32
        %dma_start3A_904 = tpu.memref_slice %arg14[%dma_start3A, %dma_start3A_903] : memref<10000x128xf32, #tpu.memory_space<vmem_shared>> -> memref<16x128xf32, #tpu.memory_space<vmem_shared>>
        %dma_start3A_905 = arith.constant 9984 : i32
        %dma_start3A_906 = arith.constant 0 : i32
        %dma_start3A_907 = tpu.memref_slice %arg14[%dma_start3A_905, %dma_start3A_906] : memref<10000x128xf32, #tpu.memory_space<vmem_shared>> -> memref<16x128xf32, #tpu.memory_space<vmem_shared>>
        tpu.enqueue_dma source(%arg11 : memref<16x128xf32, #tpu.memory_space<vmem>>) target(%dma_start3A_907 : memref<16x128xf32, #tpu.memory_space<vmem_shared>>) target_semaphore(%run_scoped3A : memref<!tpu.dma_semaphore, #tpu.memory_space<semaphore_mem>>)
        %dma_wait3A = arith.constant 9984 : i32
        %dma_wait3A_908 = arith.constant 0 : i32
        %dma_wait3A_909 = tpu.memref_slice %arg14[%dma_wait3A, %dma_wait3A_908] : memref<10000x128xf32, #tpu.memory_space<vmem_shared>> -> memref<16x128xf32, #tpu.memory_space<vmem_shared>>
        %dma_wait3A_910 = arith.constant 9984 : i32
        %dma_wait3A_911 = arith.constant 0 : i32
        %dma_wait3A_912 = tpu.memref_slice %arg14[%dma_wait3A_910, %dma_wait3A_911] : memref<10000x128xf32, #tpu.memory_space<vmem_shared>> -> memref<16x128xf32, #tpu.memory_space<vmem_shared>>
        tpu.wait_dma2 semaphore(%run_scoped3A : memref<!tpu.dma_semaphore, #tpu.memory_space<semaphore_mem>>) src(%arg11 : memref<16x128xf32, #tpu.memory_space<vmem>>) dst(%dma_wait3A_912 : memref<16x128xf32, #tpu.memory_space<vmem_shared>>)
        tpu.yield
      }) : () -> ()
      "tpu.region"() ({
        %run_scoped3A = tpu.sem_alloc : memref<!tpu.dma_semaphore, #tpu.memory_space<semaphore_mem>>
        %dma_start3A = arith.constant 9984 : i32
        %dma_start3A_903 = tpu.memref_slice %arg15[%dma_start3A] : memref<10000xf32, #tpu.memory_space<vmem_shared>> -> memref<16xf32, #tpu.memory_space<vmem_shared>>
        %dma_start3A_904 = arith.constant 9984 : i32
        %dma_start3A_905 = tpu.memref_slice %arg15[%dma_start3A_904] : memref<10000xf32, #tpu.memory_space<vmem_shared>> -> memref<16xf32, #tpu.memory_space<vmem_shared>>
        tpu.enqueue_dma source(%arg12 : memref<16xf32, #tpu.memory_space<vmem>>) target(%dma_start3A_905 : memref<16xf32, #tpu.memory_space<vmem_shared>>) target_semaphore(%run_scoped3A : memref<!tpu.dma_semaphore, #tpu.memory_space<semaphore_mem>>)
        %dma_wait3A = arith.constant 9984 : i32
        %dma_wait3A_906 = tpu.memref_slice %arg15[%dma_wait3A] : memref<10000xf32, #tpu.memory_space<vmem_shared>> -> memref<16xf32, #tpu.memory_space<vmem_shared>>
        %dma_wait3A_907 = arith.constant 9984 : i32
        %dma_wait3A_908 = tpu.memref_slice %arg15[%dma_wait3A_907] : memref<10000xf32, #tpu.memory_space<vmem_shared>> -> memref<16xf32, #tpu.memory_space<vmem_shared>>
        tpu.wait_dma2 semaphore(%run_scoped3A : memref<!tpu.dma_semaphore, #tpu.memory_space<semaphore_mem>>) src(%arg12 : memref<16xf32, #tpu.memory_space<vmem>>) dst(%dma_wait3A_908 : memref<16xf32, #tpu.memory_space<vmem_shared>>)
        tpu.yield
      }) : () -> ()
    } else {
    }
    %barrier3A = arith.constant 0 : index
    tpu.barrier barrier_id(%barrier3A)
    %mul3A_858 = arith.constant 50 : i32
    %mul3A_859 = arith.muli %add3A, %mul3A_858 : i32
    %scan3A_860 = arith.constant 0 : i32
    %scan3A_861 = arith.constant 0 : i32
    %scan3A_862 = arith.constant 50 : i32
    %scan3A_863 = arith.addi %scan3A_861, %scan3A_862 : i32
    %scan3A_864 = arith.constant 1 : i32
    scf.for %scan3A_903 = %scan3A_861 to %scan3A_863 step %scan3A_864  : i32 {
      %mul3A_904 = arith.constant 1 : i32
      %mul3A_905 = arith.muli %scan3A_903, %mul3A_904 : i32
      %add3A_906 = arith.addi %mul3A_859, %mul3A_905 : i32
      "tpu.region"() ({
        %run_scoped3A_926 = tpu.sem_alloc : memref<!tpu.dma_semaphore, #tpu.memory_space<semaphore_mem>>
        %dma_start3A_927 = arith.constant 0 : i32
        %dma_start3A_928 = tpu.memref_slice %arg2[%add3A_906, %dma_start3A_927] : memref<1600x200xi32, #tpu.memory_space<hbm>> -> memref<1x200xi32, #tpu.memory_space<hbm>>
        %dma_start3A_929 = arith.constant 0 : i32
        %dma_start3A_930 = tpu.memref_slice %arg2[%add3A_906, %dma_start3A_929] : memref<1600x200xi32, #tpu.memory_space<hbm>> -> memref<1x200xi32, #tpu.memory_space<hbm>>
        tpu.enqueue_dma source(%dma_start3A_930 : memref<1x200xi32, #tpu.memory_space<hbm>>) target(%arg7 : memref<1x200xi32, #tpu.memory_space<vmem>>) target_semaphore(%run_scoped3A_926 : memref<!tpu.dma_semaphore, #tpu.memory_space<semaphore_mem>>)
        %dma_wait3A_931 = arith.constant 0 : i32
        %dma_wait3A_932 = tpu.memref_slice %arg2[%add3A_906, %dma_wait3A_931] : memref<1600x200xi32, #tpu.memory_space<hbm>> -> memref<1x200xi32, #tpu.memory_space<hbm>>
        %dma_wait3A_933 = arith.constant 0 : i32
        %dma_wait3A_934 = tpu.memref_slice %arg2[%add3A_906, %dma_wait3A_933] : memref<1600x200xi32, #tpu.memory_space<hbm>> -> memref<1x200xi32, #tpu.memory_space<hbm>>
        tpu.wait_dma2 semaphore(%run_scoped3A_926 : memref<!tpu.dma_semaphore, #tpu.memory_space<semaphore_mem>>) src(%dma_wait3A_934 : memref<1x200xi32, #tpu.memory_space<hbm>>) dst(%arg7 : memref<1x200xi32, #tpu.memory_space<vmem>>)
        tpu.yield
      }) : () -> ()
      "tpu.region"() ({
        %run_scoped3A_926 = tpu.sem_alloc : memref<!tpu.dma_semaphore, #tpu.memory_space<semaphore_mem>>
        %dma_start3A_927 = arith.constant 0 : i32
        %dma_start3A_928 = tpu.memref_slice %arg3[%add3A_906, %dma_start3A_927] : memref<1600x200xi32, #tpu.memory_space<hbm>> -> memref<1x200xi32, #tpu.memory_space<hbm>>
        %dma_start3A_929 = arith.constant 0 : i32
        %dma_start3A_930 = tpu.memref_slice %arg3[%add3A_906, %dma_start3A_929] : memref<1600x200xi32, #tpu.memory_space<hbm>> -> memref<1x200xi32, #tpu.memory_space<hbm>>
        tpu.enqueue_dma source(%dma_start3A_930 : memref<1x200xi32, #tpu.memory_space<hbm>>) target(%arg8 : memref<1x200xi32, #tpu.memory_space<vmem>>) target_semaphore(%run_scoped3A_926 : memref<!tpu.dma_semaphore, #tpu.memory_space<semaphore_mem>>)
        %dma_wait3A_931 = arith.constant 0 : i32
        %dma_wait3A_932 = tpu.memref_slice %arg3[%add3A_906, %dma_wait3A_931] : memref<1600x200xi32, #tpu.memory_space<hbm>> -> memref<1x200xi32, #tpu.memory_space<hbm>>
        %dma_wait3A_933 = arith.constant 0 : i32
        %dma_wait3A_934 = tpu.memref_slice %arg3[%add3A_906, %dma_wait3A_933] : memref<1600x200xi32, #tpu.memory_space<hbm>> -> memref<1x200xi32, #tpu.memory_space<hbm>>
        tpu.wait_dma2 semaphore(%run_scoped3A_926 : memref<!tpu.dma_semaphore, #tpu.memory_space<semaphore_mem>>) src(%dma_wait3A_934 : memref<1x200xi32, #tpu.memory_space<hbm>>) dst(%arg8 : memref<1x200xi32, #tpu.memory_space<vmem>>)
        tpu.yield
      }) : () -> ()
      %dma_start3A = arith.constant 0 : i32
      %dma_start3A_907 = arith.constant 0 : i32
      %dma_start3A_908 = arith.constant 0 : i32
      %dma_start3A_909 = tpu.memref_slice %arg9[%dma_start3A_907, %dma_start3A_908] : memref<200x128xf32, #tpu.memory_space<vmem>> -> memref<200x128xf32, #tpu.memory_space<vmem>>
      %dma_start3A_910 = arith.constant 0 : i32
      %dma_start3A_911 = tpu.memref_slice %arg7[%dma_start3A, %dma_start3A_910] : memref<1x200xi32, #tpu.memory_space<vmem>> -> memref<1x200xi32, #tpu.memory_space<vmem>>
      %dma_start3A_912 = tpu.memref_squeeze %dma_start3A_911 : memref<1x200xi32, #tpu.memory_space<vmem>> -> memref<200xi32, #tpu.memory_space<vmem>>
      %dma_start3A_913 = arith.constant 0 : i32
      %dma_start3A_914 = arith.constant 0 : i32
      %dma_start3A_915 = tpu.memref_slice %arg4[%dma_start3A_913, %dma_start3A_914] : memref<10000x128xf32, #tpu.memory_space<hbm>> -> memref<10000x128xf32, #tpu.memory_space<hbm>>
      tpu.enqueue_indirect_dma source(%dma_start3A_915 : memref<10000x128xf32, #tpu.memory_space<hbm>>) target(%dma_start3A_909 : memref<200x128xf32, #tpu.memory_space<vmem>>) offsets(%dma_start3A_912 : memref<200xi32, #tpu.memory_space<vmem>>) semaphore(%arg16 : memref<!tpu.dma_semaphore, #tpu.memory_space<semaphore_mem>>)
      %dma_wait3A = arith.constant 0 : i32
      %dma_wait3A_916 = arith.constant 0 : i32
      %dma_wait3A_917 = arith.constant 0 : i32
      %dma_wait3A_918 = tpu.memref_slice %arg9[%dma_wait3A_916, %dma_wait3A_917] : memref<200x128xf32, #tpu.memory_space<vmem>> -> memref<200x128xf32, #tpu.memory_space<vmem>>
      %dma_wait3A_919 = arith.constant 0 : i32
      %dma_wait3A_920 = tpu.memref_slice %arg7[%dma_wait3A, %dma_wait3A_919] : memref<1x200xi32, #tpu.memory_space<vmem>> -> memref<1x200xi32, #tpu.memory_space<vmem>>
      %dma_wait3A_921 = tpu.memref_squeeze %dma_wait3A_920 : memref<1x200xi32, #tpu.memory_space<vmem>> -> memref<200xi32, #tpu.memory_space<vmem>>
      %dma_wait3A_922 = arith.constant 0 : i32
      %dma_wait3A_923 = arith.constant 0 : i32
      %dma_wait3A_924 = tpu.memref_slice %arg4[%dma_wait3A_922, %dma_wait3A_923] : memref<10000x128xf32, #tpu.memory_space<hbm>> -> memref<10000x128xf32, #tpu.memory_space<hbm>>
      tpu.wait_indirect_dma semaphore(%arg16 : memref<!tpu.dma_semaphore, #tpu.memory_space<semaphore_mem>>) src(%dma_wait3A_924 : memref<10000x128xf32, #tpu.memory_space<hbm>>) dst(%dma_wait3A_918 : memref<200x128xf32, #tpu.memory_space<vmem>>)
      %run_scoped3A = arith.constant 0 : i32
      "tpu.region"() ({
        %run_scoped3A_926 = tpu.sem_alloc : memref<!tpu.dma_semaphore, #tpu.memory_space<semaphore_mem>>
        %dma_start3A_927 = arith.constant 0 : i32
        %dma_start3A_928 = arith.constant 0 : i32
        %dma_start3A_929 = tpu.memref_slice %arg9[%dma_start3A_927, %dma_start3A_928] : memref<200x128xf32, #tpu.memory_space<vmem>> -> memref<200x128xf32, #tpu.memory_space<vmem>>
        %dma_start3A_930 = arith.constant 0 : i32
        %dma_start3A_931 = tpu.memref_slice %arg8[%run_scoped3A, %dma_start3A_930] : memref<1x200xi32, #tpu.memory_space<vmem>> -> memref<1x200xi32, #tpu.memory_space<vmem>>
        %dma_start3A_932 = tpu.memref_squeeze %dma_start3A_931 : memref<1x200xi32, #tpu.memory_space<vmem>> -> memref<200xi32, #tpu.memory_space<vmem>>
        %dma_start3A_933 = arith.constant 0 : i32
        %dma_start3A_934 = arith.constant 0 : i32
        %dma_start3A_935 = tpu.memref_slice %arg14[%dma_start3A_933, %dma_start3A_934] : memref<10000x128xf32, #tpu.memory_space<vmem_shared>> -> memref<10000x128xf32, #tpu.memory_space<vmem_shared>>
        tpu.enqueue_indirect_dma source(%dma_start3A_929 : memref<200x128xf32, #tpu.memory_space<vmem>>) target(%dma_start3A_935 : memref<10000x128xf32, #tpu.memory_space<vmem_shared>>) offsets(%dma_start3A_932 : memref<200xi32, #tpu.memory_space<vmem>>) semaphore(%run_scoped3A_926 : memref<!tpu.dma_semaphore, #tpu.memory_space<semaphore_mem>>) {add = true}
        %dma_wait3A_936 = arith.constant 0 : i32
        %dma_wait3A_937 = arith.constant 0 : i32
        %dma_wait3A_938 = tpu.memref_slice %arg9[%dma_wait3A_936, %dma_wait3A_937] : memref<200x128xf32, #tpu.memory_space<vmem>> -> memref<200x128xf32, #tpu.memory_space<vmem>>
        %dma_wait3A_939 = arith.constant 0 : i32
        %dma_wait3A_940 = tpu.memref_slice %arg8[%run_scoped3A, %dma_wait3A_939] : memref<1x200xi32, #tpu.memory_space<vmem>> -> memref<1x200xi32, #tpu.memory_space<vmem>>
        %dma_wait3A_941 = tpu.memref_squeeze %dma_wait3A_940 : memref<1x200xi32, #tpu.memory_space<vmem>> -> memref<200xi32, #tpu.memory_space<vmem>>
        %dma_wait3A_942 = arith.constant 0 : i32
        %dma_wait3A_943 = arith.constant 0 : i32
        %dma_wait3A_944 = tpu.memref_slice %arg14[%dma_wait3A_942, %dma_wait3A_943] : memref<10000x128xf32, #tpu.memory_space<vmem_shared>> -> memref<10000x128xf32, #tpu.memory_space<vmem_shared>>
        tpu.wait_indirect_dma semaphore(%run_scoped3A_926 : memref<!tpu.dma_semaphore, #tpu.memory_space<semaphore_mem>>) src(%dma_wait3A_938 : memref<200x128xf32, #tpu.memory_space<vmem>>) dst(%dma_wait3A_944 : memref<10000x128xf32, #tpu.memory_space<vmem_shared>>)
        tpu.yield
      }) : () -> ()
      %run_scoped3A_925 = arith.constant 0 : i32
      "tpu.region"() ({
        %run_scoped3A_926 = tpu.sem_alloc : memref<!tpu.dma_semaphore, #tpu.memory_space<semaphore_mem>>
        %dma_start3A_927 = arith.constant 0 : i32
        %dma_start3A_928 = tpu.memref_slice %arg10[%dma_start3A_927] : memref<208xf32, #tpu.memory_space<vmem>> -> memref<200xf32, #tpu.memory_space<vmem>>
        %dma_start3A_929 = arith.constant 0 : i32
        %dma_start3A_930 = tpu.memref_slice %arg8[%run_scoped3A_925, %dma_start3A_929] : memref<1x200xi32, #tpu.memory_space<vmem>> -> memref<1x200xi32, #tpu.memory_space<vmem>>
        %dma_start3A_931 = tpu.memref_squeeze %dma_start3A_930 : memref<1x200xi32, #tpu.memory_space<vmem>> -> memref<200xi32, #tpu.memory_space<vmem>>
        %dma_start3A_932 = arith.constant 0 : i32
        %dma_start3A_933 = tpu.memref_slice %arg15[%dma_start3A_932] : memref<10000xf32, #tpu.memory_space<vmem_shared>> -> memref<10000xf32, #tpu.memory_space<vmem_shared>>
        tpu.enqueue_indirect_dma source(%dma_start3A_928 : memref<200xf32, #tpu.memory_space<vmem>>) target(%dma_start3A_933 : memref<10000xf32, #tpu.memory_space<vmem_shared>>) offsets(%dma_start3A_931 : memref<200xi32, #tpu.memory_space<vmem>>) semaphore(%run_scoped3A_926 : memref<!tpu.dma_semaphore, #tpu.memory_space<semaphore_mem>>) {add = true}
        %dma_wait3A_934 = arith.constant 0 : i32
        %dma_wait3A_935 = tpu.memref_slice %arg10[%dma_wait3A_934] : memref<208xf32, #tpu.memory_space<vmem>> -> memref<200xf32, #tpu.memory_space<vmem>>
        %dma_wait3A_936 = arith.constant 0 : i32
        %dma_wait3A_937 = tpu.memref_slice %arg8[%run_scoped3A_925, %dma_wait3A_936] : memref<1x200xi32, #tpu.memory_space<vmem>> -> memref<1x200xi32, #tpu.memory_space<vmem>>
        %dma_wait3A_938 = tpu.memref_squeeze %dma_wait3A_937 : memref<1x200xi32, #tpu.memory_space<vmem>> -> memref<200xi32, #tpu.memory_space<vmem>>
        %dma_wait3A_939 = arith.constant 0 : i32
        %dma_wait3A_940 = tpu.memref_slice %arg15[%dma_wait3A_939] : memref<10000xf32, #tpu.memory_space<vmem_shared>> -> memref<10000xf32, #tpu.memory_space<vmem_shared>>
        tpu.wait_indirect_dma semaphore(%run_scoped3A_926 : memref<!tpu.dma_semaphore, #tpu.memory_space<semaphore_mem>>) src(%dma_wait3A_935 : memref<200xf32, #tpu.memory_space<vmem>>) dst(%dma_wait3A_940 : memref<10000xf32, #tpu.memory_space<vmem_shared>>)
        tpu.yield
      }) : () -> ()
    }
    %scan3A_865 = arith.constant 50 : i32
    %barrier3A_866 = arith.constant 0 : index
    tpu.barrier barrier_id(%barrier3A_866)
    %mul3A_867 = arith.constant 624 : i32
    %mul3A_868 = arith.muli %arg1, %mul3A_867 : i32
    %add3A_869 = arith.constant 0 : i32
    %add3A_870 = arith.addi %mul3A_868, %add3A_869 : i32
    "tpu.region"() ({
      %run_scoped3A = tpu.sem_alloc : memref<!tpu.dma_semaphore, #tpu.memory_space<semaphore_mem>>
      %dma_start3A = arith.constant 0 : i32
      %dma_start3A_903 = arith.constant 0 : i32
      %dma_start3A_904 = tpu.memref_slice %arg9[%dma_start3A, %dma_start3A_903] : memref<200x128xf32, #tpu.memory_space<vmem>> -> memref<104x128xf32, #tpu.memory_space<vmem>>
      %dma_start3A_905 = arith.constant 0 : i32
      %dma_start3A_906 = tpu.memref_slice %arg14[%add3A_870, %dma_start3A_905] : memref<10000x128xf32, #tpu.memory_space<vmem_shared>> -> memref<104x128xf32, #tpu.memory_space<vmem_shared>>
      %dma_start3A_907 = arith.constant 0 : i32
      %dma_start3A_908 = arith.constant 0 : i32
      %dma_start3A_909 = tpu.memref_slice %arg9[%dma_start3A_907, %dma_start3A_908] : memref<200x128xf32, #tpu.memory_space<vmem>> -> memref<104x128xf32, #tpu.memory_space<vmem>>
      %dma_start3A_910 = arith.constant 0 : i32
      %dma_start3A_911 = tpu.memref_slice %arg14[%add3A_870, %dma_start3A_910] : memref<10000x128xf32, #tpu.memory_space<vmem_shared>> -> memref<104x128xf32, #tpu.memory_space<vmem_shared>>
      tpu.enqueue_dma source(%dma_start3A_911 : memref<104x128xf32, #tpu.memory_space<vmem_shared>>) target(%dma_start3A_909 : memref<104x128xf32, #tpu.memory_space<vmem>>) target_semaphore(%run_scoped3A : memref<!tpu.dma_semaphore, #tpu.memory_space<semaphore_mem>>)
      %dma_wait3A = arith.constant 0 : i32
      %dma_wait3A_912 = arith.constant 0 : i32
      %dma_wait3A_913 = tpu.memref_slice %arg9[%dma_wait3A, %dma_wait3A_912] : memref<200x128xf32, #tpu.memory_space<vmem>> -> memref<104x128xf32, #tpu.memory_space<vmem>>
      %dma_wait3A_914 = arith.constant 0 : i32
      %dma_wait3A_915 = tpu.memref_slice %arg14[%add3A_870, %dma_wait3A_914] : memref<10000x128xf32, #tpu.memory_space<vmem_shared>> -> memref<104x128xf32, #tpu.memory_space<vmem_shared>>
      %dma_wait3A_916 = arith.constant 0 : i32
      %dma_wait3A_917 = arith.constant 0 : i32
      %dma_wait3A_918 = tpu.memref_slice %arg9[%dma_wait3A_916, %dma_wait3A_917] : memref<200x128xf32, #tpu.memory_space<vmem>> -> memref<104x128xf32, #tpu.memory_space<vmem>>
      %dma_wait3A_919 = arith.constant 0 : i32
      %dma_wait3A_920 = tpu.memref_slice %arg14[%add3A_870, %dma_wait3A_919] : memref<10000x128xf32, #tpu.memory_space<vmem_shared>> -> memref<104x128xf32, #tpu.memory_space<vmem_shared>>
      tpu.wait_dma2 semaphore(%run_scoped3A : memref<!tpu.dma_semaphore, #tpu.memory_space<semaphore_mem>>) src(%dma_wait3A_920 : memref<104x128xf32, #tpu.memory_space<vmem_shared>>) dst(%dma_wait3A_918 : memref<104x128xf32, #tpu.memory_space<vmem>>)
      tpu.yield
    }) : () -> ()
    "tpu.region"() ({
      %run_scoped3A = tpu.sem_alloc : memref<!tpu.dma_semaphore, #tpu.memory_space<semaphore_mem>>
      %dma_start3A = arith.constant 0 : i32
      %dma_start3A_903 = arith.constant 0 : i32
      %dma_start3A_904 = tpu.memref_slice %arg9[%dma_start3A, %dma_start3A_903] : memref<200x128xf32, #tpu.memory_space<vmem>> -> memref<104x128xf32, #tpu.memory_space<vmem>>
      %dma_start3A_905 = arith.constant 0 : i32
      %dma_start3A_906 = tpu.memref_slice %arg5[%arg0, %add3A_870, %dma_start3A_905] : memref<2x10000x128xf32, #tpu.memory_space<hbm>> -> memref<1x104x128xf32, #tpu.memory_space<hbm>>
      %dma_start3A_907 = tpu.memref_squeeze %dma_start3A_906 : memref<1x104x128xf32, #tpu.memory_space<hbm>> -> memref<104x128xf32, #tpu.memory_space<hbm>>
      %dma_start3A_908 = arith.constant 0 : i32
      %dma_start3A_909 = tpu.memref_slice %arg5[%arg0, %add3A_870, %dma_start3A_908] : memref<2x10000x128xf32, #tpu.memory_space<hbm>> -> memref<1x104x128xf32, #tpu.memory_space<hbm>>
      %dma_start3A_910 = tpu.memref_squeeze %dma_start3A_909 : memref<1x104x128xf32, #tpu.memory_space<hbm>> -> memref<104x128xf32, #tpu.memory_space<hbm>>
      %dma_start3A_911 = arith.constant 0 : i32
      %dma_start3A_912 = arith.constant 0 : i32
      %dma_start3A_913 = tpu.memref_slice %arg9[%dma_start3A_911, %dma_start3A_912] : memref<200x128xf32, #tpu.memory_space<vmem>> -> memref<104x128xf32, #tpu.memory_space<vmem>>
      tpu.enqueue_dma source(%dma_start3A_913 : memref<104x128xf32, #tpu.memory_space<vmem>>) target(%dma_start3A_910 : memref<104x128xf32, #tpu.memory_space<hbm>>) target_semaphore(%run_scoped3A : memref<!tpu.dma_semaphore, #tpu.memory_space<semaphore_mem>>)
      %dma_wait3A = arith.constant 0 : i32
      %dma_wait3A_914 = arith.constant 0 : i32
      %dma_wait3A_915 = tpu.memref_slice %arg9[%dma_wait3A, %dma_wait3A_914] : memref<200x128xf32, #tpu.memory_space<vmem>> -> memref<104x128xf32, #tpu.memory_space<vmem>>
      %dma_wait3A_916 = arith.constant 0 : i32
      %dma_wait3A_917 = tpu.memref_slice %arg5[%arg0, %add3A_870, %dma_wait3A_916] : memref<2x10000x128xf32, #tpu.memory_space<hbm>> -> memref<1x104x128xf32, #tpu.memory_space<hbm>>
      %dma_wait3A_918 = tpu.memref_squeeze %dma_wait3A_917 : memref<1x104x128xf32, #tpu.memory_space<hbm>> -> memref<104x128xf32, #tpu.memory_space<hbm>>
      %dma_wait3A_919 = arith.constant 0 : i32
      %dma_wait3A_920 = tpu.memref_slice %arg5[%arg0, %add3A_870, %dma_wait3A_919] : memref<2x10000x128xf32, #tpu.memory_space<hbm>> -> memref<1x104x128xf32, #tpu.memory_space<hbm>>
      %dma_wait3A_921 = tpu.memref_squeeze %dma_wait3A_920 : memref<1x104x128xf32, #tpu.memory_space<hbm>> -> memref<104x128xf32, #tpu.memory_space<hbm>>
      %dma_wait3A_922 = arith.constant 0 : i32
      %dma_wait3A_923 = arith.constant 0 : i32
      %dma_wait3A_924 = tpu.memref_slice %arg9[%dma_wait3A_922, %dma_wait3A_923] : memref<200x128xf32, #tpu.memory_space<vmem>> -> memref<104x128xf32, #tpu.memory_space<vmem>>
      tpu.wait_dma2 semaphore(%run_scoped3A : memref<!tpu.dma_semaphore, #tpu.memory_space<semaphore_mem>>) src(%dma_wait3A_924 : memref<104x128xf32, #tpu.memory_space<vmem>>) dst(%dma_wait3A_921 : memref<104x128xf32, #tpu.memory_space<hbm>>)
      tpu.yield
    }) : () -> ()
    %mul3A_871 = arith.constant 624 : i32
    %mul3A_872 = arith.muli %arg1, %mul3A_871 : i32
    %add3A_873 = arith.constant 104 : i32
    %add3A_874 = arith.addi %mul3A_872, %add3A_873 : i32
    "tpu.region"() ({
      %run_scoped3A = tpu.sem_alloc : memref<!tpu.dma_semaphore, #tpu.memory_space<semaphore_mem>>
      %dma_start3A = arith.constant 0 : i32
      %dma_start3A_903 = arith.constant 0 : i32
      %dma_start3A_904 = tpu.memref_slice %arg9[%dma_start3A, %dma_start3A_903] : memref<200x128xf32, #tpu.memory_space<vmem>> -> memref<104x128xf32, #tpu.memory_space<vmem>>
      %dma_start3A_905 = arith.constant 0 : i32
      %dma_start3A_906 = tpu.memref_slice %arg14[%add3A_874, %dma_start3A_905] : memref<10000x128xf32, #tpu.memory_space<vmem_shared>> -> memref<104x128xf32, #tpu.memory_space<vmem_shared>>
      %dma_start3A_907 = arith.constant 0 : i32
      %dma_start3A_908 = arith.constant 0 : i32
      %dma_start3A_909 = tpu.memref_slice %arg9[%dma_start3A_907, %dma_start3A_908] : memref<200x128xf32, #tpu.memory_space<vmem>> -> memref<104x128xf32, #tpu.memory_space<vmem>>
      %dma_start3A_910 = arith.constant 0 : i32
      %dma_start3A_911 = tpu.memref_slice %arg14[%add3A_874, %dma_start3A_910] : memref<10000x128xf32, #tpu.memory_space<vmem_shared>> -> memref<104x128xf32, #tpu.memory_space<vmem_shared>>
      tpu.enqueue_dma source(%dma_start3A_911 : memref<104x128xf32, #tpu.memory_space<vmem_shared>>) target(%dma_start3A_909 : memref<104x128xf32, #tpu.memory_space<vmem>>) target_semaphore(%run_scoped3A : memref<!tpu.dma_semaphore, #tpu.memory_space<semaphore_mem>>)
      %dma_wait3A = arith.constant 0 : i32
      %dma_wait3A_912 = arith.constant 0 : i32
      %dma_wait3A_913 = tpu.memref_slice %arg9[%dma_wait3A, %dma_wait3A_912] : memref<200x128xf32, #tpu.memory_space<vmem>> -> memref<104x128xf32, #tpu.memory_space<vmem>>
      %dma_wait3A_914 = arith.constant 0 : i32
      %dma_wait3A_915 = tpu.memref_slice %arg14[%add3A_874, %dma_wait3A_914] : memref<10000x128xf32, #tpu.memory_space<vmem_shared>> -> memref<104x128xf32, #tpu.memory_space<vmem_shared>>
      %dma_wait3A_916 = arith.constant 0 : i32
      %dma_wait3A_917 = arith.constant 0 : i32
      %dma_wait3A_918 = tpu.memref_slice %arg9[%dma_wait3A_916, %dma_wait3A_917] : memref<200x128xf32, #tpu.memory_space<vmem>> -> memref<104x128xf32, #tpu.memory_space<vmem>>
      %dma_wait3A_919 = arith.constant 0 : i32
      %dma_wait3A_920 = tpu.memref_slice %arg14[%add3A_874, %dma_wait3A_919] : memref<10000x128xf32, #tpu.memory_space<vmem_shared>> -> memref<104x128xf32, #tpu.memory_space<vmem_shared>>
      tpu.wait_dma2 semaphore(%run_scoped3A : memref<!tpu.dma_semaphore, #tpu.memory_space<semaphore_mem>>) src(%dma_wait3A_920 : memref<104x128xf32, #tpu.memory_space<vmem_shared>>) dst(%dma_wait3A_918 : memref<104x128xf32, #tpu.memory_space<vmem>>)
      tpu.yield
    }) : () -> ()
    "tpu.region"() ({
      %run_scoped3A = tpu.sem_alloc : memref<!tpu.dma_semaphore, #tpu.memory_space<semaphore_mem>>
      %dma_start3A = arith.constant 0 : i32
      %dma_start3A_903 = arith.constant 0 : i32
      %dma_start3A_904 = tpu.memref_slice %arg9[%dma_start3A, %dma_start3A_903] : memref<200x128xf32, #tpu.memory_space<vmem>> -> memref<104x128xf32, #tpu.memory_space<vmem>>
      %dma_start3A_905 = arith.constant 0 : i32
      %dma_start3A_906 = tpu.memref_slice %arg5[%arg0, %add3A_874, %dma_start3A_905] : memref<2x10000x128xf32, #tpu.memory_space<hbm>> -> memref<1x104x128xf32, #tpu.memory_space<hbm>>
      %dma_start3A_907 = tpu.memref_squeeze %dma_start3A_906 : memref<1x104x128xf32, #tpu.memory_space<hbm>> -> memref<104x128xf32, #tpu.memory_space<hbm>>
      %dma_start3A_908 = arith.constant 0 : i32
      %dma_start3A_909 = tpu.memref_slice %arg5[%arg0, %add3A_874, %dma_start3A_908] : memref<2x10000x128xf32, #tpu.memory_space<hbm>> -> memref<1x104x128xf32, #tpu.memory_space<hbm>>
      %dma_start3A_910 = tpu.memref_squeeze %dma_start3A_909 : memref<1x104x128xf32, #tpu.memory_space<hbm>> -> memref<104x128xf32, #tpu.memory_space<hbm>>
      %dma_start3A_911 = arith.constant 0 : i32
      %dma_start3A_912 = arith.constant 0 : i32
      %dma_start3A_913 = tpu.memref_slice %arg9[%dma_start3A_911, %dma_start3A_912] : memref<200x128xf32, #tpu.memory_space<vmem>> -> memref<104x128xf32, #tpu.memory_space<vmem>>
      tpu.enqueue_dma source(%dma_start3A_913 : memref<104x128xf32, #tpu.memory_space<vmem>>) target(%dma_start3A_910 : memref<104x128xf32, #tpu.memory_space<hbm>>) target_semaphore(%run_scoped3A : memref<!tpu.dma_semaphore, #tpu.memory_space<semaphore_mem>>)
      %dma_wait3A = arith.constant 0 : i32
      %dma_wait3A_914 = arith.constant 0 : i32
      %dma_wait3A_915 = tpu.memref_slice %arg9[%dma_wait3A, %dma_wait3A_914] : memref<200x128xf32, #tpu.memory_space<vmem>> -> memref<104x128xf32, #tpu.memory_space<vmem>>
      %dma_wait3A_916 = arith.constant 0 : i32
      %dma_wait3A_917 = tpu.memref_slice %arg5[%arg0, %add3A_874, %dma_wait3A_916] : memref<2x10000x128xf32, #tpu.memory_space<hbm>> -> memref<1x104x128xf32, #tpu.memory_space<hbm>>
      %dma_wait3A_918 = tpu.memref_squeeze %dma_wait3A_917 : memref<1x104x128xf32, #tpu.memory_space<hbm>> -> memref<104x128xf32, #tpu.memory_space<hbm>>
      %dma_wait3A_919 = arith.constant 0 : i32
      %dma_wait3A_920 = tpu.memref_slice %arg5[%arg0, %add3A_874, %dma_wait3A_919] : memref<2x10000x128xf32, #tpu.memory_space<hbm>> -> memref<1x104x128xf32, #tpu.memory_space<hbm>>
      %dma_wait3A_921 = tpu.memref_squeeze %dma_wait3A_920 : memref<1x104x128xf32, #tpu.memory_space<hbm>> -> memref<104x128xf32, #tpu.memory_space<hbm>>
      %dma_wait3A_922 = arith.constant 0 : i32
      %dma_wait3A_923 = arith.constant 0 : i32
      %dma_wait3A_924 = tpu.memref_slice %arg9[%dma_wait3A_922, %dma_wait3A_923] : memref<200x128xf32, #tpu.memory_space<vmem>> -> memref<104x128xf32, #tpu.memory_space<vmem>>
      tpu.wait_dma2 semaphore(%run_scoped3A : memref<!tpu.dma_semaphore, #tpu.memory_space<semaphore_mem>>) src(%dma_wait3A_924 : memref<104x128xf32, #tpu.memory_space<vmem>>) dst(%dma_wait3A_921 : memref<104x128xf32, #tpu.memory_space<hbm>>)
      tpu.yield
    }) : () -> ()
    %mul3A_875 = arith.constant 624 : i32
    %mul3A_876 = arith.muli %arg1, %mul3A_875 : i32
    %add3A_877 = arith.constant 208 : i32
    %add3A_878 = arith.addi %mul3A_876, %add3A_877 : i32
    "tpu.region"() ({
      %run_scoped3A = tpu.sem_alloc : memref<!tpu.dma_semaphore, #tpu.memory_space<semaphore_mem>>
      %dma_start3A = arith.constant 0 : i32
      %dma_start3A_903 = arith.constant 0 : i32
      %dma_start3A_904 = tpu.memref_slice %arg9[%dma_start3A, %dma_start3A_903] : memref<200x128xf32, #tpu.memory_space<vmem>> -> memref<104x128xf32, #tpu.memory_space<vmem>>
      %dma_start3A_905 = arith.constant 0 : i32
      %dma_start3A_906 = tpu.memref_slice %arg14[%add3A_878, %dma_start3A_905] : memref<10000x128xf32, #tpu.memory_space<vmem_shared>> -> memref<104x128xf32, #tpu.memory_space<vmem_shared>>
      %dma_start3A_907 = arith.constant 0 : i32
      %dma_start3A_908 = arith.constant 0 : i32
      %dma_start3A_909 = tpu.memref_slice %arg9[%dma_start3A_907, %dma_start3A_908] : memref<200x128xf32, #tpu.memory_space<vmem>> -> memref<104x128xf32, #tpu.memory_space<vmem>>
      %dma_start3A_910 = arith.constant 0 : i32
      %dma_start3A_911 = tpu.memref_slice %arg14[%add3A_878, %dma_start3A_910] : memref<10000x128xf32, #tpu.memory_space<vmem_shared>> -> memref<104x128xf32, #tpu.memory_space<vmem_shared>>
      tpu.enqueue_dma source(%dma_start3A_911 : memref<104x128xf32, #tpu.memory_space<vmem_shared>>) target(%dma_start3A_909 : memref<104x128xf32, #tpu.memory_space<vmem>>) target_semaphore(%run_scoped3A : memref<!tpu.dma_semaphore, #tpu.memory_space<semaphore_mem>>)
      %dma_wait3A = arith.constant 0 : i32
      %dma_wait3A_912 = arith.constant 0 : i32
      %dma_wait3A_913 = tpu.memref_slice %arg9[%dma_wait3A, %dma_wait3A_912] : memref<200x128xf32, #tpu.memory_space<vmem>> -> memref<104x128xf32, #tpu.memory_space<vmem>>
      %dma_wait3A_914 = arith.constant 0 : i32
      %dma_wait3A_915 = tpu.memref_slice %arg14[%add3A_878, %dma_wait3A_914] : memref<10000x128xf32, #tpu.memory_space<vmem_shared>> -> memref<104x128xf32, #tpu.memory_space<vmem_shared>>
      %dma_wait3A_916 = arith.constant 0 : i32
      %dma_wait3A_917 = arith.constant 0 : i32
      %dma_wait3A_918 = tpu.memref_slice %arg9[%dma_wait3A_916, %dma_wait3A_917] : memref<200x128xf32, #tpu.memory_space<vmem>> -> memref<104x128xf32, #tpu.memory_space<vmem>>
      %dma_wait3A_919 = arith.constant 0 : i32
      %dma_wait3A_920 = tpu.memref_slice %arg14[%add3A_878, %dma_wait3A_919] : memref<10000x128xf32, #tpu.memory_space<vmem_shared>> -> memref<104x128xf32, #tpu.memory_space<vmem_shared>>
      tpu.wait_dma2 semaphore(%run_scoped3A : memref<!tpu.dma_semaphore, #tpu.memory_space<semaphore_mem>>) src(%dma_wait3A_920 : memref<104x128xf32, #tpu.memory_space<vmem_shared>>) dst(%dma_wait3A_918 : memref<104x128xf32, #tpu.memory_space<vmem>>)
      tpu.yield
    }) : () -> ()
    "tpu.region"() ({
      %run_scoped3A = tpu.sem_alloc : memref<!tpu.dma_semaphore, #tpu.memory_space<semaphore_mem>>
      %dma_start3A = arith.constant 0 : i32
      %dma_start3A_903 = arith.constant 0 : i32
      %dma_start3A_904 = tpu.memref_slice %arg9[%dma_start3A, %dma_start3A_903] : memref<200x128xf32, #tpu.memory_space<vmem>> -> memref<104x128xf32, #tpu.memory_space<vmem>>
      %dma_start3A_905 = arith.constant 0 : i32
      %dma_start3A_906 = tpu.memref_slice %arg5[%arg0, %add3A_878, %dma_start3A_905] : memref<2x10000x128xf32, #tpu.memory_space<hbm>> -> memref<1x104x128xf32, #tpu.memory_space<hbm>>
      %dma_start3A_907 = tpu.memref_squeeze %dma_start3A_906 : memref<1x104x128xf32, #tpu.memory_space<hbm>> -> memref<104x128xf32, #tpu.memory_space<hbm>>
      %dma_start3A_908 = arith.constant 0 : i32
      %dma_start3A_909 = tpu.memref_slice %arg5[%arg0, %add3A_878, %dma_start3A_908] : memref<2x10000x128xf32, #tpu.memory_space<hbm>> -> memref<1x104x128xf32, #tpu.memory_space<hbm>>
      %dma_start3A_910 = tpu.memref_squeeze %dma_start3A_909 : memref<1x104x128xf32, #tpu.memory_space<hbm>> -> memref<104x128xf32, #tpu.memory_space<hbm>>
      %dma_start3A_911 = arith.constant 0 : i32
      %dma_start3A_912 = arith.constant 0 : i32
      %dma_start3A_913 = tpu.memref_slice %arg9[%dma_start3A_911, %dma_start3A_912] : memref<200x128xf32, #tpu.memory_space<vmem>> -> memref<104x128xf32, #tpu.memory_space<vmem>>
      tpu.enqueue_dma source(%dma_start3A_913 : memref<104x128xf32, #tpu.memory_space<vmem>>) target(%dma_start3A_910 : memref<104x128xf32, #tpu.memory_space<hbm>>) target_semaphore(%run_scoped3A : memref<!tpu.dma_semaphore, #tpu.memory_space<semaphore_mem>>)
      %dma_wait3A = arith.constant 0 : i32
      %dma_wait3A_914 = arith.constant 0 : i32
      %dma_wait3A_915 = tpu.memref_slice %arg9[%dma_wait3A, %dma_wait3A_914] : memref<200x128xf32, #tpu.memory_space<vmem>> -> memref<104x128xf32, #tpu.memory_space<vmem>>
      %dma_wait3A_916 = arith.constant 0 : i32
      %dma_wait3A_917 = tpu.memref_slice %arg5[%arg0, %add3A_878, %dma_wait3A_916] : memref<2x10000x128xf32, #tpu.memory_space<hbm>> -> memref<1x104x128xf32, #tpu.memory_space<hbm>>
      %dma_wait3A_918 = tpu.memref_squeeze %dma_wait3A_917 : memref<1x104x128xf32, #tpu.memory_space<hbm>> -> memref<104x128xf32, #tpu.memory_space<hbm>>
      %dma_wait3A_919 = arith.constant 0 : i32
      %dma_wait3A_920 = tpu.memref_slice %arg5[%arg0, %add3A_878, %dma_wait3A_919] : memref<2x10000x128xf32, #tpu.memory_space<hbm>> -> memref<1x104x128xf32, #tpu.memory_space<hbm>>
      %dma_wait3A_921 = tpu.memref_squeeze %dma_wait3A_920 : memref<1x104x128xf32, #tpu.memory_space<hbm>> -> memref<104x128xf32, #tpu.memory_space<hbm>>
      %dma_wait3A_922 = arith.constant 0 : i32
      %dma_wait3A_923 = arith.constant 0 : i32
      %dma_wait3A_924 = tpu.memref_slice %arg9[%dma_wait3A_922, %dma_wait3A_923] : memref<200x128xf32, #tpu.memory_space<vmem>> -> memref<104x128xf32, #tpu.memory_space<vmem>>
      tpu.wait_dma2 semaphore(%run_scoped3A : memref<!tpu.dma_semaphore, #tpu.memory_space<semaphore_mem>>) src(%dma_wait3A_924 : memref<104x128xf32, #tpu.memory_space<vmem>>) dst(%dma_wait3A_921 : memref<104x128xf32, #tpu.memory_space<hbm>>)
      tpu.yield
    }) : () -> ()
    %mul3A_879 = arith.constant 624 : i32
    %mul3A_880 = arith.muli %arg1, %mul3A_879 : i32
    %add3A_881 = arith.constant 312 : i32
    %add3A_882 = arith.addi %mul3A_880, %add3A_881 : i32
    "tpu.region"() ({
      %run_scoped3A = tpu.sem_alloc : memref<!tpu.dma_semaphore, #tpu.memory_space<semaphore_mem>>
      %dma_start3A = arith.constant 0 : i32
      %dma_start3A_903 = arith.constant 0 : i32
      %dma_start3A_904 = tpu.memref_slice %arg9[%dma_start3A, %dma_start3A_903] : memref<200x128xf32, #tpu.memory_space<vmem>> -> memref<104x128xf32, #tpu.memory_space<vmem>>
      %dma_start3A_905 = arith.constant 0 : i32
      %dma_start3A_906 = tpu.memref_slice %arg14[%add3A_882, %dma_start3A_905] : memref<10000x128xf32, #tpu.memory_space<vmem_shared>> -> memref<104x128xf32, #tpu.memory_space<vmem_shared>>
      %dma_start3A_907 = arith.constant 0 : i32
      %dma_start3A_908 = arith.constant 0 : i32
      %dma_start3A_909 = tpu.memref_slice %arg9[%dma_start3A_907, %dma_start3A_908] : memref<200x128xf32, #tpu.memory_space<vmem>> -> memref<104x128xf32, #tpu.memory_space<vmem>>
      %dma_start3A_910 = arith.constant 0 : i32
      %dma_start3A_911 = tpu.memref_slice %arg14[%add3A_882, %dma_start3A_910] : memref<10000x128xf32, #tpu.memory_space<vmem_shared>> -> memref<104x128xf32, #tpu.memory_space<vmem_shared>>
      tpu.enqueue_dma source(%dma_start3A_911 : memref<104x128xf32, #tpu.memory_space<vmem_shared>>) target(%dma_start3A_909 : memref<104x128xf32, #tpu.memory_space<vmem>>) target_semaphore(%run_scoped3A : memref<!tpu.dma_semaphore, #tpu.memory_space<semaphore_mem>>)
      %dma_wait3A = arith.constant 0 : i32
      %dma_wait3A_912 = arith.constant 0 : i32
      %dma_wait3A_913 = tpu.memref_slice %arg9[%dma_wait3A, %dma_wait3A_912] : memref<200x128xf32, #tpu.memory_space<vmem>> -> memref<104x128xf32, #tpu.memory_space<vmem>>
      %dma_wait3A_914 = arith.constant 0 : i32
      %dma_wait3A_915 = tpu.memref_slice %arg14[%add3A_882, %dma_wait3A_914] : memref<10000x128xf32, #tpu.memory_space<vmem_shared>> -> memref<104x128xf32, #tpu.memory_space<vmem_shared>>
      %dma_wait3A_916 = arith.constant 0 : i32
      %dma_wait3A_917 = arith.constant 0 : i32
      %dma_wait3A_918 = tpu.memref_slice %arg9[%dma_wait3A_916, %dma_wait3A_917] : memref<200x128xf32, #tpu.memory_space<vmem>> -> memref<104x128xf32, #tpu.memory_space<vmem>>
      %dma_wait3A_919 = arith.constant 0 : i32
      %dma_wait3A_920 = tpu.memref_slice %arg14[%add3A_882, %dma_wait3A_919] : memref<10000x128xf32, #tpu.memory_space<vmem_shared>> -> memref<104x128xf32, #tpu.memory_space<vmem_shared>>
      tpu.wait_dma2 semaphore(%run_scoped3A : memref<!tpu.dma_semaphore, #tpu.memory_space<semaphore_mem>>) src(%dma_wait3A_920 : memref<104x128xf32, #tpu.memory_space<vmem_shared>>) dst(%dma_wait3A_918 : memref<104x128xf32, #tpu.memory_space<vmem>>)
      tpu.yield
    }) : () -> ()
    "tpu.region"() ({
      %run_scoped3A = tpu.sem_alloc : memref<!tpu.dma_semaphore, #tpu.memory_space<semaphore_mem>>
      %dma_start3A = arith.constant 0 : i32
      %dma_start3A_903 = arith.constant 0 : i32
      %dma_start3A_904 = tpu.memref_slice %arg9[%dma_start3A, %dma_start3A_903] : memref<200x128xf32, #tpu.memory_space<vmem>> -> memref<104x128xf32, #tpu.memory_space<vmem>>
      %dma_start3A_905 = arith.constant 0 : i32
      %dma_start3A_906 = tpu.memref_slice %arg5[%arg0, %add3A_882, %dma_start3A_905] : memref<2x10000x128xf32, #tpu.memory_space<hbm>> -> memref<1x104x128xf32, #tpu.memory_space<hbm>>
      %dma_start3A_907 = tpu.memref_squeeze %dma_start3A_906 : memref<1x104x128xf32, #tpu.memory_space<hbm>> -> memref<104x128xf32, #tpu.memory_space<hbm>>
      %dma_start3A_908 = arith.constant 0 : i32
      %dma_start3A_909 = tpu.memref_slice %arg5[%arg0, %add3A_882, %dma_start3A_908] : memref<2x10000x128xf32, #tpu.memory_space<hbm>> -> memref<1x104x128xf32, #tpu.memory_space<hbm>>
      %dma_start3A_910 = tpu.memref_squeeze %dma_start3A_909 : memref<1x104x128xf32, #tpu.memory_space<hbm>> -> memref<104x128xf32, #tpu.memory_space<hbm>>
      %dma_start3A_911 = arith.constant 0 : i32
      %dma_start3A_912 = arith.constant 0 : i32
      %dma_start3A_913 = tpu.memref_slice %arg9[%dma_start3A_911, %dma_start3A_912] : memref<200x128xf32, #tpu.memory_space<vmem>> -> memref<104x128xf32, #tpu.memory_space<vmem>>
      tpu.enqueue_dma source(%dma_start3A_913 : memref<104x128xf32, #tpu.memory_space<vmem>>) target(%dma_start3A_910 : memref<104x128xf32, #tpu.memory_space<hbm>>) target_semaphore(%run_scoped3A : memref<!tpu.dma_semaphore, #tpu.memory_space<semaphore_mem>>)
      %dma_wait3A = arith.constant 0 : i32
      %dma_wait3A_914 = arith.constant 0 : i32
      %dma_wait3A_915 = tpu.memref_slice %arg9[%dma_wait3A, %dma_wait3A_914] : memref<200x128xf32, #tpu.memory_space<vmem>> -> memref<104x128xf32, #tpu.memory_space<vmem>>
      %dma_wait3A_916 = arith.constant 0 : i32
      %dma_wait3A_917 = tpu.memref_slice %arg5[%arg0, %add3A_882, %dma_wait3A_916] : memref<2x10000x128xf32, #tpu.memory_space<hbm>> -> memref<1x104x128xf32, #tpu.memory_space<hbm>>
      %dma_wait3A_918 = tpu.memref_squeeze %dma_wait3A_917 : memref<1x104x128xf32, #tpu.memory_space<hbm>> -> memref<104x128xf32, #tpu.memory_space<hbm>>
      %dma_wait3A_919 = arith.constant 0 : i32
      %dma_wait3A_920 = tpu.memref_slice %arg5[%arg0, %add3A_882, %dma_wait3A_919] : memref<2x10000x128xf32, #tpu.memory_space<hbm>> -> memref<1x104x128xf32, #tpu.memory_space<hbm>>
      %dma_wait3A_921 = tpu.memref_squeeze %dma_wait3A_920 : memref<1x104x128xf32, #tpu.memory_space<hbm>> -> memref<104x128xf32, #tpu.memory_space<hbm>>
      %dma_wait3A_922 = arith.constant 0 : i32
      %dma_wait3A_923 = arith.constant 0 : i32
      %dma_wait3A_924 = tpu.memref_slice %arg9[%dma_wait3A_922, %dma_wait3A_923] : memref<200x128xf32, #tpu.memory_space<vmem>> -> memref<104x128xf32, #tpu.memory_space<vmem>>
      tpu.wait_dma2 semaphore(%run_scoped3A : memref<!tpu.dma_semaphore, #tpu.memory_space<semaphore_mem>>) src(%dma_wait3A_924 : memref<104x128xf32, #tpu.memory_space<vmem>>) dst(%dma_wait3A_921 : memref<104x128xf32, #tpu.memory_space<hbm>>)
      tpu.yield
    }) : () -> ()
    %mul3A_883 = arith.constant 624 : i32
    %mul3A_884 = arith.muli %arg1, %mul3A_883 : i32
    %add3A_885 = arith.constant 416 : i32
    %add3A_886 = arith.addi %mul3A_884, %add3A_885 : i32
    "tpu.region"() ({
      %run_scoped3A = tpu.sem_alloc : memref<!tpu.dma_semaphore, #tpu.memory_space<semaphore_mem>>
      %dma_start3A = arith.constant 0 : i32
      %dma_start3A_903 = arith.constant 0 : i32
      %dma_start3A_904 = tpu.memref_slice %arg9[%dma_start3A, %dma_start3A_903] : memref<200x128xf32, #tpu.memory_space<vmem>> -> memref<104x128xf32, #tpu.memory_space<vmem>>
      %dma_start3A_905 = arith.constant 0 : i32
      %dma_start3A_906 = tpu.memref_slice %arg14[%add3A_886, %dma_start3A_905] : memref<10000x128xf32, #tpu.memory_space<vmem_shared>> -> memref<104x128xf32, #tpu.memory_space<vmem_shared>>
      %dma_start3A_907 = arith.constant 0 : i32
      %dma_start3A_908 = arith.constant 0 : i32
      %dma_start3A_909 = tpu.memref_slice %arg9[%dma_start3A_907, %dma_start3A_908] : memref<200x128xf32, #tpu.memory_space<vmem>> -> memref<104x128xf32, #tpu.memory_space<vmem>>
      %dma_start3A_910 = arith.constant 0 : i32
      %dma_start3A_911 = tpu.memref_slice %arg14[%add3A_886, %dma_start3A_910] : memref<10000x128xf32, #tpu.memory_space<vmem_shared>> -> memref<104x128xf32, #tpu.memory_space<vmem_shared>>
      tpu.enqueue_dma source(%dma_start3A_911 : memref<104x128xf32, #tpu.memory_space<vmem_shared>>) target(%dma_start3A_909 : memref<104x128xf32, #tpu.memory_space<vmem>>) target_semaphore(%run_scoped3A : memref<!tpu.dma_semaphore, #tpu.memory_space<semaphore_mem>>)
      %dma_wait3A = arith.constant 0 : i32
      %dma_wait3A_912 = arith.constant 0 : i32
      %dma_wait3A_913 = tpu.memref_slice %arg9[%dma_wait3A, %dma_wait3A_912] : memref<200x128xf32, #tpu.memory_space<vmem>> -> memref<104x128xf32, #tpu.memory_space<vmem>>
      %dma_wait3A_914 = arith.constant 0 : i32
      %dma_wait3A_915 = tpu.memref_slice %arg14[%add3A_886, %dma_wait3A_914] : memref<10000x128xf32, #tpu.memory_space<vmem_shared>> -> memref<104x128xf32, #tpu.memory_space<vmem_shared>>
      %dma_wait3A_916 = arith.constant 0 : i32
      %dma_wait3A_917 = arith.constant 0 : i32
      %dma_wait3A_918 = tpu.memref_slice %arg9[%dma_wait3A_916, %dma_wait3A_917] : memref<200x128xf32, #tpu.memory_space<vmem>> -> memref<104x128xf32, #tpu.memory_space<vmem>>
      %dma_wait3A_919 = arith.constant 0 : i32
      %dma_wait3A_920 = tpu.memref_slice %arg14[%add3A_886, %dma_wait3A_919] : memref<10000x128xf32, #tpu.memory_space<vmem_shared>> -> memref<104x128xf32, #tpu.memory_space<vmem_shared>>
      tpu.wait_dma2 semaphore(%run_scoped3A : memref<!tpu.dma_semaphore, #tpu.memory_space<semaphore_mem>>) src(%dma_wait3A_920 : memref<104x128xf32, #tpu.memory_space<vmem_shared>>) dst(%dma_wait3A_918 : memref<104x128xf32, #tpu.memory_space<vmem>>)
      tpu.yield
    }) : () -> ()
    "tpu.region"() ({
      %run_scoped3A = tpu.sem_alloc : memref<!tpu.dma_semaphore, #tpu.memory_space<semaphore_mem>>
      %dma_start3A = arith.constant 0 : i32
      %dma_start3A_903 = arith.constant 0 : i32
      %dma_start3A_904 = tpu.memref_slice %arg9[%dma_start3A, %dma_start3A_903] : memref<200x128xf32, #tpu.memory_space<vmem>> -> memref<104x128xf32, #tpu.memory_space<vmem>>
      %dma_start3A_905 = arith.constant 0 : i32
      %dma_start3A_906 = tpu.memref_slice %arg5[%arg0, %add3A_886, %dma_start3A_905] : memref<2x10000x128xf32, #tpu.memory_space<hbm>> -> memref<1x104x128xf32, #tpu.memory_space<hbm>>
      %dma_start3A_907 = tpu.memref_squeeze %dma_start3A_906 : memref<1x104x128xf32, #tpu.memory_space<hbm>> -> memref<104x128xf32, #tpu.memory_space<hbm>>
      %dma_start3A_908 = arith.constant 0 : i32
      %dma_start3A_909 = tpu.memref_slice %arg5[%arg0, %add3A_886, %dma_start3A_908] : memref<2x10000x128xf32, #tpu.memory_space<hbm>> -> memref<1x104x128xf32, #tpu.memory_space<hbm>>
      %dma_start3A_910 = tpu.memref_squeeze %dma_start3A_909 : memref<1x104x128xf32, #tpu.memory_space<hbm>> -> memref<104x128xf32, #tpu.memory_space<hbm>>
      %dma_start3A_911 = arith.constant 0 : i32
      %dma_start3A_912 = arith.constant 0 : i32
      %dma_start3A_913 = tpu.memref_slice %arg9[%dma_start3A_911, %dma_start3A_912] : memref<200x128xf32, #tpu.memory_space<vmem>> -> memref<104x128xf32, #tpu.memory_space<vmem>>
      tpu.enqueue_dma source(%dma_start3A_913 : memref<104x128xf32, #tpu.memory_space<vmem>>) target(%dma_start3A_910 : memref<104x128xf32, #tpu.memory_space<hbm>>) target_semaphore(%run_scoped3A : memref<!tpu.dma_semaphore, #tpu.memory_space<semaphore_mem>>)
      %dma_wait3A = arith.constant 0 : i32
      %dma_wait3A_914 = arith.constant 0 : i32
      %dma_wait3A_915 = tpu.memref_slice %arg9[%dma_wait3A, %dma_wait3A_914] : memref<200x128xf32, #tpu.memory_space<vmem>> -> memref<104x128xf32, #tpu.memory_space<vmem>>
      %dma_wait3A_916 = arith.constant 0 : i32
      %dma_wait3A_917 = tpu.memref_slice %arg5[%arg0, %add3A_886, %dma_wait3A_916] : memref<2x10000x128xf32, #tpu.memory_space<hbm>> -> memref<1x104x128xf32, #tpu.memory_space<hbm>>
      %dma_wait3A_918 = tpu.memref_squeeze %dma_wait3A_917 : memref<1x104x128xf32, #tpu.memory_space<hbm>> -> memref<104x128xf32, #tpu.memory_space<hbm>>
      %dma_wait3A_919 = arith.constant 0 : i32
      %dma_wait3A_920 = tpu.memref_slice %arg5[%arg0, %add3A_886, %dma_wait3A_919] : memref<2x10000x128xf32, #tpu.memory_space<hbm>> -> memref<1x104x128xf32, #tpu.memory_space<hbm>>
      %dma_wait3A_921 = tpu.memref_squeeze %dma_wait3A_920 : memref<1x104x128xf32, #tpu.memory_space<hbm>> -> memref<104x128xf32, #tpu.memory_space<hbm>>
      %dma_wait3A_922 = arith.constant 0 : i32
      %dma_wait3A_923 = arith.constant 0 : i32
      %dma_wait3A_924 = tpu.memref_slice %arg9[%dma_wait3A_922, %dma_wait3A_923] : memref<200x128xf32, #tpu.memory_space<vmem>> -> memref<104x128xf32, #tpu.memory_space<vmem>>
      tpu.wait_dma2 semaphore(%run_scoped3A : memref<!tpu.dma_semaphore, #tpu.memory_space<semaphore_mem>>) src(%dma_wait3A_924 : memref<104x128xf32, #tpu.memory_space<vmem>>) dst(%dma_wait3A_921 : memref<104x128xf32, #tpu.memory_space<hbm>>)
      tpu.yield
    }) : () -> ()
    %mul3A_887 = arith.constant 624 : i32
    %mul3A_888 = arith.muli %arg1, %mul3A_887 : i32
    %add3A_889 = arith.constant 520 : i32
    %add3A_890 = arith.addi %mul3A_888, %add3A_889 : i32
    "tpu.region"() ({
      %run_scoped3A = tpu.sem_alloc : memref<!tpu.dma_semaphore, #tpu.memory_space<semaphore_mem>>
      %dma_start3A = arith.constant 0 : i32
      %dma_start3A_903 = arith.constant 0 : i32
      %dma_start3A_904 = tpu.memref_slice %arg9[%dma_start3A, %dma_start3A_903] : memref<200x128xf32, #tpu.memory_space<vmem>> -> memref<104x128xf32, #tpu.memory_space<vmem>>
      %dma_start3A_905 = arith.constant 0 : i32
      %dma_start3A_906 = tpu.memref_slice %arg14[%add3A_890, %dma_start3A_905] : memref<10000x128xf32, #tpu.memory_space<vmem_shared>> -> memref<104x128xf32, #tpu.memory_space<vmem_shared>>
      %dma_start3A_907 = arith.constant 0 : i32
      %dma_start3A_908 = arith.constant 0 : i32
      %dma_start3A_909 = tpu.memref_slice %arg9[%dma_start3A_907, %dma_start3A_908] : memref<200x128xf32, #tpu.memory_space<vmem>> -> memref<104x128xf32, #tpu.memory_space<vmem>>
      %dma_start3A_910 = arith.constant 0 : i32
      %dma_start3A_911 = tpu.memref_slice %arg14[%add3A_890, %dma_start3A_910] : memref<10000x128xf32, #tpu.memory_space<vmem_shared>> -> memref<104x128xf32, #tpu.memory_space<vmem_shared>>
      tpu.enqueue_dma source(%dma_start3A_911 : memref<104x128xf32, #tpu.memory_space<vmem_shared>>) target(%dma_start3A_909 : memref<104x128xf32, #tpu.memory_space<vmem>>) target_semaphore(%run_scoped3A : memref<!tpu.dma_semaphore, #tpu.memory_space<semaphore_mem>>)
      %dma_wait3A = arith.constant 0 : i32
      %dma_wait3A_912 = arith.constant 0 : i32
      %dma_wait3A_913 = tpu.memref_slice %arg9[%dma_wait3A, %dma_wait3A_912] : memref<200x128xf32, #tpu.memory_space<vmem>> -> memref<104x128xf32, #tpu.memory_space<vmem>>
      %dma_wait3A_914 = arith.constant 0 : i32
      %dma_wait3A_915 = tpu.memref_slice %arg14[%add3A_890, %dma_wait3A_914] : memref<10000x128xf32, #tpu.memory_space<vmem_shared>> -> memref<104x128xf32, #tpu.memory_space<vmem_shared>>
      %dma_wait3A_916 = arith.constant 0 : i32
      %dma_wait3A_917 = arith.constant 0 : i32
      %dma_wait3A_918 = tpu.memref_slice %arg9[%dma_wait3A_916, %dma_wait3A_917] : memref<200x128xf32, #tpu.memory_space<vmem>> -> memref<104x128xf32, #tpu.memory_space<vmem>>
      %dma_wait3A_919 = arith.constant 0 : i32
      %dma_wait3A_920 = tpu.memref_slice %arg14[%add3A_890, %dma_wait3A_919] : memref<10000x128xf32, #tpu.memory_space<vmem_shared>> -> memref<104x128xf32, #tpu.memory_space<vmem_shared>>
      tpu.wait_dma2 semaphore(%run_scoped3A : memref<!tpu.dma_semaphore, #tpu.memory_space<semaphore_mem>>) src(%dma_wait3A_920 : memref<104x128xf32, #tpu.memory_space<vmem_shared>>) dst(%dma_wait3A_918 : memref<104x128xf32, #tpu.memory_space<vmem>>)
      tpu.yield
    }) : () -> ()
    "tpu.region"() ({
      %run_scoped3A = tpu.sem_alloc : memref<!tpu.dma_semaphore, #tpu.memory_space<semaphore_mem>>
      %dma_start3A = arith.constant 0 : i32
      %dma_start3A_903 = arith.constant 0 : i32
      %dma_start3A_904 = tpu.memref_slice %arg9[%dma_start3A, %dma_start3A_903] : memref<200x128xf32, #tpu.memory_space<vmem>> -> memref<104x128xf32, #tpu.memory_space<vmem>>
      %dma_start3A_905 = arith.constant 0 : i32
      %dma_start3A_906 = tpu.memref_slice %arg5[%arg0, %add3A_890, %dma_start3A_905] : memref<2x10000x128xf32, #tpu.memory_space<hbm>> -> memref<1x104x128xf32, #tpu.memory_space<hbm>>
      %dma_start3A_907 = tpu.memref_squeeze %dma_start3A_906 : memref<1x104x128xf32, #tpu.memory_space<hbm>> -> memref<104x128xf32, #tpu.memory_space<hbm>>
      %dma_start3A_908 = arith.constant 0 : i32
      %dma_start3A_909 = tpu.memref_slice %arg5[%arg0, %add3A_890, %dma_start3A_908] : memref<2x10000x128xf32, #tpu.memory_space<hbm>> -> memref<1x104x128xf32, #tpu.memory_space<hbm>>
      %dma_start3A_910 = tpu.memref_squeeze %dma_start3A_909 : memref<1x104x128xf32, #tpu.memory_space<hbm>> -> memref<104x128xf32, #tpu.memory_space<hbm>>
      %dma_start3A_911 = arith.constant 0 : i32
      %dma_start3A_912 = arith.constant 0 : i32
      %dma_start3A_913 = tpu.memref_slice %arg9[%dma_start3A_911, %dma_start3A_912] : memref<200x128xf32, #tpu.memory_space<vmem>> -> memref<104x128xf32, #tpu.memory_space<vmem>>
      tpu.enqueue_dma source(%dma_start3A_913 : memref<104x128xf32, #tpu.memory_space<vmem>>) target(%dma_start3A_910 : memref<104x128xf32, #tpu.memory_space<hbm>>) target_semaphore(%run_scoped3A : memref<!tpu.dma_semaphore, #tpu.memory_space<semaphore_mem>>)
      %dma_wait3A = arith.constant 0 : i32
      %dma_wait3A_914 = arith.constant 0 : i32
      %dma_wait3A_915 = tpu.memref_slice %arg9[%dma_wait3A, %dma_wait3A_914] : memref<200x128xf32, #tpu.memory_space<vmem>> -> memref<104x128xf32, #tpu.memory_space<vmem>>
      %dma_wait3A_916 = arith.constant 0 : i32
      %dma_wait3A_917 = tpu.memref_slice %arg5[%arg0, %add3A_890, %dma_wait3A_916] : memref<2x10000x128xf32, #tpu.memory_space<hbm>> -> memref<1x104x128xf32, #tpu.memory_space<hbm>>
      %dma_wait3A_918 = tpu.memref_squeeze %dma_wait3A_917 : memref<1x104x128xf32, #tpu.memory_space<hbm>> -> memref<104x128xf32, #tpu.memory_space<hbm>>
      %dma_wait3A_919 = arith.constant 0 : i32
      %dma_wait3A_920 = tpu.memref_slice %arg5[%arg0, %add3A_890, %dma_wait3A_919] : memref<2x10000x128xf32, #tpu.memory_space<hbm>> -> memref<1x104x128xf32, #tpu.memory_space<hbm>>
      %dma_wait3A_921 = tpu.memref_squeeze %dma_wait3A_920 : memref<1x104x128xf32, #tpu.memory_space<hbm>> -> memref<104x128xf32, #tpu.memory_space<hbm>>
      %dma_wait3A_922 = arith.constant 0 : i32
      %dma_wait3A_923 = arith.constant 0 : i32
      %dma_wait3A_924 = tpu.memref_slice %arg9[%dma_wait3A_922, %dma_wait3A_923] : memref<200x128xf32, #tpu.memory_space<vmem>> -> memref<104x128xf32, #tpu.memory_space<vmem>>
      tpu.wait_dma2 semaphore(%run_scoped3A : memref<!tpu.dma_semaphore, #tpu.memory_space<semaphore_mem>>) src(%dma_wait3A_924 : memref<104x128xf32, #tpu.memory_space<vmem>>) dst(%dma_wait3A_921 : memref<104x128xf32, #tpu.memory_space<hbm>>)
      tpu.yield
    }) : () -> ()
    %mul3A_891 = arith.constant 624 : i32
    %mul3A_892 = arith.muli %arg1, %mul3A_891 : i32
    "tpu.region"() ({
      %run_scoped3A = tpu.sem_alloc : memref<!tpu.dma_semaphore, #tpu.memory_space<semaphore_mem>>
      %dma_start3A = tpu.memref_slice %arg15[%mul3A_892] : memref<10000xf32, #tpu.memory_space<vmem_shared>> -> memref<624xf32, #tpu.memory_space<vmem_shared>>
      %dma_start3A_903 = tpu.memref_slice %arg15[%mul3A_892] : memref<10000xf32, #tpu.memory_space<vmem_shared>> -> memref<624xf32, #tpu.memory_space<vmem_shared>>
      tpu.enqueue_dma source(%dma_start3A_903 : memref<624xf32, #tpu.memory_space<vmem_shared>>) target(%arg13 : memref<624xf32, #tpu.memory_space<vmem>>) target_semaphore(%run_scoped3A : memref<!tpu.dma_semaphore, #tpu.memory_space<semaphore_mem>>)
      %dma_wait3A = tpu.memref_slice %arg15[%mul3A_892] : memref<10000xf32, #tpu.memory_space<vmem_shared>> -> memref<624xf32, #tpu.memory_space<vmem_shared>>
      %dma_wait3A_904 = tpu.memref_slice %arg15[%mul3A_892] : memref<10000xf32, #tpu.memory_space<vmem_shared>> -> memref<624xf32, #tpu.memory_space<vmem_shared>>
      tpu.wait_dma2 semaphore(%run_scoped3A : memref<!tpu.dma_semaphore, #tpu.memory_space<semaphore_mem>>) src(%dma_wait3A_904 : memref<624xf32, #tpu.memory_space<vmem_shared>>) dst(%arg13 : memref<624xf32, #tpu.memory_space<vmem>>)
      tpu.yield
    }) : () -> ()
    %mul3A_893 = arith.constant 10000 : i32
    %mul3A_894 = arith.muli %arg0, %mul3A_893 : i32
    %mul3A_895 = arith.constant 624 : i32
    %mul3A_896 = arith.muli %arg1, %mul3A_895 : i32
    %add3A_897 = arith.addi %mul3A_894, %mul3A_896 : i32
    "tpu.region"() ({
      %run_scoped3A = tpu.sem_alloc : memref<!tpu.dma_semaphore, #tpu.memory_space<semaphore_mem>>
      %dma_start3A = tpu.memref_slice %arg6[%add3A_897] : memref<20000xf32, #tpu.memory_space<hbm>> -> memref<624xf32, #tpu.memory_space<hbm>>
      %dma_start3A_903 = tpu.memref_slice %arg6[%add3A_897] : memref<20000xf32, #tpu.memory_space<hbm>> -> memref<624xf32, #tpu.memory_space<hbm>>
      tpu.enqueue_dma source(%arg13 : memref<624xf32, #tpu.memory_space<vmem>>) target(%dma_start3A_903 : memref<624xf32, #tpu.memory_space<hbm>>) target_semaphore(%run_scoped3A : memref<!tpu.dma_semaphore, #tpu.memory_space<semaphore_mem>>)
      %dma_wait3A = tpu.memref_slice %arg6[%add3A_897] : memref<20000xf32, #tpu.memory_space<hbm>> -> memref<624xf32, #tpu.memory_space<hbm>>
      %dma_wait3A_904 = tpu.memref_slice %arg6[%add3A_897] : memref<20000xf32, #tpu.memory_space<hbm>> -> memref<624xf32, #tpu.memory_space<hbm>>
      tpu.wait_dma2 semaphore(%run_scoped3A : memref<!tpu.dma_semaphore, #tpu.memory_space<semaphore_mem>>) src(%arg13 : memref<624xf32, #tpu.memory_space<vmem>>) dst(%dma_wait3A_904 : memref<624xf32, #tpu.memory_space<hbm>>)
      tpu.yield
    }) : () -> ()
    %eq3A_898 = arith.constant 15 : i32
    %eq3A_899 = arith.cmpi eq, %arg1, %eq3A_898 : i32
    %convert_element_type3A_900 = arith.extui %eq3A_899 : i1 to i32
    %cond3A_901 = arith.constant 0 : i32
    %cond3A_902 = arith.cmpi ne, %convert_element_type3A_900, %cond3A_901 : i32
    scf.if %cond3A_902 {
      "tpu.region"() ({
        %run_scoped3A = tpu.sem_alloc : memref<!tpu.dma_semaphore, #tpu.memory_space<semaphore_mem>>
        %dma_start3A = arith.constant 0 : i32
        %dma_start3A_907 = arith.constant 0 : i32
        %dma_start3A_908 = tpu.memref_slice %arg9[%dma_start3A, %dma_start3A_907] : memref<200x128xf32, #tpu.memory_space<vmem>> -> memref<16x128xf32, #tpu.memory_space<vmem>>
        %dma_start3A_909 = arith.constant 9984 : i32
        %dma_start3A_910 = arith.constant 0 : i32
        %dma_start3A_911 = tpu.memref_slice %arg14[%dma_start3A_909, %dma_start3A_910] : memref<10000x128xf32, #tpu.memory_space<vmem_shared>> -> memref<16x128xf32, #tpu.memory_space<vmem_shared>>
        %dma_start3A_912 = arith.constant 0 : i32
        %dma_start3A_913 = arith.constant 0 : i32
        %dma_start3A_914 = tpu.memref_slice %arg9[%dma_start3A_912, %dma_start3A_913] : memref<200x128xf32, #tpu.memory_space<vmem>> -> memref<16x128xf32, #tpu.memory_space<vmem>>
        %dma_start3A_915 = arith.constant 9984 : i32
        %dma_start3A_916 = arith.constant 0 : i32
        %dma_start3A_917 = tpu.memref_slice %arg14[%dma_start3A_915, %dma_start3A_916] : memref<10000x128xf32, #tpu.memory_space<vmem_shared>> -> memref<16x128xf32, #tpu.memory_space<vmem_shared>>
        tpu.enqueue_dma source(%dma_start3A_917 : memref<16x128xf32, #tpu.memory_space<vmem_shared>>) target(%dma_start3A_914 : memref<16x128xf32, #tpu.memory_space<vmem>>) target_semaphore(%run_scoped3A : memref<!tpu.dma_semaphore, #tpu.memory_space<semaphore_mem>>)
        %dma_wait3A = arith.constant 0 : i32
        %dma_wait3A_918 = arith.constant 0 : i32
        %dma_wait3A_919 = tpu.memref_slice %arg9[%dma_wait3A, %dma_wait3A_918] : memref<200x128xf32, #tpu.memory_space<vmem>> -> memref<16x128xf32, #tpu.memory_space<vmem>>
        %dma_wait3A_920 = arith.constant 9984 : i32
        %dma_wait3A_921 = arith.constant 0 : i32
        %dma_wait3A_922 = tpu.memref_slice %arg14[%dma_wait3A_920, %dma_wait3A_921] : memref<10000x128xf32, #tpu.memory_space<vmem_shared>> -> memref<16x128xf32, #tpu.memory_space<vmem_shared>>
        %dma_wait3A_923 = arith.constant 0 : i32
        %dma_wait3A_924 = arith.constant 0 : i32
        %dma_wait3A_925 = tpu.memref_slice %arg9[%dma_wait3A_923, %dma_wait3A_924] : memref<200x128xf32, #tpu.memory_space<vmem>> -> memref<16x128xf32, #tpu.memory_space<vmem>>
        %dma_wait3A_926 = arith.constant 9984 : i32
        %dma_wait3A_927 = arith.constant 0 : i32
        %dma_wait3A_928 = tpu.memref_slice %arg14[%dma_wait3A_926, %dma_wait3A_927] : memref<10000x128xf32, #tpu.memory_space<vmem_shared>> -> memref<16x128xf32, #tpu.memory_space<vmem_shared>>
        tpu.wait_dma2 semaphore(%run_scoped3A : memref<!tpu.dma_semaphore, #tpu.memory_space<semaphore_mem>>) src(%dma_wait3A_928 : memref<16x128xf32, #tpu.memory_space<vmem_shared>>) dst(%dma_wait3A_925 : memref<16x128xf32, #tpu.memory_space<vmem>>)
        tpu.yield
      }) : () -> ()
      "tpu.region"() ({
        %run_scoped3A = tpu.sem_alloc : memref<!tpu.dma_semaphore, #tpu.memory_space<semaphore_mem>>
        %dma_start3A = arith.constant 0 : i32
        %dma_start3A_907 = arith.constant 0 : i32
        %dma_start3A_908 = tpu.memref_slice %arg9[%dma_start3A, %dma_start3A_907] : memref<200x128xf32, #tpu.memory_space<vmem>> -> memref<16x128xf32, #tpu.memory_space<vmem>>
        %dma_start3A_909 = arith.constant 9984 : i32
        %dma_start3A_910 = arith.constant 0 : i32
        %dma_start3A_911 = tpu.memref_slice %arg5[%arg0, %dma_start3A_909, %dma_start3A_910] : memref<2x10000x128xf32, #tpu.memory_space<hbm>> -> memref<1x16x128xf32, #tpu.memory_space<hbm>>
        %dma_start3A_912 = tpu.memref_squeeze %dma_start3A_911 : memref<1x16x128xf32, #tpu.memory_space<hbm>> -> memref<16x128xf32, #tpu.memory_space<hbm>>
        %dma_start3A_913 = arith.constant 9984 : i32
        %dma_start3A_914 = arith.constant 0 : i32
        %dma_start3A_915 = tpu.memref_slice %arg5[%arg0, %dma_start3A_913, %dma_start3A_914] : memref<2x10000x128xf32, #tpu.memory_space<hbm>> -> memref<1x16x128xf32, #tpu.memory_space<hbm>>
        %dma_start3A_916 = tpu.memref_squeeze %dma_start3A_915 : memref<1x16x128xf32, #tpu.memory_space<hbm>> -> memref<16x128xf32, #tpu.memory_space<hbm>>
        %dma_start3A_917 = arith.constant 0 : i32
        %dma_start3A_918 = arith.constant 0 : i32
        %dma_start3A_919 = tpu.memref_slice %arg9[%dma_start3A_917, %dma_start3A_918] : memref<200x128xf32, #tpu.memory_space<vmem>> -> memref<16x128xf32, #tpu.memory_space<vmem>>
        tpu.enqueue_dma source(%dma_start3A_919 : memref<16x128xf32, #tpu.memory_space<vmem>>) target(%dma_start3A_916 : memref<16x128xf32, #tpu.memory_space<hbm>>) target_semaphore(%run_scoped3A : memref<!tpu.dma_semaphore, #tpu.memory_space<semaphore_mem>>)
        %dma_wait3A = arith.constant 0 : i32
        %dma_wait3A_920 = arith.constant 0 : i32
        %dma_wait3A_921 = tpu.memref_slice %arg9[%dma_wait3A, %dma_wait3A_920] : memref<200x128xf32, #tpu.memory_space<vmem>> -> memref<16x128xf32, #tpu.memory_space<vmem>>
        %dma_wait3A_922 = arith.constant 9984 : i32
        %dma_wait3A_923 = arith.constant 0 : i32
        %dma_wait3A_924 = tpu.memref_slice %arg5[%arg0, %dma_wait3A_922, %dma_wait3A_923] : memref<2x10000x128xf32, #tpu.memory_space<hbm>> -> memref<1x16x128xf32, #tpu.memory_space<hbm>>
        %dma_wait3A_925 = tpu.memref_squeeze %dma_wait3A_924 : memref<1x16x128xf32, #tpu.memory_space<hbm>> -> memref<16x128xf32, #tpu.memory_space<hbm>>
        %dma_wait3A_926 = arith.constant 9984 : i32
        %dma_wait3A_927 = arith.constant 0 : i32
        %dma_wait3A_928 = tpu.memref_slice %arg5[%arg0, %dma_wait3A_926, %dma_wait3A_927] : memref<2x10000x128xf32, #tpu.memory_space<hbm>> -> memref<1x16x128xf32, #tpu.memory_space<hbm>>
        %dma_wait3A_929 = tpu.memref_squeeze %dma_wait3A_928 : memref<1x16x128xf32, #tpu.memory_space<hbm>> -> memref<16x128xf32, #tpu.memory_space<hbm>>
        %dma_wait3A_930 = arith.constant 0 : i32
        %dma_wait3A_931 = arith.constant 0 : i32
        %dma_wait3A_932 = tpu.memref_slice %arg9[%dma_wait3A_930, %dma_wait3A_931] : memref<200x128xf32, #tpu.memory_space<vmem>> -> memref<16x128xf32, #tpu.memory_space<vmem>>
        tpu.wait_dma2 semaphore(%run_scoped3A : memref<!tpu.dma_semaphore, #tpu.memory_space<semaphore_mem>>) src(%dma_wait3A_932 : memref<16x128xf32, #tpu.memory_space<vmem>>) dst(%dma_wait3A_929 : memref<16x128xf32, #tpu.memory_space<hbm>>)
        tpu.yield
      }) : () -> ()
      "tpu.region"() ({
        %run_scoped3A = tpu.sem_alloc : memref<!tpu.dma_semaphore, #tpu.memory_space<semaphore_mem>>
        %dma_start3A = arith.constant 0 : i32
        %dma_start3A_907 = tpu.memref_slice %arg13[%dma_start3A] : memref<624xf32, #tpu.memory_space<vmem>> -> memref<16xf32, #tpu.memory_space<vmem>>
        %dma_start3A_908 = arith.constant 9984 : i32
        %dma_start3A_909 = tpu.memref_slice %arg15[%dma_start3A_908] : memref<10000xf32, #tpu.memory_space<vmem_shared>> -> memref<16xf32, #tpu.memory_space<vmem_shared>>
        %dma_start3A_910 = arith.constant 0 : i32
        %dma_start3A_911 = tpu.memref_slice %arg13[%dma_start3A_910] : memref<624xf32, #tpu.memory_space<vmem>> -> memref<16xf32, #tpu.memory_space<vmem>>
        %dma_start3A_912 = arith.constant 9984 : i32
        %dma_start3A_913 = tpu.memref_slice %arg15[%dma_start3A_912] : memref<10000xf32, #tpu.memory_space<vmem_shared>> -> memref<16xf32, #tpu.memory_space<vmem_shared>>
        tpu.enqueue_dma source(%dma_start3A_913 : memref<16xf32, #tpu.memory_space<vmem_shared>>) target(%dma_start3A_911 : memref<16xf32, #tpu.memory_space<vmem>>) target_semaphore(%run_scoped3A : memref<!tpu.dma_semaphore, #tpu.memory_space<semaphore_mem>>)
        %dma_wait3A = arith.constant 0 : i32
        %dma_wait3A_914 = tpu.memref_slice %arg13[%dma_wait3A] : memref<624xf32, #tpu.memory_space<vmem>> -> memref<16xf32, #tpu.memory_space<vmem>>
        %dma_wait3A_915 = arith.constant 9984 : i32
        %dma_wait3A_916 = tpu.memref_slice %arg15[%dma_wait3A_915] : memref<10000xf32, #tpu.memory_space<vmem_shared>> -> memref<16xf32, #tpu.memory_space<vmem_shared>>
        %dma_wait3A_917 = arith.constant 0 : i32
        %dma_wait3A_918 = tpu.memref_slice %arg13[%dma_wait3A_917] : memref<624xf32, #tpu.memory_space<vmem>> -> memref<16xf32, #tpu.memory_space<vmem>>
        %dma_wait3A_919 = arith.constant 9984 : i32
        %dma_wait3A_920 = tpu.memref_slice %arg15[%dma_wait3A_919] : memref<10000xf32, #tpu.memory_space<vmem_shared>> -> memref<16xf32, #tpu.memory_space<vmem_shared>>
        tpu.wait_dma2 semaphore(%run_scoped3A : memref<!tpu.dma_semaphore, #tpu.memory_space<semaphore_mem>>) src(%dma_wait3A_920 : memref<16xf32, #tpu.memory_space<vmem_shared>>) dst(%dma_wait3A_918 : memref<16xf32, #tpu.memory_space<vmem>>)
        tpu.yield
      }) : () -> ()
      %mul3A_903 = arith.constant 10000 : i32
      %mul3A_904 = arith.muli %arg0, %mul3A_903 : i32
      %add3A_905 = arith.constant 9984 : i32
      %add3A_906 = arith.addi %mul3A_904, %add3A_905 : i32
      "tpu.region"() ({
        %run_scoped3A = tpu.sem_alloc : memref<!tpu.dma_semaphore, #tpu.memory_space<semaphore_mem>>
        %dma_start3A = arith.constant 0 : i32
        %dma_start3A_907 = tpu.memref_slice %arg13[%dma_start3A] : memref<624xf32, #tpu.memory_space<vmem>> -> memref<16xf32, #tpu.memory_space<vmem>>
        %dma_start3A_908 = tpu.memref_slice %arg6[%add3A_906] : memref<20000xf32, #tpu.memory_space<hbm>> -> memref<16xf32, #tpu.memory_space<hbm>>
        %dma_start3A_909 = tpu.memref_slice %arg6[%add3A_906] : memref<20000xf32, #tpu.memory_space<hbm>> -> memref<16xf32, #tpu.memory_space<hbm>>
        %dma_start3A_910 = arith.constant 0 : i32
        %dma_start3A_911 = tpu.memref_slice %arg13[%dma_start3A_910] : memref<624xf32, #tpu.memory_space<vmem>> -> memref<16xf32, #tpu.memory_space<vmem>>
        tpu.enqueue_dma source(%dma_start3A_911 : memref<16xf32, #tpu.memory_space<vmem>>) target(%dma_start3A_909 : memref<16xf32, #tpu.memory_space<hbm>>) target_semaphore(%run_scoped3A : memref<!tpu.dma_semaphore, #tpu.memory_space<semaphore_mem>>)
        %dma_wait3A = arith.constant 0 : i32
        %dma_wait3A_912 = tpu.memref_slice %arg13[%dma_wait3A] : memref<624xf32, #tpu.memory_space<vmem>> -> memref<16xf32, #tpu.memory_space<vmem>>
        %dma_wait3A_913 = tpu.memref_slice %arg6[%add3A_906] : memref<20000xf32, #tpu.memory_space<hbm>> -> memref<16xf32, #tpu.memory_space<hbm>>
        %dma_wait3A_914 = tpu.memref_slice %arg6[%add3A_906] : memref<20000xf32, #tpu.memory_space<hbm>> -> memref<16xf32, #tpu.memory_space<hbm>>
        %dma_wait3A_915 = arith.constant 0 : i32
        %dma_wait3A_916 = tpu.memref_slice %arg13[%dma_wait3A_915] : memref<624xf32, #tpu.memory_space<vmem>> -> memref<16xf32, #tpu.memory_space<vmem>>
        tpu.wait_dma2 semaphore(%run_scoped3A : memref<!tpu.dma_semaphore, #tpu.memory_space<semaphore_mem>>) src(%dma_wait3A_916 : memref<16xf32, #tpu.memory_space<vmem>>) dst(%dma_wait3A_914 : memref<16xf32, #tpu.memory_space<hbm>>)
        tpu.yield
      }) : () -> ()
    } else {
    }
    return
  }
}

module attributes {stable_mosaic.version = 14 : i64} {
  func.func @_enc_body(%arg0: memref<10000x128xf32, #tpu.memory_space<vmem>>, %arg1: memref<128x128xf32, #tpu.memory_space<vmem>>, %arg2: memref<1x128xf32, #tpu.memory_space<vmem>>, %arg3: memref<10000x128xf32, #tpu.memory_space<vmem>>) attributes {dimension_semantics = [], scalar_prefetch = 0 : i64, scratch_operands = 0 : i64, tpu.core_type = #tpu.core_type<tc>} {
    %get3A = arith.constant 0 : index
    %get3A_0 = arith.constant 0 : index
    %get3A_1 = vector.load %arg0[%get3A, %get3A_0] : memref<10000x128xf32, #tpu.memory_space<vmem>>, vector<10000x128xf32>
    %get3A_2 = arith.constant 0 : index
    %get3A_3 = arith.constant 0 : index
    %get3A_4 = vector.load %arg1[%get3A_2, %get3A_3] : memref<128x128xf32, #tpu.memory_space<vmem>>, vector<128x128xf32>
    %dot_general3A = arith.constant dense<0.000000e+00> : vector<10000x128xf32>
    %dot_general3A_5 = tpu.matmul %get3A_1, %get3A_4, %dot_general3A {dimension_numbers = #tpu.dot_dimension_numbers<[1], [0], [0], [1], [0, 0, 1, 1], [], []>, transpose_lhs_hint = false} : vector<10000x128xf32>, vector<128x128xf32>, vector<10000x128xf32> -> vector<10000x128xf32>
    %get3A_6 = arith.constant 0 : index
    %get3A_7 = arith.constant 0 : index
    %get3A_8 = vector.load %arg2[%get3A_6, %get3A_7] : memref<1x128xf32, #tpu.memory_space<vmem>>, vector<1x128xf32>
    %add3A = vector.broadcast %get3A_8 : vector<1x128xf32> to vector<10000x128xf32>
    %add3A_9 = arith.addf %dot_general3A_5, %add3A : vector<10000x128xf32>
    %max3A = arith.constant 0.000000e+00 : f32
    %max3A_10 = vector.broadcast %max3A : f32 to vector<10000x128xf32>
    %max3A_11 = arith.maximumf %add3A_9, %max3A_10 : vector<10000x128xf32>
    %swap3A = arith.constant 0 : index
    %swap3A_12 = arith.constant 0 : index
    %swap3A_13 = vector.load %arg3[%swap3A, %swap3A_12] : memref<10000x128xf32, #tpu.memory_space<vmem>>, vector<10000x128xf32>
    tpu.vector_store %arg3[%swap3A, %swap3A_12], %max3A_11 {strides = array<i32>} : memref<10000x128xf32, #tpu.memory_space<vmem>>, vector<10000x128xf32>,
    return
  }
}

module attributes {stable_mosaic.version = 14 : i64} {
  func.func @_sage_body(%arg0: memref<2x10000x128xf32, #tpu.memory_space<vmem>>, %arg1: memref<2x10000xf32, #tpu.memory_space<vmem>>, %arg2: memref<10000x128xf32, #tpu.memory_space<vmem>>, %arg3: memref<128x128xf32, #tpu.memory_space<vmem>>, %arg4: memref<1x128xf32, #tpu.memory_space<vmem>>, %arg5: memref<128x128xf32, #tpu.memory_space<vmem>>, %arg6: memref<128x16xf32, #tpu.memory_space<vmem>>, %arg7: memref<10000x16xf32, #tpu.memory_space<vmem>>) attributes {dimension_semantics = [], scalar_prefetch = 0 : i64, scratch_operands = 0 : i64, tpu.core_type = #tpu.core_type<tc>} {
    %get3A = arith.constant 0 : index
    %get3A_0 = arith.constant 0 : index
    %get3A_1 = arith.constant 0 : index
    %get3A_2 = vector.load %arg0[%get3A, %get3A_0, %get3A_1] : memref<2x10000x128xf32, #tpu.memory_space<vmem>>, vector<1x10000x128xf32>
    %get3A_3 = vector.shape_cast %get3A_2 : vector<1x10000x128xf32> to vector<10000x128xf32>
    %get3A_4 = arith.constant 1 : index
    %get3A_5 = arith.constant 0 : index
    %get3A_6 = arith.constant 0 : index
    %get3A_7 = vector.load %arg0[%get3A_4, %get3A_5, %get3A_6] : memref<2x10000x128xf32, #tpu.memory_space<vmem>>, vector<1x10000x128xf32>
    %get3A_8 = vector.shape_cast %get3A_7 : vector<1x10000x128xf32> to vector<10000x128xf32>
    %add3A = arith.addf %get3A_3, %get3A_8 : vector<10000x128xf32>
    %get3A_9 = arith.constant 0 : index
    %get3A_10 = arith.constant 0 : index
    %get3A_11 = vector.load %arg1[%get3A_9, %get3A_10] : memref<2x10000xf32, #tpu.memory_space<vmem>>, vector<1x10000xf32>
    %get3A_12 = vector.shape_cast %get3A_11 : vector<1x10000xf32> to vector<10000xf32>
    %get3A_13 = arith.constant 1 : index
    %get3A_14 = arith.constant 0 : index
    %get3A_15 = vector.load %arg1[%get3A_13, %get3A_14] : memref<2x10000xf32, #tpu.memory_space<vmem>>, vector<1x10000xf32>
    %get3A_16 = vector.shape_cast %get3A_15 : vector<1x10000xf32> to vector<10000xf32>
    %add3A_17 = arith.addf %get3A_12, %get3A_16 : vector<10000xf32>
    %max3A = arith.constant 1.000000e+00 : f32
    %max3A_18 = vector.broadcast %max3A : f32 to vector<10000xf32>
    %max3A_19 = arith.maximumf %add3A_17, %max3A_18 : vector<10000xf32>
    %broadcast_in_dim3A = vector.shape_cast %max3A_19 : vector<10000xf32> to vector<10000x1xf32>
    %div3A = vector.broadcast %broadcast_in_dim3A : vector<10000x1xf32> to vector<10000x128xf32>
    %div3A_20 = arith.divf %add3A, %div3A : vector<10000x128xf32>
    %get3A_21 = arith.constant 0 : index
    %get3A_22 = arith.constant 0 : index
    %get3A_23 = vector.load %arg3[%get3A_21, %get3A_22] : memref<128x128xf32, #tpu.memory_space<vmem>>, vector<128x128xf32>
    %dot_general3A = arith.constant dense<0.000000e+00> : vector<10000x128xf32>
    %dot_general3A_24 = tpu.matmul %div3A_20, %get3A_23, %dot_general3A {dimension_numbers = #tpu.dot_dimension_numbers<[1], [0], [0], [1], [0, 0, 1, 1], [], []>, transpose_lhs_hint = false} : vector<10000x128xf32>, vector<128x128xf32>, vector<10000x128xf32> -> vector<10000x128xf32>
    %get3A_25 = arith.constant 0 : index
    %get3A_26 = arith.constant 0 : index
    %get3A_27 = vector.load %arg4[%get3A_25, %get3A_26] : memref<1x128xf32, #tpu.memory_space<vmem>>, vector<1x128xf32>
    %add3A_28 = vector.broadcast %get3A_27 : vector<1x128xf32> to vector<10000x128xf32>
    %add3A_29 = arith.addf %dot_general3A_24, %add3A_28 : vector<10000x128xf32>
    %get3A_30 = arith.constant 0 : index
    %get3A_31 = arith.constant 0 : index
    %get3A_32 = vector.load %arg2[%get3A_30, %get3A_31] : memref<10000x128xf32, #tpu.memory_space<vmem>>, vector<10000x128xf32>
    %get3A_33 = arith.constant 0 : index
    %get3A_34 = arith.constant 0 : index
    %get3A_35 = vector.load %arg5[%get3A_33, %get3A_34] : memref<128x128xf32, #tpu.memory_space<vmem>>, vector<128x128xf32>
    %dot_general3A_36 = arith.constant dense<0.000000e+00> : vector<10000x128xf32>
    %dot_general3A_37 = tpu.matmul %get3A_32, %get3A_35, %dot_general3A_36 {dimension_numbers = #tpu.dot_dimension_numbers<[1], [0], [0], [1], [0, 0, 1, 1], [], []>, transpose_lhs_hint = false} : vector<10000x128xf32>, vector<128x128xf32>, vector<10000x128xf32> -> vector<10000x128xf32>
    %add3A_38 = arith.addf %add3A_29, %dot_general3A_37 : vector<10000x128xf32>
    %get3A_39 = arith.constant 0 : index
    %get3A_40 = arith.constant 0 : index
    %get3A_41 = vector.load %arg6[%get3A_39, %get3A_40] : memref<128x16xf32, #tpu.memory_space<vmem>>, vector<128x16xf32>
    %dot_general3A_42 = arith.constant dense<0.000000e+00> : vector<10000x16xf32>
    %dot_general3A_43 = tpu.matmul %add3A_38, %get3A_41, %dot_general3A_42 {dimension_numbers = #tpu.dot_dimension_numbers<[1], [0], [0], [1], [0, 0, 1, 1], [], []>, transpose_lhs_hint = false} : vector<10000x128xf32>, vector<128x16xf32>, vector<10000x16xf32> -> vector<10000x16xf32>
    %mul3A = arith.constant 0.333333343 : f32
    %mul3A_44 = vector.broadcast %mul3A : f32 to vector<10000x16xf32>
    %mul3A_45 = arith.mulf %dot_general3A_43, %mul3A_44 : vector<10000x16xf32>
    %swap3A = arith.constant 0 : index
    %swap3A_46 = arith.constant 0 : index
    %swap3A_47 = vector.load %arg7[%swap3A, %swap3A_46] : memref<10000x16xf32, #tpu.memory_space<vmem>>, vector<10000x16xf32>
    tpu.vector_store %arg7[%swap3A, %swap3A_46], %mul3A_45 {strides = array<i32>} : memref<10000x16xf32, #tpu.memory_space<vmem>>, vector<10000x16xf32>,
    return
  }
}

module attributes {stable_mosaic.version = 14 : i64} {
  func.func @_edge_body(%arg0: i32, %arg1: memref<10000x16xf32, #tpu.memory_space<vmem>>, %arg2: memref<10000x16xf32, #tpu.memory_space<vmem>>, %arg3: memref<16x128xf32, #tpu.memory_space<vmem>>, %arg4: memref<1x128xf32, #tpu.memory_space<vmem>>, %arg5: memref<128x2xf32, #tpu.memory_space<vmem>>, %arg6: memref<1x2xf32, #tpu.memory_space<vmem>>, %arg7: memref<10000x2xf32, #tpu.memory_space<vmem>>) attributes {dimension_semantics = [#tpu.dimension_semantics<arbitrary>], iteration_bounds = array<i64: 32>, scalar_prefetch = 0 : i64, scratch_operands = 0 : i64, tpu.core_type = #tpu.core_type<tc>, window_params = [{transform_indices = @transform_0, window_bounds = array<i64: 10000, 16>}, {transform_indices = @transform_1, window_bounds = array<i64: 10000, 16>}, {pipeline_mode = #tpu.pipeline_mode<synchronous>, transform_indices = @transform_2, window_bounds = array<i64: 16, 128>}, {pipeline_mode = #tpu.pipeline_mode<synchronous>, transform_indices = @transform_3, window_bounds = array<i64: 1, 128>}, {pipeline_mode = #tpu.pipeline_mode<synchronous>, transform_indices = @transform_4, window_bounds = array<i64: 128, 2>}, {pipeline_mode = #tpu.pipeline_mode<synchronous>, transform_indices = @transform_5, window_bounds = array<i64: 1, 2>}, {transform_indices = @transform_6, window_bounds = array<i64: 10000, 2>}]} {
    %get3A = arith.constant 0 : index
    %get3A_0 = arith.constant 0 : index
    %get3A_1 = vector.load %arg2[%get3A, %get3A_0] : memref<10000x16xf32, #tpu.memory_space<vmem>>, vector<10000x16xf32>
    %get3A_2 = arith.constant 0 : index
    %get3A_3 = arith.constant 0 : index
    %get3A_4 = vector.load %arg3[%get3A_2, %get3A_3] : memref<16x128xf32, #tpu.memory_space<vmem>>, vector<16x128xf32>
    %dot_general3A = arith.constant dense<0.000000e+00> : vector<10000x128xf32>
    %dot_general3A_5 = tpu.matmul %get3A_1, %get3A_4, %dot_general3A {dimension_numbers = #tpu.dot_dimension_numbers<[1], [0], [0], [1], [0, 0, 1, 1], [], []>, transpose_lhs_hint = false} : vector<10000x16xf32>, vector<16x128xf32>, vector<10000x128xf32> -> vector<10000x128xf32>
    %get3A_6 = arith.constant 0 : index
    %get3A_7 = arith.constant 0 : index
    %get3A_8 = vector.load %arg4[%get3A_6, %get3A_7] : memref<1x128xf32, #tpu.memory_space<vmem>>, vector<1x128xf32>
    %add3A = vector.broadcast %get3A_8 : vector<1x128xf32> to vector<10000x128xf32>
    %add3A_9 = arith.addf %dot_general3A_5, %add3A : vector<10000x128xf32>
    %max3A = arith.constant 0.000000e+00 : f32
    %max3A_10 = vector.broadcast %max3A : f32 to vector<10000x128xf32>
    %max3A_11 = arith.maximumf %add3A_9, %max3A_10 : vector<10000x128xf32>
    %get3A_12 = arith.constant 0 : index
    %get3A_13 = arith.constant 0 : index
    %get3A_14 = vector.load %arg1[%get3A_12, %get3A_13] : memref<10000x16xf32, #tpu.memory_space<vmem>>, vector<10000x16xf32>
    %slice3A = vector.extract_strided_slice %get3A_14 {offsets = [0, 0], sizes = [10000, 2], strides = [1, 1]} : vector<10000x16xf32> to vector<10000x2xf32>
    %get3A_15 = arith.constant 0 : index
    %get3A_16 = arith.constant 0 : index
    %get3A_17 = vector.load %arg5[%get3A_15, %get3A_16] : memref<128x2xf32, #tpu.memory_space<vmem>>, vector<128x2xf32>
    %dot_general3A_18 = arith.constant dense<0.000000e+00> : vector<10000x2xf32>
    %dot_general3A_19 = tpu.matmul %max3A_11, %get3A_17, %dot_general3A_18 {dimension_numbers = #tpu.dot_dimension_numbers<[1], [0], [0], [1], [0, 0, 1, 1], [], []>, transpose_lhs_hint = false} : vector<10000x128xf32>, vector<128x2xf32>, vector<10000x2xf32> -> vector<10000x2xf32>
    %mul3A = arith.constant 0.333333343 : f32
    %mul3A_20 = vector.broadcast %mul3A : f32 to vector<10000x2xf32>
    %mul3A_21 = arith.mulf %dot_general3A_19, %mul3A_20 : vector<10000x2xf32>
    %add3A_22 = arith.addf %slice3A, %mul3A_21 : vector<10000x2xf32>
    %get3A_23 = arith.constant 0 : index
    %get3A_24 = arith.constant 0 : index
    %get3A_25 = vector.load %arg6[%get3A_23, %get3A_24] : memref<1x2xf32, #tpu.memory_space<vmem>>, vector<1x2xf32>
    %add3A_26 = vector.broadcast %get3A_25 : vector<1x2xf32> to vector<10000x2xf32>
    %add3A_27 = arith.addf %add3A_22, %add3A_26 : vector<10000x2xf32>
    %swap3A = arith.constant 0 : index
    %swap3A_28 = arith.constant 0 : index
    %swap3A_29 = vector.load %arg7[%swap3A, %swap3A_28] : memref<10000x2xf32, #tpu.memory_space<vmem>>, vector<10000x2xf32>
    tpu.vector_store %arg7[%swap3A, %swap3A_28], %add3A_27 {strides = array<i32>} : memref<10000x2xf32, #tpu.memory_space<vmem>>, vector<10000x2xf32>,
    return
  }
  func.func @transform_0(%arg0: i32) -> (i32, i32) {
    %c0_i32 = arith.constant 0 : i32
    %c0_i32_0 = arith.constant 0 : i32
    return %arg0, %c0_i32 : i32, i32
  }
  func.func @transform_1(%arg0: i32) -> (i32, i32) {
    %c0_i32 = arith.constant 0 : i32
    %c0_i32_0 = arith.constant 0 : i32
    return %arg0, %c0_i32 : i32, i32
  }
  func.func @transform_2(%arg0: i32) -> (i32, i32) {
    %c0_i32 = arith.constant 0 : i32
    %c0_i32_0 = arith.constant 0 : i32
    %c0_i32_1 = arith.constant 0 : i32
    return %c0_i32, %c0_i32_0 : i32, i32
  }
  func.func @transform_3(%arg0: i32) -> (i32, i32) {
    %c0_i32 = arith.constant 0 : i32
    %c0_i32_0 = arith.constant 0 : i32
    %c0_i32_1 = arith.constant 0 : i32
    return %c0_i32, %c0_i32_0 : i32, i32
  }
  func.func @transform_4(%arg0: i32) -> (i32, i32) {
    %c0_i32 = arith.constant 0 : i32
    %c0_i32_0 = arith.constant 0 : i32
    %c0_i32_1 = arith.constant 0 : i32
    return %c0_i32, %c0_i32_0 : i32, i32
  }
  func.func @transform_5(%arg0: i32) -> (i32, i32) {
    %c0_i32 = arith.constant 0 : i32
    %c0_i32_0 = arith.constant 0 : i32
    %c0_i32_1 = arith.constant 0 : i32
    return %c0_i32, %c0_i32_0 : i32, i32
  }
  func.func @transform_6(%arg0: i32) -> (i32, i32) {
    %c0_i32 = arith.constant 0 : i32
    %c0_i32_0 = arith.constant 0 : i32
    return %arg0, %c0_i32 : i32, i32
  }
}

</mosaic_0001>

<sc_bundles>
// kernel: kernel.10.cloned.1.call-start
scs
__scs_entry_jumppad:
0x0: {  	(pc) =	sbr.rel $0x88, $3  }
0x1: {  	(tag) =	ssettag $0x0;
	lr =	simm.s32 $0x1  }
0x2: {  	[smem:$0x3F95] =	sst lr;
	_ =	strace $0xD0000000  }
0x3: {  	_ = 	snop  }
0x4: {  	_ = 	snop  }
0x5: {  	_ = 	snop  }
0x6: {  	_ = 	snop  }
0x7: {  	_ = 	snop  }
__scs_overlays_trampoline_lowered:
0x8: {  	[smem:$0x3FA4] =	sst s0  }
0x9: {  	[smem:$0x3FA5] =	sst s1  }
0xa: {  	[smem:$0x3FA6] =	sst s2  }
0xb: {  	[smem:$0x3FA7] =	sst s3  }
0xc: {  	[smem:$0x3FA8] =	sst s4  }
0xd: {  	[smem:$0x3FA9] =	sst s5  }
0xe: {  	[smem:$0x3FAA] =	sst s6  }
0xf: {  	[smem:$0x3FAB] =	sst s7  }
0x10: {  	[smem:$0x3FAC] =	sst s8  }
0x11: {  	[smem:$0x3FAD] =	sst s9;
	s0 =	simm.s32 @!p0 $0x0  }
0x12: {  	s1 =	sld [smem:$0x3F93];
	s0 =	simm.s32 @p0 $0x1  }
0x13: {  	[smem:$0x3FAE] =	sst s0;
	s0 =	simm.s32 @!p1 $0x0  }
0x14: {  	s2 =	sld [smem:$0x3F92];
	s0 =	simm.s32 @p1 $0x1  }
0x15: {  	[smem:$0x3FAF] =	sst s0;
	s0 =	simm.s32 @!p2 $0x0  }
0x16: {  	s3 =	sld [smem:$0x3FDB];
	s0 =	simm.s32 @p2 $0x1  }
0x17: {  	s4 =	simm.s32 $0x1BF5;
	[smem:$0x3FB1] =	sst s0  }
0x18: {  	s0 =	sld [smem:$0x3F94];
	_ =	swait.ge [sflag:s4], $0x0  }
0x19: {  	s7 =	sld [smem:$0x3F95]  }
0x1a: {  	s8 =	sadd.s32 $0xFFFFE003, lr  }
0x1b: {  	s9 =	sadd.s32 $0xFFFFFEF7, lr;
	s5 =	simm.s32 $0xFFFFFFFF;
	p2 =	slt.u32 s8, $0xFFFFF086  }
0x1c: {  	p1 =	slt.u32 s9, $0xF7A;
	s5 =	simm.s32 @!p2 $0x0  }
0x1d: {  	s5 =	simm.s32 @p1 $0x1;
	p0 =	seq.s32 s7, s2  }
0x1e: {  	s7 =	smul.u32 @!p0 $0xF7A, s2;
	p2 =	seq.s32 @!p0 s5, $0x0  }
0x1f: {  	s9 =	smul.u32 $0xF7A, s1;
	s8 =	simm.s32 @!p0 $0x1BF5;
	p2 =	por !p2, p0  }
0x20: {  	[sflag:s8] =	ssyncset.s32 @!p0 $0xFFFFF086;
	s6 =	sadd.s32 @!p0 s3, s7;
	s7 =	simm.s32 @!p0 $0x108  }
0x21: {  	s3 =	sadd.s32 s3, s9;
	s6 =	sadd.s32 @!p0 $0x88, s6;
	s7 =	simm.s32 @p2 $0x1082  }
0x22: {  	[simem:s7], [sflag:s8] =	dma.local @!p0 [hbm:s6], $0xF7A  }
0x23: {  	s9 =	sor.u32 $0xD0000000, s2;
	s6 =	simm.s32 $0x108;
	_ =	swait.ge @!p0 [sflag:s8], $0x0  }
0x24: {  	s3 =	sadd.s32 $0x88, s3;
	s6 =	simm.s32 @!p1 $0x1082;
	[sflag:s4] =	ssyncset.s32 $0xFFFFF086  }
0x25: {  	[simem:s6], [sflag:s4] =	dma.local [hbm:s3], $0xF7A  }
0x26: {  	[smem:$0x3F95] =	sst s1;
	(tag) =	ssettag s2;
	_ =	strace s9  }
0x27: {  	s1 =	sld [smem:$0x3FA5]  }
0x28: {  	s2 =	sld [smem:$0x3FA6]  }
0x29: {  	s4 =	sld [smem:$0x3FA8]  }
0x2a: {  	p0 =	seq.s32 s5, $0x0;
	s5 =	sld [smem:$0x3FA9]  }
0x2b: {  	s6 =	sld [smem:$0x3FAA]  }
0x2c: {  	s7 =	sld [smem:$0x3FAB]  }
0x2d: {  	s3 =	simm.s32 $0x108;
	s8 =	sld [smem:$0x3FAC]  }
0x2e: {  	s3 =	simm.s32 @!p0 $0x1082;
	s9 =	sld [smem:$0x3FAD]  }
0x2f: {  	lr =	sadd.s32 s0, s3;
	s0 =	sld [smem:$0x3FA4]  }
0x30: {  	s3 =	sld [smem:$0x3FA7]  }
0x31: {  	[smem:$0x3FB0] =	sst s10  }
0x32: {  	s10 =	sld [smem:$0x3FAE];
	_ =	sdelay $0x3  }
0x33: {  	p0 =	seq.s32 s10, $0x1;
	s10 =	sld [smem:$0x3FB0];
	_ =	sdelay $0x3  }
0x34: {  	[smem:$0x3FB0] =	sst s10  }
0x35: {  	s10 =	sld [smem:$0x3FAF];
	_ =	sdelay $0x3  }
0x36: {  	p1 =	seq.s32 s10, $0x1;
	s10 =	sld [smem:$0x3FB0];
	_ =	sdelay $0x3  }
0x37: {  	[smem:$0x3FB0] =	sst s10  }
0x38: {  	s10 =	sld [smem:$0x3FB1]  }
0x39: {  	_ = 	snop;
	(pc) =	sbr.ind lr, $3  }
0x3a: {  	_ = 	snop  }
0x3b: {  	_ = 	snop  }
0x3c: {  	p2 =	seq.s32 s10, $0x1;
	s10 =	sld [smem:$0x3FB0]  }
0x3d: {  	_ =	shalt  }
0x3e: {  	_ =	shalt  }
0x3f: {  	_ =	shalt  }
0x40: {  	_ =	shalt  }
0x41: {  	_ =	shalt  }
0x42: {  	_ =	shalt  }
0x43: {  	_ =	shalt  }
0x44: {  	_ =	shalt  }
0x45: {  	_ =	shalt  }
0x46: {  	_ =	shalt  }
0x47: {  	_ =	shalt  }
0x48: {  	_ =	shalt  }
0x49: {  	_ =	shalt  }
0x4a: {  	_ =	shalt  }
0x4b: {  	_ =	shalt  }
0x4c: {  	_ =	shalt  }
0x4d: {  	_ =	shalt  }
0x4e: {  	_ =	shalt  }
0x4f: {  	_ =	shalt  }
0x50: {  	_ =	shalt  }
0x51: {  	_ =	shalt  }
0x52: {  	_ =	shalt  }
0x53: {  	_ =	shalt  }
0x54: {  	_ =	shalt  }
0x55: {  	_ =	shalt  }
0x56: {  	_ =	shalt  }
0x57: {  	_ =	shalt  }
0x58: {  	_ =	shalt  }
0x59: {  	_ =	shalt  }
0x5a: {  	_ =	shalt  }
0x5b: {  	_ =	shalt  }
0x5c: {  	_ =	shalt  }
0x5d: {  	_ =	shalt  }
0x5e: {  	_ =	shalt  }
0x5f: {  	_ =	shalt  }
0x60: {  	_ =	shalt  }
0x61: {  	_ =	shalt  }
0x62: {  	_ =	shalt  }
0x63: {  	_ =	shalt  }
0x64: {  	_ =	shalt  }
0x65: {  	_ =	shalt  }
0x66: {  	_ =	shalt  }
0x67: {  	_ =	shalt  }
0x68: {  	_ =	shalt  }
0x69: {  	_ =	shalt  }
0x6a: {  	_ =	shalt  }
0x6b: {  	_ =	shalt  }
0x6c: {  	_ =	shalt  }
0x6d: {  	_ =	shalt  }
0x6e: {  	_ =	shalt  }
0x6f: {  	_ =	shalt  }
0x70: {  	_ =	shalt  }
0x71: {  	_ =	shalt  }
0x72: {  	_ =	shalt  }
0x73: {  	_ =	shalt  }
0x74: {  	_ =	shalt  }
0x75: {  	_ =	shalt  }
0x76: {  	_ =	shalt  }
0x77: {  	_ =	shalt  }
0x78: {  	_ =	shalt  }
0x79: {  	_ =	shalt  }
0x7a: {  	_ =	shalt  }
0x7b: {  	_ =	shalt  }
0x7c: {  	_ =	shalt  }
0x7d: {  	_ =	shalt  }
0x7e: {  	_ =	shalt  }
0x7f: {  	_ =	shalt  }
0x80: {  	_ =	shalt  }
0x81: {  	_ =	shalt  }
0x82: {  	_ =	shalt  }
0x83: {  	_ =	shalt  }
0x84: {  	_ =	shalt  }
0x85: {  	_ =	shalt  }
0x86: {  	_ =	shalt  }
0x87: {  	_ =	shalt  }
.Lfunc_end0:
.L_simem_size_0:
called_computation.1_lowered:
.L_overlay_start_0:
0x88: {  	s2 =	sld [smem:$0x3FD9]  }
0x89: {  	s3 =	sld [smem:$0x3FFE];
	_ =	sdelay $0x1  }
0x8a: {  	s1 =	srdreg.scid  }
0x8b: {  	s0 =	sand.u32 $0x1, s1  }
0x8c: {  	s17 =	sshll.u32 s0, $0xA;
	s2 =	sadd.s32 s3, s2  }
0x8d: {  	s2 =	sadd.s32 s2, s17  }
0x8e: {  	[smem:$0x3FBC] =	sst s2  }
0x8f: {  	_ = 	snop  }
0x90: {  	s2 =	sld [smem:$0x3FD0];
	(tm) =	ssettm $0x1  }
0x91: {  	s18 =	sld [smem:$0x3FFB];
	_ =	sdelay $0x3  }
0x92: {  	_ =	strace s18  }
0x93: {  	s3 =	sld [smem:$0x3FFC];
	_ =	sdelay $0x3  }
0x94: {  	_ =	strace s3  }
0x95: {  	s3 =	sld [smem:$0x3FFD];
	_ =	sdelay $0x3  }
0x96: {  	_ =	strace s3  }
0x97: {  	_ =	strace $0x8FFFFFFF  }
0x98: {  	s19 =	sld [smem:$0x3FDB];
	_ =	sdelay $0x1  }
0x99: {  	s4 =	simm.s32 $_scs_section_size  }
0x9a: {  	s5 =	simm.s32 $_size__tile_overlayer_lowered;
	s6 =	simm.s32 $_tile_overlayer_lowered  }
0x9b: {  	s22 =	simm.s32 $0x1BFF;
	s21 =	sshll.u32 s6, $0x1;
	s3 =	sadd.s32 s4, s19  }
0x9c: {  	s7 =	simm.s32 $0x0;
	s20 =	sshll.u32 s5, $0x1;
	s5 =	sadd.s32 s21, s3  }
0x9d: {  	[timem:s7], [sflag:s22] =	dma.local [hbm:s5], s20  }
0x9e: {  	_ =	swait.ge [sflag:s22], s20  }
0x9f: {  	s4 =	ssub.s32 $0x0, s20;
	[sflag:s22] =	ssyncset.done $0x0  }
0xa0: {  	[sflag:s22] =	ssyncadd.s32 s4;
	_ =	sdelay $0x1  }
0xa1: {  	s23 =	simm.s32 $0x1B8B  }
0xa2: {  	_ =	swait.ge [sflag:s23], $0x1  }
0xa3: {  	[sflag:s23] =	ssyncset.done $0x0  }
0xa4: {  	s25 =	simm.s32 $0x1B8E;
	s24 =	sld [smem:$0x3FFE];
	[sflag:s23] =	ssyncadd.s32 $0xFFFFFFFF  }
0xa5: {  	s26 =	simm.s32 $execute0_lowered;
	[smem:$0x3FD2] =	sst s25  }
0xa6: {  	s5 =	sshll.u32 s26, $0x1;
	_ =	strace $0x80000049;
	[dreg:$0x1] =	wrdreg $0xFFFFFFFF  }
0xa7: {  	s28 =	simm.s32 $_size_execute0_lowered;
	s3 =	sadd.s32 s3, s5;
	[dreg:$0x0] =	wrdreg $0x0  }
0xa8: {  	s5 =	sshll.u32 s28, $0x1;
	[dreg:$0x2] =	wrdreg s3  }
0xa9: {  	[dreg:$0x3] =	wrdreg s5  }
0xaa: {  	[dreg:$0x4] =	wrdreg $0xC0  }
0xab: {  	_ =	task [dreg:s7], $0x5FFFF  }
0xac: {  	[dreg:$0x1] =	wrdreg $0xFFFFFFFF  }
0xad: {  	[dreg:$0x0] =	wrdreg $0x60  }
0xae: {  	[dreg:$0x2] =	wrdreg s24  }
0xaf: {  	[dreg:$0x3] =	wrdreg s2  }
0xb0: {  	[dreg:$0x4] =	wrdreg $0x9  }
0xb1: {  	_ =	task.clear_ibuf [dreg:s7], $0x5FFFF;
	_ =	strace $0x90000049  }
0xb2: {  	s29 =	simm.s32 $0x9;
	_ =	strace $0x8000004B  }
0xb3: {  	_ =	swait.ge [sflag:s29], $0x1  }
0xb4: {  	[sflag:s29] =	ssyncadd.s32 $0xFFFFFFFF  }
0xb5: {  	_ =	strace $0x9000004B  }
0xb6: {  	_ =	sfence  }
0xb7: {  	s30 =	sld [smem:$0x0];
	_ =	sdelay $0x2  }
0xb8: {  	s31 =	sshll.u32 s1, $0xD;
	s1 =	sshrl.u32 s1, $0x2  }
0xb9: {  	s3 =	sand.u32 $0x4000, s31;
	s1 =	sadd.s32 s1, s30  }
0xba: {  	s0 =	sor.u32 s3, s0;
	s1 =	sshll.u32 s1, $0x11  }
0xbb: {  	s0 =	sor.u32 s1, s0  }
0xbc: {  	s0 =	sadd.s32 $0x8F2B, s0  }
0xbd: {  	[sflag:s0] =	ssyncadd.remote.s32 $0x1  }
0xbe: {  	_ =	sfence.sel $0xFFFF  }
0xbf: {  	[dreg:$0x0] =	wrdreg $0xFFFFFFFF;
	(pc) =	sbr.abs _section_cstart, $3  }
0xc0: {  	[dreg:$0x1] =	wrdreg $0xFFFFFFFF  }
0xc1: {  	_ =	task.clear_ibuf [dreg:s7], $0x2FFFF;
	_ =	strace $0x9FFFFFFF  }
0xc2: {  	(tm) =	ssettm $0x7FFFFFFF  }
0xc3: {  	_ =	shalt  }
tec
execute0_lowered:
.L_overlay_start_1:
0x0: {  	(tag) =	ssettag $0x1  }
0x1: {  	s6 =	rddreg [dreg:$0x0]  }
0x2: {  	s1 =	rddreg [dreg:$0x1]  }
0x3: {  	s0 =	rddreg [dreg:$0x2];
	s2 =	simm.s32 $0x0;
	s3 =	srdreg.scid  }
0x4: {  	s11 =	simm.s32 $0xC8;
	s12 =	simm.s32 $0x320;
	s13 =	simm.s32 $0xFA0  }
0x5: {  	s14 =	simm.s32 $0x1C20;
	s15 =	simm.s32 $0x258;
	s16 =	simm.s32 $0x28A0  }
0x6: {  	s17 =	simm.s32 $0x1;
	s18 =	simm.s32 $0x0;
	[smem:$0x7FF] =	sst s2  }
0x7: {  	s7 =	sand.u32 $0x1, s3;
	s4 =	sadd.s32 $0x3600, s6;
	s3 =	stileid.u32  }
0x8: {  	s5 =	sadd.s32 $0xD400, s6;
	s6 =	sadd.s32 $0x17200, s6;
	s8 =	ssub.s32 $0x2, s7  }
0x9: {  	_ =	strace $0x8000004A;
	s10 =	sshll.u32 s3, $0x1;
	s9 =	sshrl.u32 s8, $0x1  }
0xa: {  	s7 =	sor.u32 s7, s10;
	s10 =	simm.s32 $0x190;
	s8 =	ssub.s32 s8, s9  }
0xb: {  	s7 =	smul.u32 $0x32, s7;
	s9 =	simm.s32 $0x2;
	s8 =	smax.u32 s8, $0x1  }
.LBB2_1:
0xc: {  	s19 =	simm.s32 $0x0  }
.LBB2_2:
0xd: {  	s20 =	sshll.u32 s19, $0x1  }
0xe: {  	s20 =	sadd.s32 s7, s20  }
0xf: {  	s21 =	smul.u32 $0x19, s20;
	_ =	sdelay $0x1  }
0x10: {  	s23 =	simm.s32 $0x0;
	s22 =	sadd.s32 s4, s21  }
0x11: {  	[tilespmem:s23], [sflag:$0x2] =	stream.linear.gather [hbm4b:s22+s23], $0x190, $0x38;
	[tilespmem:$0x3520] =	vst v63  }
0x12: {  	_ =	swait.ge [sflag:s9], $0x190  }
0x13: {  	[sflag:s9] =	ssyncset.done $0x0  }
0x14: {  	s21 =	sadd.s32 s5, s21;
	[sflag:s9] =	ssyncadd.s32 $0xFFFFFE70  }
0x15: {  	[tilespmem:s10], [sflag:$0x2] =	stream.linear.gather [hbm4b:s21+s23], $0x190, $0x38;
	[tilespmem:$0x3520] =	vst v63  }
0x16: {  	_ =	swait.ge [sflag:s9], $0x190  }
0x17: {  	[sflag:s9] =	ssyncset.done $0x0  }
0x18: {  	[sflag:s9] =	ssyncadd.s32 $0xFFFFFE70  }
0x19: {  	[tilespmem:s12], [sflag:$0x1] =	stream.indirect.gather [hbm4b:s1+s11], $0x10, s23, s11, $0xb8;
	[tilespmem:$0x3520] =	vst v63  }
0x1a: {  	_ = 	snop  }
0x1b: {  	[tilespmem:s13], [sflag:$0x1] =	stream.indirect.gather [hbm4b:s1+s11], $0x10, s11, s11, $0xb8;
	[tilespmem:$0x3520] =	vst v63  }
0x1c: {  	_ = 	snop  }
0x1d: {  	[tilespmem:s14], [sflag:$0x1] =	stream.indirect.gather [hbm4b:s1+s11], $0x10, s10, s11, $0xb8;
	[tilespmem:$0x3520] =	vst v63  }
0x1e: {  	_ = 	snop  }
0x1f: {  	[tilespmem:s16], [sflag:$0x1] =	stream.indirect.gather [hbm4b:s1+s11], $0x10, s15, s11, $0xb8;
	[tilespmem:$0x3520] =	vst v63  }
0x20: {  	_ =	swait.ge [sflag:s17], $0xC80  }
0x21: {  	[sflag:s17] =	ssyncset.done $0x0  }
0x22: {  	[sflag:s17] =	ssyncadd.s32 $0xFFFFF380  }
0x23: {  	_ =	swait.ge [sflag:s17], $0xC80  }
0x24: {  	[sflag:s17] =	ssyncset.done $0x0  }
0x25: {  	[sflag:s17] =	ssyncadd.s32 $0xFFFFF380  }
0x26: {  	_ =	swait.ge [sflag:s17], $0xC80  }
0x27: {  	[sflag:s17] =	ssyncset.done $0x0  }
0x28: {  	[sflag:s17] =	ssyncadd.s32 $0xFFFFF380  }
0x29: {  	_ =	swait.ge [sflag:s17], $0xC80  }
0x2a: {  	[sflag:s17] =	ssyncset.done $0x0  }
0x2b: {  	s21 =	simm.s32 $0x0;
	[sflag:s17] =	ssyncadd.s32 $0xFFFFF380  }
0x2c: {  	s22 =	simm.s32 $0x40;
	v0 =	vld [tilespmem:s21+$0x1C20]  }
.LBB2_3:
0x2d: {  	p0 =	sne.s32 s22, $0x63C0;
	v1 =	vld [tilespmem:s21+$0x320];
	_ =	sdelay $0x2  }
.Ltmp0:
0x2e: {  	(pc) =	sbr.rel @p0 .LBB2_3-.Ltmp0, $4  }
0x2f: {  	_ = 	snop  }
0x30: {  	v1 =	vadd.f32 v0, v1  }
0x31: {  	s23 =	sshra.s32 s22, $0x2  }
0x32: {  	s22 =	sadd.s32 $0x40, s22;
	v0 =	vld [tilespmem:s23+$0x1C20];
	[tilespmem:s21+$0x320] =	vst v1;
	s21 =	smov.u32 s23  }
0x33: {  	v1 =	vld [tilespmem:s21+$0x320];
	_ =	sdelay $0x4  }
0x34: {  	s20 =	smul.u32 $0x190, s20;
	s19 =	sadd.s32 $0x1, s19;
	v0 =	vadd.f32 v0, v1  }
0x35: {  	p0 =	sne.s32 s19, $0x19  }
.Ltmp1:
0x36: {  	s20 =	sadd.s32 s6, s20;
	[tilespmem:s21+$0x320] =	vst v0;
	(pc) =	sbr.rel @p0 .LBB2_2-.Ltmp1, $4  }
0x37: {  	[hbm4b:s20+s2] =	stream.linear.scatter [tilespmem:s12], [sflag:$0x2], $0x1900, $0x38;
	[tilespmem:$0x3520] =	vst v63  }
0x38: {  	_ =	swait.ge [sflag:s9], $0x1900  }
0x39: {  	[sflag:s9] =	ssyncset.done $0x0  }
0x3a: {  	[sflag:s9] =	ssyncadd.s32 $0xFFFFE700  }
0x3b: {  	s18 =	sadd.s32 $0x1, s18  }
0x3c: {  	p0 =	sne.s32 s18, s8  }
.Ltmp2:
0x3d: {  	_ = 	snop;
	(pc) =	sbr.rel @p0 .LBB2_1-.Ltmp2, $1  }
0x3e: {  	_ =	sdelay $0x3  }
0x3f: {  	_ =	sfence.sel $0x180000  }
0x40: {  	[bflag:$0x0] =	sbarrier.arrive $0xFFFF  }
0x41: {  	p0 =	sne.s32 s3, $0x0;
	_ =	strace $0x9000004A  }
0x42: {  	s0 =	sadd.s32 @!p0 $0x100000, s0;
	[bflag:$0x2] =	sbarrier.arrive $0xFFFF  }
0x43: {  	[sflag:s0] =	ssyncadd.tile.s32 @!p0 $0x1;
	_ =	shalt  }
.Lfunc_end2:
_tile_overlayer_lowered:
.L_overlay_start_2:
0x44: {  	(tag) =	ssettag $0x2  }
0x45: {  	s0 =	rddreg [dreg:$0x0];
	s2 =	stileid.u32  }
0x46: {  	s1 =	rddreg [dreg:$0x1];
	p0 =	sne.s32 s2, $0x0  }
0x47: {  	s3 =	rddreg [dreg:$0x2];
	[bflag:$0x3] =	sbarrier.arrive $0xFFFF;
	s2 =	simm.s32 @!p0 $0x1C02  }
0x48: {  	[timem:s3], [sflag:s2] =	dma.local @!p0 [hbm:s0], s1  }
0x49: {  	s0 =	simm.s32 @!p0 $0x2  }
0x4a: {  	_ =	swait.ge @!p0 [sflag:s0], s1  }
0x4b: {  	s1 =	ssub.s32 @!p0 $0x0, s1;
	[sflag:s0] =	ssyncset.done @!p0 $0x0  }
0x4c: {  	[sflag:s0] =	ssyncadd.s32 @!p0 s1  }
0x4d: {  	[bflag:$0x3] =	sbarrier.arrive $0xFFFF  }
0x4e: {  	_ =	shalt  }

// kernel: kernel.7.cloned.1.call-start
scs
__scs_entry_jumppad:
0x0: {  	(pc) =	sbr.rel $0x88, $3  }
0x1: {  	(tag) =	ssettag $0x0;
	lr =	simm.s32 $0x1  }
0x2: {  	[smem:$0x3F95] =	sst lr;
	_ =	strace $0xD0000000  }
0x3: {  	_ = 	snop  }
0x4: {  	_ = 	snop  }
0x5: {  	_ = 	snop  }
0x6: {  	_ = 	snop  }
0x7: {  	_ = 	snop  }
__scs_overlays_trampoline_lowered:
0x8: {  	[smem:$0x3FA4] =	sst s0  }
0x9: {  	[smem:$0x3FA5] =	sst s1  }
0xa: {  	[smem:$0x3FA6] =	sst s2  }
0xb: {  	[smem:$0x3FA7] =	sst s3  }
0xc: {  	[smem:$0x3FA8] =	sst s4  }
0xd: {  	[smem:$0x3FA9] =	sst s5  }
0xe: {  	[smem:$0x3FAA] =	sst s6  }
0xf: {  	[smem:$0x3FAB] =	sst s7  }
0x10: {  	[smem:$0x3FAC] =	sst s8  }
0x11: {  	[smem:$0x3FAD] =	sst s9;
	s0 =	simm.s32 @!p0 $0x0  }
0x12: {  	s1 =	sld [smem:$0x3F93];
	s0 =	simm.s32 @p0 $0x1  }
0x13: {  	[smem:$0x3FAE] =	sst s0;
	s0 =	simm.s32 @!p1 $0x0  }
0x14: {  	s2 =	sld [smem:$0x3F92];
	s0 =	simm.s32 @p1 $0x1  }
0x15: {  	[smem:$0x3FAF] =	sst s0;
	s0 =	simm.s32 @!p2 $0x0  }
0x16: {  	s3 =	sld [smem:$0x3FDB];
	s0 =	simm.s32 @p2 $0x1  }
0x17: {  	s4 =	simm.s32 $0x1BF5;
	[smem:$0x3FB1] =	sst s0  }
0x18: {  	s0 =	sld [smem:$0x3F94];
	_ =	swait.ge [sflag:s4], $0x0  }
0x19: {  	s7 =	sld [smem:$0x3F95]  }
0x1a: {  	s8 =	sadd.s32 $0xFFFFE003, lr  }
0x1b: {  	s9 =	sadd.s32 $0xFFFFFEF7, lr;
	s5 =	simm.s32 $0xFFFFFFFF;
	p2 =	slt.u32 s8, $0xFFFFF086  }
0x1c: {  	p1 =	slt.u32 s9, $0xF7A;
	s5 =	simm.s32 @!p2 $0x0  }
0x1d: {  	s5 =	simm.s32 @p1 $0x1;
	p0 =	seq.s32 s7, s2  }
0x1e: {  	s7 =	smul.u32 @!p0 $0xF7A, s2;
	p2 =	seq.s32 @!p0 s5, $0x0  }
0x1f: {  	s9 =	smul.u32 $0xF7A, s1;
	s8 =	simm.s32 @!p0 $0x1BF5;
	p2 =	por !p2, p0  }
0x20: {  	[sflag:s8] =	ssyncset.s32 @!p0 $0xFFFFF086;
	s6 =	sadd.s32 @!p0 s3, s7;
	s7 =	simm.s32 @!p0 $0x108  }
0x21: {  	s3 =	sadd.s32 s3, s9;
	s6 =	sadd.s32 @!p0 $0x88, s6;
	s7 =	simm.s32 @p2 $0x1082  }
0x22: {  	[simem:s7], [sflag:s8] =	dma.local @!p0 [hbm:s6], $0xF7A  }
0x23: {  	s9 =	sor.u32 $0xD0000000, s2;
	s6 =	simm.s32 $0x108;
	_ =	swait.ge @!p0 [sflag:s8], $0x0  }
0x24: {  	s3 =	sadd.s32 $0x88, s3;
	s6 =	simm.s32 @!p1 $0x1082;
	[sflag:s4] =	ssyncset.s32 $0xFFFFF086  }
0x25: {  	[simem:s6], [sflag:s4] =	dma.local [hbm:s3], $0xF7A  }
0x26: {  	[smem:$0x3F95] =	sst s1;
	(tag) =	ssettag s2;
	_ =	strace s9  }
0x27: {  	s1 =	sld [smem:$0x3FA5]  }
0x28: {  	s2 =	sld [smem:$0x3FA6]  }
0x29: {  	s4 =	sld [smem:$0x3FA8]  }
0x2a: {  	p0 =	seq.s32 s5, $0x0;
	s5 =	sld [smem:$0x3FA9]  }
0x2b: {  	s6 =	sld [smem:$0x3FAA]  }
0x2c: {  	s7 =	sld [smem:$0x3FAB]  }
0x2d: {  	s3 =	simm.s32 $0x108;
	s8 =	sld [smem:$0x3FAC]  }
0x2e: {  	s3 =	simm.s32 @!p0 $0x1082;
	s9 =	sld [smem:$0x3FAD]  }
0x2f: {  	lr =	sadd.s32 s0, s3;
	s0 =	sld [smem:$0x3FA4]  }
0x30: {  	s3 =	sld [smem:$0x3FA7]  }
0x31: {  	[smem:$0x3FB0] =	sst s10  }
0x32: {  	s10 =	sld [smem:$0x3FAE];
	_ =	sdelay $0x3  }
0x33: {  	p0 =	seq.s32 s10, $0x1;
	s10 =	sld [smem:$0x3FB0];
	_ =	sdelay $0x3  }
0x34: {  	[smem:$0x3FB0] =	sst s10  }
0x35: {  	s10 =	sld [smem:$0x3FAF];
	_ =	sdelay $0x3  }
0x36: {  	p1 =	seq.s32 s10, $0x1;
	s10 =	sld [smem:$0x3FB0];
	_ =	sdelay $0x3  }
0x37: {  	[smem:$0x3FB0] =	sst s10  }
0x38: {  	s10 =	sld [smem:$0x3FB1]  }
0x39: {  	_ = 	snop;
	(pc) =	sbr.ind lr, $3  }
0x3a: {  	_ = 	snop  }
0x3b: {  	_ = 	snop  }
0x3c: {  	p2 =	seq.s32 s10, $0x1;
	s10 =	sld [smem:$0x3FB0]  }
0x3d: {  	_ =	shalt  }
0x3e: {  	_ =	shalt  }
0x3f: {  	_ =	shalt  }
0x40: {  	_ =	shalt  }
0x41: {  	_ =	shalt  }
0x42: {  	_ =	shalt  }
0x43: {  	_ =	shalt  }
0x44: {  	_ =	shalt  }
0x45: {  	_ =	shalt  }
0x46: {  	_ =	shalt  }
0x47: {  	_ =	shalt  }
0x48: {  	_ =	shalt  }
0x49: {  	_ =	shalt  }
0x4a: {  	_ =	shalt  }
0x4b: {  	_ =	shalt  }
0x4c: {  	_ =	shalt  }
0x4d: {  	_ =	shalt  }
0x4e: {  	_ =	shalt  }
0x4f: {  	_ =	shalt  }
0x50: {  	_ =	shalt  }
0x51: {  	_ =	shalt  }
0x52: {  	_ =	shalt  }
0x53: {  	_ =	shalt  }
0x54: {  	_ =	shalt  }
0x55: {  	_ =	shalt  }
0x56: {  	_ =	shalt  }
0x57: {  	_ =	shalt  }
0x58: {  	_ =	shalt  }
0x59: {  	_ =	shalt  }
0x5a: {  	_ =	shalt  }
0x5b: {  	_ =	shalt  }
0x5c: {  	_ =	shalt  }
0x5d: {  	_ =	shalt  }
0x5e: {  	_ =	shalt  }
0x5f: {  	_ =	shalt  }
0x60: {  	_ =	shalt  }
0x61: {  	_ =	shalt  }
0x62: {  	_ =	shalt  }
0x63: {  	_ =	shalt  }
0x64: {  	_ =	shalt  }
0x65: {  	_ =	shalt  }
0x66: {  	_ =	shalt  }
0x67: {  	_ =	shalt  }
0x68: {  	_ =	shalt  }
0x69: {  	_ =	shalt  }
0x6a: {  	_ =	shalt  }
0x6b: {  	_ =	shalt  }
0x6c: {  	_ =	shalt  }
0x6d: {  	_ =	shalt  }
0x6e: {  	_ =	shalt  }
0x6f: {  	_ =	shalt  }
0x70: {  	_ =	shalt  }
0x71: {  	_ =	shalt  }
0x72: {  	_ =	shalt  }
0x73: {  	_ =	shalt  }
0x74: {  	_ =	shalt  }
0x75: {  	_ =	shalt  }
0x76: {  	_ =	shalt  }
0x77: {  	_ =	shalt  }
0x78: {  	_ =	shalt  }
0x79: {  	_ =	shalt  }
0x7a: {  	_ =	shalt  }
0x7b: {  	_ =	shalt  }
0x7c: {  	_ =	shalt  }
0x7d: {  	_ =	shalt  }
0x7e: {  	_ =	shalt  }
0x7f: {  	_ =	shalt  }
0x80: {  	_ =	shalt  }
0x81: {  	_ =	shalt  }
0x82: {  	_ =	shalt  }
0x83: {  	_ =	shalt  }
0x84: {  	_ =	shalt  }
0x85: {  	_ =	shalt  }
0x86: {  	_ =	shalt  }
0x87: {  	_ =	shalt  }
.Lfunc_end0:
.L_simem_size_0:
called_computation_lowered:
.L_overlay_start_0:
0x88: {  	s2 =	sld [smem:$0x3FD9]  }
0x89: {  	s3 =	sld [smem:$0x3FFE];
	_ =	sdelay $0x1  }
0x8a: {  	s1 =	srdreg.scid  }
0x8b: {  	s0 =	sand.u32 $0x1, s1  }
0x8c: {  	s17 =	sshll.u32 s0, $0xA;
	s2 =	sadd.s32 s3, s2  }
0x8d: {  	s2 =	sadd.s32 s2, s17  }
0x8e: {  	[smem:$0x3FBC] =	sst s2  }
0x8f: {  	_ = 	snop  }
0x90: {  	s2 =	sld [smem:$0x3FD0];
	(tm) =	ssettm $0x1  }
0x91: {  	s18 =	sld [smem:$0x3FFB];
	_ =	sdelay $0x3  }
0x92: {  	_ =	strace s18  }
0x93: {  	s3 =	sld [smem:$0x3FFC];
	_ =	sdelay $0x3  }
0x94: {  	_ =	strace s3  }
0x95: {  	s3 =	sld [smem:$0x3FFD];
	_ =	sdelay $0x3  }
0x96: {  	_ =	strace s3  }
0x97: {  	_ =	strace $0x8FFFFFFF  }
0x98: {  	s19 =	sld [smem:$0x3FDB];
	_ =	sdelay $0x1  }
0x99: {  	s4 =	simm.s32 $_scs_section_size  }
0x9a: {  	s5 =	simm.s32 $_size__tile_overlayer_lowered;
	s6 =	simm.s32 $_tile_overlayer_lowered  }
0x9b: {  	s22 =	simm.s32 $0x1BFF;
	s21 =	sshll.u32 s6, $0x1;
	s3 =	sadd.s32 s4, s19  }
0x9c: {  	s7 =	simm.s32 $0x0;
	s20 =	sshll.u32 s5, $0x1;
	s5 =	sadd.s32 s21, s3  }
0x9d: {  	[timem:s7], [sflag:s22] =	dma.local [hbm:s5], s20  }
0x9e: {  	_ =	swait.ge [sflag:s22], s20  }
0x9f: {  	s4 =	ssub.s32 $0x0, s20;
	[sflag:s22] =	ssyncset.done $0x0  }
0xa0: {  	[sflag:s22] =	ssyncadd.s32 s4;
	_ =	sdelay $0x1  }
0xa1: {  	s23 =	simm.s32 $0x1B8B  }
0xa2: {  	_ =	swait.ge [sflag:s23], $0x1  }
0xa3: {  	[sflag:s23] =	ssyncset.done $0x0  }
0xa4: {  	s25 =	simm.s32 $0x1B8E;
	s24 =	sld [smem:$0x3FFE];
	[sflag:s23] =	ssyncadd.s32 $0xFFFFFFFF  }
0xa5: {  	s26 =	simm.s32 $execute0_lowered;
	[smem:$0x3FD2] =	sst s25  }
0xa6: {  	s5 =	sshll.u32 s26, $0x1;
	_ =	strace $0x80000046;
	[dreg:$0x1] =	wrdreg $0xFFFFFFFF  }
0xa7: {  	s28 =	simm.s32 $_size_execute0_lowered;
	s3 =	sadd.s32 s3, s5;
	[dreg:$0x0] =	wrdreg $0x0  }
0xa8: {  	s5 =	sshll.u32 s28, $0x1;
	[dreg:$0x2] =	wrdreg s3  }
0xa9: {  	[dreg:$0x3] =	wrdreg s5  }
0xaa: {  	[dreg:$0x4] =	wrdreg $0xC0  }
0xab: {  	_ =	task [dreg:s7], $0x5FFFF  }
0xac: {  	[dreg:$0x1] =	wrdreg $0xFFFFFFFF  }
0xad: {  	[dreg:$0x0] =	wrdreg $0x60  }
0xae: {  	[dreg:$0x2] =	wrdreg s2  }
0xaf: {  	[dreg:$0x3] =	wrdreg s24  }
0xb0: {  	[dreg:$0x4] =	wrdreg $0x72000  }
0xb1: {  	[dreg:$0x5] =	wrdreg $0x1AA800  }
0xb2: {  	[dreg:$0x6] =	wrdreg $0x9  }
0xb3: {  	_ =	task.clear_ibuf [dreg:s7], $0x7FFFF;
	_ =	strace $0x90000046  }
0xb4: {  	s29 =	simm.s32 $0x9;
	_ =	strace $0x80000048  }
0xb5: {  	_ =	swait.ge [sflag:s29], $0x1  }
0xb6: {  	[sflag:s29] =	ssyncadd.s32 $0xFFFFFFFF  }
0xb7: {  	_ =	strace $0x90000048  }
0xb8: {  	_ =	sfence  }
0xb9: {  	s30 =	sld [smem:$0x0];
	_ =	sdelay $0x2  }
0xba: {  	s31 =	sshll.u32 s1, $0xD;
	s1 =	sshrl.u32 s1, $0x2  }
0xbb: {  	s3 =	sand.u32 $0x4000, s31;
	s1 =	sadd.s32 s1, s30  }
0xbc: {  	s0 =	sor.u32 s3, s0;
	s1 =	sshll.u32 s1, $0x11  }
0xbd: {  	s0 =	sor.u32 s1, s0  }
0xbe: {  	s0 =	sadd.s32 $0x8F2B, s0  }
0xbf: {  	[sflag:s0] =	ssyncadd.remote.s32 $0x1  }
0xc0: {  	_ =	sfence.sel $0xFFFF  }
0xc1: {  	[dreg:$0x0] =	wrdreg $0xFFFFFFFF;
	(pc) =	sbr.abs _section_cstart, $3  }
0xc2: {  	[dreg:$0x1] =	wrdreg $0xFFFFFFFF  }
0xc3: {  	_ =	task.clear_ibuf [dreg:s7], $0x2FFFF;
	_ =	strace $0x9FFFFFFF  }
0xc4: {  	(tm) =	ssettm $0x7FFFFFFF  }
0xc5: {  	_ =	shalt  }
tec
execute0_lowered:
.L_overlay_start_1:
0x0: {  	(tag) =	ssettag $0x1  }
0x1: {  	s1 =	rddreg [dreg:$0x0]  }
0x2: {  	s0 =	rddreg [dreg:$0x1]  }
0x3: {  	s2 =	rddreg [dreg:$0x2];
	s4 =	srdreg.scid  }
0x4: {  	s22 =	stileid.u32;
	s3 =	simm.s32 $0x0;
	s31 =	simm.s32 $0x6700  }
0x5: {  	s4 =	sand.u32 $0x1, s4;
	s5 =	smul.u32 $0x270, s22;
	s6 =	sadd.s32 $0x4B600, s0  }
0x6: {  	s9 =	sadd.s32 $0x4AC00, s0;
	s11 =	smul.u32 $0x13800, s22;
	[smem:$0x7FF] =	sst s3  }
0x7: {  	p0 =	sne.s32 s22, $0xF;
	s7 =	ssub.s32 $0x2, s4;
	s8 =	smul.u32 $0x138800, s4  }
0x8: {  	s29 =	sadd.s32 $0x138000, s2;
	s15 =	smul.u32 $0x2710, s4;
	s10 =	sshrl.u32 s7, $0x1  }
0x9: {  	s12 =	sshll.u32 s5, $0x7;
	s7 =	ssub.s32 s7, s10;
	s10 =	smul.u32 $0x4E000, s22  }
0xa: {  	s11 =	sadd.s32 s11, s8;
	s18 =	sadd.s32 $0x3400, s12;
	s19 =	sadd.s32 $0x6800, s12  }
0xb: {  	s16 =	sadd.s32 s5, s15;
	s11 =	sshrl.u32 s11, $0x3;
	s13 =	sadd.s32 s8, s18  }
0xc: {  	s14 =	sadd.s32 s8, s19;
	s11 =	sadd.s32 s6, s11;
	s17 =	sshrl.u32 s13, $0x3  }
0xd: {  	s20 =	sshrl.u32 s14, $0x3;
	[dreg:$0x5] =	wrdreg s11;
	s11 =	sadd.s32 s6, s17  }
0xe: {  	s21 =	sadd.s32 s6, s20;
	s20 =	sadd.s32 $0xD000, s12;
	[dreg:$0x6] =	wrdreg s11  }
0xf: {  	s17 =	smul.u32 $0x640, s22;
	[dreg:$0x7] =	wrdreg s21;
	s11 =	sadd.s32 $0x9C00, s12  }
0x10: {  	s21 =	sadd.s32 $0x10400, s12;
	s25 =	sadd.s32 s8, s20;
	s20 =	sadd.s32 s20, s2  }
0x11: {  	s23 =	sadd.s32 s8, s11;
	s26 =	sadd.s32 s8, s21;
	s13 =	sshrl.u32 s25, $0x3  }
0x12: {  	s8 =	sshrl.u32 s8, $0x3;
	s25 =	smul.u32 $0xC80, s22;
	s24 =	sshrl.u32 s23, $0x3  }
0x13: {  	s14 =	sshrl.u32 s26, $0x3;
	s13 =	sadd.s32 s6, s13;
	s23 =	smul.u32 $0x320, s4  }
0x14: {  	s4 =	smul.u32 $0x640, s4;
	s26 =	sshrl.u32 s10, $0x2;
	s10 =	sadd.s32 s19, s2  }
0x15: {  	s19 =	sadd.s32 s11, s2;
	s11 =	simm.s32 $0x2;
	s12 =	sadd.s32 s6, s24  }
0x16: {  	[dreg:$0x9] =	wrdreg s13;
	s14 =	sadd.s32 s6, s14;
	s6 =	sadd.s32 s6, s8  }
0x17: {  	s24 =	sshrl.u32 s15, $0x3;
	[dreg:$0x8] =	wrdreg s12;
	s12 =	sshrl.u32 s16, $0x3  }
0x18: {  	s15 =	sadd.s32 $0x17200, s0;
	[dreg:$0xa] =	wrdreg s14;
	s12 =	sadd.s32 s9, s12  }
0x19: {  	s8 =	sadd.s32 s18, s2;
	s18 =	smul.u32 $0x9C0, s22;
	[dreg:$0xb] =	wrdreg s12  }
0x1a: {  	s13 =	sadd.s32 s23, s17;
	s14 =	sadd.s32 s4, s25;
	s12 =	rddreg [dreg:$0x3]  }
0x1b: {  	s16 =	sadd.s32 $0x23A00, s0;
	_ =	strace $0x80000047;
	[dreg:$0xc] =	wrdreg s8  }
0x1c: {  	s17 =	sadd.s32 s26, s2;
	s23 =	sadd.s32 s21, s2;
	[dreg:$0xd] =	wrdreg s10  }
0x1d: {  	s25 =	sadd.s32 $0x27000, s6;
	s4 =	simm.s32 $0x80;
	[dreg:$0xe] =	wrdreg s19  }
0x1e: {  	s6 =	simm.s32 $0x100;
	s9 =	sadd.s32 s9, s24;
	[dreg:$0xf] =	wrdreg s20  }
0x1f: {  	s0 =	sshrl.u32 s18, $0x2;
	s18 =	simm.s32 $0x6F80;
	[dreg:$0x10] =	wrdreg s23  }
0x20: {  	s26 =	sadd.s32 $0x4E0, s9;
	s9 =	simm.s32 $0x1;
	[dreg:$0x12] =	wrdreg s25  }
0x21: {  	s24 =	sadd.s32 s5, s12;
	[dreg:$0x13] =	wrdreg s26;
	s26 =	smax.u32 s7, $0x1  }
0x22: {  	s28 =	sadd.s32 s0, s12;
	s30 =	sadd.s32 $0x2700, s12;
	s0 =	simm.s32 $0x6F00  }
0x23: {  	s5 =	simm.s32 $0x400;
	s7 =	simm.s32 $0xC8;
	s8 =	simm.s32 $0x200  }
0x24: {  	v0 =	vimm.f32 $0.0e+00;
	v1 =	vimm.f32 $1.000000000e+00;
	s10 =	simm.s32 $0x6600;
	s19 =	simm.s32 $0x0;
	[dreg:$0x11] =	wrdreg s24  }
.LBB2_1:
0x25: {  	[tilespmem:$0x6700] =	vst v0  }
0x26: {  	[tilespmem:$0x6710] =	vst v0  }
0x27: {  	[tilespmem:$0x6720] =	vst v0  }
0x28: {  	[tilespmem:$0x6730] =	vst v0  }
0x29: {  	[tilespmem:$0x6740] =	vst v0  }
0x2a: {  	[tilespmem:$0x6750] =	vst v0  }
0x2b: {  	[tilespmem:$0x6760] =	vst v0  }
0x2c: {  	[tilespmem:$0x6770] =	vst v0  }
0x2d: {  	[tilespmem:$0x6780] =	vst v0  }
0x2e: {  	[tilespmem:$0x6790] =	vst v0  }
0x2f: {  	[tilespmem:$0x67A0] =	vst v0  }
0x30: {  	[tilespmem:$0x67B0] =	vst v0  }
0x31: {  	[tilespmem:$0x67C0] =	vst v0  }
0x32: {  	[tilespmem:$0x67D0] =	vst v0  }
0x33: {  	[tilespmem:$0x67E0] =	vst v0  }
0x34: {  	[tilespmem:$0x67F0] =	vst v0  }
0x35: {  	[tilespmem:$0x6800] =	vst v0  }
0x36: {  	[tilespmem:$0x6810] =	vst v0  }
0x37: {  	[tilespmem:$0x6820] =	vst v0  }
0x38: {  	[tilespmem:$0x6830] =	vst v0  }
0x39: {  	[tilespmem:$0x6840] =	vst v0  }
0x3a: {  	[tilespmem:$0x6850] =	vst v0  }
0x3b: {  	[tilespmem:$0x6860] =	vst v0  }
0x3c: {  	[tilespmem:$0x6870] =	vst v0  }
0x3d: {  	[tilespmem:$0x6880] =	vst v0  }
0x3e: {  	[tilespmem:$0x6890] =	vst v0  }
0x3f: {  	[tilespmem:$0x68A0] =	vst v0  }
0x40: {  	[tilespmem:$0x68B0] =	vst v0  }
0x41: {  	[tilespmem:$0x68C0] =	vst v0  }
0x42: {  	[tilespmem:$0x68D0] =	vst v0  }
0x43: {  	[tilespmem:$0x68E0] =	vst v0  }
0x44: {  	[tilespmem:$0x68F0] =	vst v0  }
0x45: {  	[tilespmem:$0x6900] =	vst v0  }
0x46: {  	[tilespmem:$0x6910] =	vst v0  }
0x47: {  	[tilespmem:$0x6920] =	vst v0  }
0x48: {  	[tilespmem:$0x6930] =	vst v0  }
0x49: {  	[tilespmem:$0x6940] =	vst v0  }
0x4a: {  	[tilespmem:$0x6950] =	vst v0  }
0x4b: {  	[tilespmem:$0x6960] =	vst v0  }
0x4c: {  	[tilespmem:$0x6970] =	vst v0  }
0x4d: {  	[tilespmem:$0x6980] =	vst v0  }
0x4e: {  	[tilespmem:$0x6990] =	vst v0  }
0x4f: {  	[tilespmem:$0x69A0] =	vst v0  }
0x50: {  	[tilespmem:$0x69B0] =	vst v0  }
0x51: {  	[tilespmem:$0x69C0] =	vst v0  }
0x52: {  	[tilespmem:$0x69D0] =	vst v0  }
0x53: {  	[tilespmem:$0x69E0] =	vst v0  }
0x54: {  	[tilespmem:$0x69F0] =	vst v0  }
0x55: {  	[tilespmem:$0x6A00] =	vst v0  }
0x56: {  	[tilespmem:$0x6A10] =	vst v0  }
0x57: {  	[tilespmem:$0x6A20] =	vst v0  }
0x58: {  	[tilespmem:$0x6A30] =	vst v0  }
0x59: {  	[tilespmem:$0x6A40] =	vst v0  }
0x5a: {  	[tilespmem:$0x6A50] =	vst v0  }
0x5b: {  	[tilespmem:$0x6A60] =	vst v0  }
0x5c: {  	[tilespmem:$0x6A70] =	vst v0  }
0x5d: {  	[tilespmem:$0x6A80] =	vst v0  }
0x5e: {  	[tilespmem:$0x6A90] =	vst v0  }
0x5f: {  	[tilespmem:$0x6AA0] =	vst v0  }
0x60: {  	[tilespmem:$0x6AB0] =	vst v0  }
0x61: {  	[tilespmem:$0x6AC0] =	vst v0  }
0x62: {  	[tilespmem:$0x6AD0] =	vst v0  }
0x63: {  	[tilespmem:$0x6AE0] =	vst v0  }
0x64: {  	[tilespmem:$0x6AF0] =	vst v0  }
0x65: {  	[tilespmem:$0x6B00] =	vst v0  }
0x66: {  	[tilespmem:$0x6B10] =	vst v0  }
0x67: {  	[tilespmem:$0x6B20] =	vst v0  }
0x68: {  	[tilespmem:$0x6B30] =	vst v0  }
0x69: {  	[tilespmem:$0x6B40] =	vst v0  }
0x6a: {  	[tilespmem:$0x6B50] =	vst v0  }
0x6b: {  	[tilespmem:$0x6B60] =	vst v0  }
0x6c: {  	[tilespmem:$0x6B70] =	vst v0  }
0x6d: {  	[tilespmem:$0x6B80] =	vst v0  }
0x6e: {  	[tilespmem:$0x6B90] =	vst v0  }
0x6f: {  	[tilespmem:$0x6BA0] =	vst v0  }
0x70: {  	[tilespmem:$0x6BB0] =	vst v0  }
0x71: {  	[tilespmem:$0x6BC0] =	vst v0  }
0x72: {  	[tilespmem:$0x6BD0] =	vst v0  }
0x73: {  	[tilespmem:$0x6BE0] =	vst v0  }
0x74: {  	[tilespmem:$0x6BF0] =	vst v0  }
0x75: {  	[tilespmem:$0x6C00] =	vst v0  }
0x76: {  	[tilespmem:$0x6C10] =	vst v0  }
0x77: {  	[tilespmem:$0x6C20] =	vst v0  }
0x78: {  	[tilespmem:$0x6C30] =	vst v0  }
0x79: {  	[tilespmem:$0x6C40] =	vst v0  }
0x7a: {  	[tilespmem:$0x6C50] =	vst v0  }
0x7b: {  	[tilespmem:$0x6C60] =	vst v0  }
0x7c: {  	[tilespmem:$0x6C70] =	vst v0  }
0x7d: {  	[tilespmem:$0x6C80] =	vst v0  }
0x7e: {  	[tilespmem:$0x6C90] =	vst v0  }
0x7f: {  	[tilespmem:$0x6CA0] =	vst v0  }
0x80: {  	[tilespmem:$0x6CB0] =	vst v0  }
0x81: {  	[tilespmem:$0x6CC0] =	vst v0  }
0x82: {  	[tilespmem:$0x6CD0] =	vst v0  }
0x83: {  	[tilespmem:$0x6CE0] =	vst v0  }
0x84: {  	[tilespmem:$0x6CF0] =	vst v0  }
0x85: {  	[tilespmem:$0x6D00] =	vst v0  }
0x86: {  	[tilespmem:$0x6D10] =	vst v0  }
0x87: {  	[tilespmem:$0x6D20] =	vst v0  }
0x88: {  	[tilespmem:$0x6D30] =	vst v0  }
0x89: {  	[tilespmem:$0x6D40] =	vst v0  }
0x8a: {  	[tilespmem:$0x6D50] =	vst v0  }
0x8b: {  	[tilespmem:$0x6D60] =	vst v0  }
0x8c: {  	[tilespmem:$0x6D70] =	vst v0  }
0x8d: {  	[tilespmem:$0x6D80] =	vst v0  }
0x8e: {  	[tilespmem:$0x6D90] =	vst v0  }
0x8f: {  	[tilespmem:$0x6DA0] =	vst v0  }
0x90: {  	[tilespmem:$0x6DB0] =	vst v0  }
0x91: {  	[tilespmem:$0x6DC0] =	vst v0  }
0x92: {  	[tilespmem:$0x6DD0] =	vst v0  }
0x93: {  	[tilespmem:$0x6DE0] =	vst v0  }
0x94: {  	[tilespmem:$0x6DF0] =	vst v0  }
0x95: {  	[tilespmem:$0x6E00] =	vst v0  }
0x96: {  	[tilespmem:$0x6E10] =	vst v0  }
0x97: {  	[tilespmem:$0x6E20] =	vst v0  }
0x98: {  	[tilespmem:$0x6E30] =	vst v0  }
0x99: {  	[tilespmem:$0x6E40] =	vst v0  }
0x9a: {  	[tilespmem:$0x6E50] =	vst v0  }
0x9b: {  	[tilespmem:$0x6E60] =	vst v0  }
0x9c: {  	[tilespmem:$0x6E70] =	vst v0  }
0x9d: {  	[tilespmem:$0x6E80] =	vst v0  }
0x9e: {  	[tilespmem:$0x6E90] =	vst v0  }
0x9f: {  	[tilespmem:$0x6EA0] =	vst v0  }
0xa0: {  	[tilespmem:$0x6EB0] =	vst v0  }
0xa1: {  	[tilespmem:$0x6EC0] =	vst v0  }
0xa2: {  	[tilespmem:$0x6ED0] =	vst v0  }
0xa3: {  	[tilespmem:$0x6EE0] =	vst v0  }
0xa4: {  	[tilespmem:$0x6EF0] =	vst v0  }
0xa5: {  	[tilespmem:$0x6F00] =	vst v0  }
0xa6: {  	[tilespmem:$0x6600] =	vst v1  }
0xa7: {  	[tilespmem:$0x6610] =	vst v1  }
0xa8: {  	[tilespmem:$0x6620] =	vst v1  }
0xa9: {  	[tilespmem:$0x6630] =	vst v1  }
0xaa: {  	[tilespmem:$0x6640] =	vst v1  }
0xab: {  	[tilespmem:$0x6650] =	vst v1  }
0xac: {  	[tilespmem:$0x6660] =	vst v1  }
0xad: {  	[tilespmem:$0x6670] =	vst v1  }
0xae: {  	[tilespmem:$0x6680] =	vst v1  }
0xaf: {  	[tilespmem:$0x6690] =	vst v1  }
0xb0: {  	[tilespmem:$0x66A0] =	vst v1  }
0xb1: {  	[tilespmem:$0x66B0] =	vst v1  }
0xb2: {  	[tilespmem:$0x66C0] =	vst v1  }
0xb3: {  	[spmem:s17] =	stream.linear.scatter [tilespmem:s31], [sflag:$0x2], $0x800, $0x38;
	[tilespmem:$0x1ACF8] =	vst v63  }
0xb4: {  	_ =	swait.ge [sflag:s11], $0x800  }
0xb5: {  	[sflag:s11] =	ssyncset.done $0x0  }
0xb6: {  	s20 =	sadd.s32 $0x0, s28;
	[sflag:s11] =	ssyncadd.s32 $0xFFFFF800  }
0xb7: {  	[spmem:s20] =	stream.linear.scatter [tilespmem:s0], [sflag:$0x2], $0x10, $0x38;
	[tilespmem:$0x1ACF8] =	vst v63  }
0xb8: {  	_ =	swait.ge [sflag:s11], $0x10  }
0xb9: {  	s21 =	smov.u32 s17;
	s20 =	simm.s32 $0x40;
	[sflag:s11] =	ssyncset.done $0x0  }
.LBB2_2:
0xba: {  	p1 =	sne.s32 s20, $0x980;
	[sflag:s11] =	ssyncadd.s32 $0xFFFFFFF0;
	s21 =	sadd.s32 $0x800, s21  }
0xbb: {  	[spmem:s21] =	stream.linear.scatter [tilespmem:s31], [sflag:$0x2], $0x800, $0x38;
	[tilespmem:$0x1ACF8] =	vst v63  }
0xbc: {  	s22 =	smov.u32 s20;
	s20 =	sadd.s32 $0x40, s20;
	_ =	swait.ge [sflag:s11], $0x800  }
.Ltmp0:
0xbd: {  	s22 =	sshra.s32 s22, $0x2;
	[sflag:s11] =	ssyncset.done $0x0;
	(pc) =	sbr.rel @p1 .LBB2_2-.Ltmp0, $4  }
0xbe: {  	s22 =	sadd.s32 s22, s28;
	[sflag:s11] =	ssyncadd.s32 $0xFFFFF800  }
0xbf: {  	[spmem:s22] =	stream.linear.scatter [tilespmem:s0], [sflag:$0x2], $0x10, $0x38;
	[tilespmem:$0x1ACF8] =	vst v63  }
0xc0: {  	_ =	swait.ge [sflag:s11], $0x10  }
0xc1: {  	[sflag:s11] =	ssyncset.done $0x0  }
0xc2: {  	[sflag:s11] =	ssyncadd.s32 $0xFFFFFFF0;
	s20 =	simm.s32 @!p0 $0x6700  }
0xc3: {  	[spmem:s29] =	stream.linear.scatter @!p0 [tilespmem:s20], [sflag:$0x2], $0x800, $0x38;
	[tilespmem:$0x1ACF8] =	vst v63  }
0xc4: {  	s20 =	simm.s32 @!p0 $0x2  }
0xc5: {  	_ =	swait.ge @!p0 [sflag:s20], $0x800  }
0xc6: {  	[sflag:s20] =	ssyncset.done @!p0 $0x0  }
0xc7: {  	s21 =	simm.s32 @!p0 $0x6F00;
	[sflag:s20] =	ssyncadd.s32 @!p0 $0xFFFFF800  }
0xc8: {  	[spmem:s30] =	stream.linear.scatter @!p0 [tilespmem:s21], [sflag:$0x2], $0x10, $0x38;
	[tilespmem:$0x1ACF8] =	vst v63  }
0xc9: {  	s23 =	sadd.s32 $0x0, s13;
	_ =	swait.ge @!p0 [sflag:s20], $0x10  }
0xca: {  	s22 =	sand.u32 $0xFFFFF00, s14;
	s21 =	sand.u32 $0x70, s23;
	[sflag:s20] =	ssyncset.done @!p0 $0x0  }
0xcb: {  	s24 =	sor.u32 s21, s22;
	[sflag:s20] =	ssyncadd.s32 @!p0 $0xFFFFFFF0  }
0xcc: {  	s21 =	sadd.s32 s1, s24;
	[bflag:$0x0] =	sbarrier.arrive $0xFFFF  }
0xcd: {  	[tilespmem:s3], [sflag:$0x2] =	stream.strided.gather [hbm4b:s21+s4], $0x100, s5, s4, $0x38;
	[tilespmem:$0x1ACF8] =	vst v63  }
0xce: {  	_ =	swait.ge [sflag:s11], $0x100  }
0xcf: {  	[sflag:s11] =	ssyncset.done $0x0  }
0xd0: {  	s20 =	sadd.s32 s15, s24;
	[sflag:s11] =	ssyncadd.s32 $0xFFFFFF00  }
0xd1: {  	[tilespmem:s6], [sflag:$0x2] =	stream.strided.gather [hbm4b:s20+s4], $0x100, s5, s4, $0x38;
	[tilespmem:$0x1ACF8] =	vst v63  }
0xd2: {  	_ =	swait.ge [sflag:s11], $0x100  }
0xd3: {  	[sflag:s11] =	ssyncset.done $0x0  }
0xd4: {  	[sflag:s11] =	ssyncadd.s32 $0xFFFFFF00  }
0xd5: {  	[tilespmem:s8], [sflag:$0x1] =	stream.indirect.gather [hbm4b:s16+s7], $0x80, s3, s7, $0xb8;
	[tilespmem:$0x1ACF8] =	vst v63  }
0xd6: {  	_ =	swait.ge [sflag:s9], $0x6400  }
0xd7: {  	[sflag:s9] =	ssyncset.done $0x0  }
0xd8: {  	[sflag:s9] =	ssyncadd.s32 $0xFFFF9C00  }
0xd9: {  	[spmem:s2] =	stream.indirect.scatter.add.f32 [tilespmem:s8], [sflag:$0x2], $0x80, s6, s7, $0xb8;
	[tilespmem:$0x1ACF8] =	vst v63  }
0xda: {  	_ =	swait.ge [sflag:s11], $0x6400  }
0xdb: {  	[sflag:s11] =	ssyncset.done $0x0  }
0xdc: {  	s25 =	sadd.s32 $0x10, s13;
	s20 =	sadd.s32 $0x20, s14;
	[sflag:s11] =	ssyncadd.s32 $0xFFFF9C00  }
0xdd: {  	[spmem:s12] =	stream.indirect.scatter.add.f32 [tilespmem:s10], [sflag:$0x2], $0x1, s6, s7, $0xb8;
	[tilespmem:$0x1ACF8] =	vst v63  }
0xde: {  	s21 =	sand.u32 $0x70, s25;
	s23 =	sand.u32 $0xFFFFF00, s20;
	_ =	swait.ge [sflag:s11], $0xC8  }
0xdf: {  	s22 =	simm.s32 $0x20;
	s21 =	sor.u32 s21, s23;
	[sflag:s11] =	ssyncset.done $0x0  }
.LBB2_4:
0xe0: {  	s23 =	sadd.s32 s1, s21  }
0xe1: {  	[sflag:s11] =	ssyncadd.s32 $0xFFFFFF38;
	s24 =	smov.u32 s22;
	s25 =	sadd.s32 $0x10, s22  }
0xe2: {  	[tilespmem:s3], [sflag:$0x2] =	stream.strided.gather [hbm4b:s23+s4], $0x100, s5, s4, $0x38;
	[tilespmem:$0x1ACF8] =	vst v63  }
0xe3: {  	p1 =	sne.s32 s22, $0x310;
	_ =	swait.ge [sflag:s11], $0x100  }
0xe4: {  	[sflag:s11] =	ssyncset.done $0x0  }
0xe5: {  	s21 =	sadd.s32 s15, s21;
	[sflag:s11] =	ssyncadd.s32 $0xFFFFFF00  }
0xe6: {  	[tilespmem:s6], [sflag:$0x2] =	stream.strided.gather [hbm4b:s21+s4], $0x100, s5, s4, $0x38;
	[tilespmem:$0x1ACF8] =	vst v63  }
0xe7: {  	_ =	swait.ge [sflag:s11], $0x100  }
0xe8: {  	[sflag:s11] =	ssyncset.done $0x0  }
0xe9: {  	[sflag:s11] =	ssyncadd.s32 $0xFFFFFF00  }
0xea: {  	[tilespmem:s8], [sflag:$0x1] =	stream.indirect.gather [hbm4b:s16+s7], $0x80, s3, s7, $0xb8;
	[tilespmem:$0x1ACF8] =	vst v63  }
0xeb: {  	_ =	swait.ge [sflag:s9], $0x6400  }
0xec: {  	[sflag:s9] =	ssyncset.done $0x0  }
0xed: {  	[sflag:s9] =	ssyncadd.s32 $0xFFFF9C00  }
0xee: {  	[spmem:s2] =	stream.indirect.scatter.add.f32 [tilespmem:s8], [sflag:$0x2], $0x80, s6, s7, $0xb8;
	[tilespmem:$0x1ACF8] =	vst v63  }
0xef: {  	_ =	swait.ge [sflag:s11], $0x6400  }
.Ltmp1:
0xf0: {  	[sflag:s11] =	ssyncset.done $0x0;
	(pc) =	sbr.rel @p1 .LBB2_4-.Ltmp1, $4  }
0xf1: {  	s20 =	sadd.s32 $0x20, s20;
	s21 =	sadd.s32 s24, s13;
	[sflag:s11] =	ssyncadd.s32 $0xFFFF9C00  }
0xf2: {  	[spmem:s12] =	stream.indirect.scatter.add.f32 [tilespmem:s10], [sflag:$0x2], $0x1, s6, s7, $0xb8;
	[tilespmem:$0x1ACF8] =	vst v63  }
0xf3: {  	s22 =	sand.u32 $0xFFFFF00, s20;
	s21 =	sand.u32 $0x70, s21;
	_ =	swait.ge [sflag:s11], $0xC8  }
0xf4: {  	s21 =	sor.u32 s21, s22;
	s22 =	smov.u32 s25;
	[sflag:s11] =	ssyncset.done $0x0  }
0xf5: {  	s20 =	sadd.s32 s1, s21;
	[sflag:s11] =	ssyncadd.s32 $0xFFFFFF38  }
0xf6: {  	[tilespmem:s3], [sflag:$0x2] =	stream.strided.gather [hbm4b:s20+s4], $0x100, s5, s4, $0x38;
	[tilespmem:$0x1ACF8] =	vst v63  }
0xf7: {  	_ =	swait.ge [sflag:s11], $0x100  }
0xf8: {  	[sflag:s11] =	ssyncset.done $0x0  }
0xf9: {  	s22 =	sadd.s32 s15, s21;
	[sflag:s11] =	ssyncadd.s32 $0xFFFFFF00  }
0xfa: {  	[tilespmem:s6], [sflag:$0x2] =	stream.strided.gather [hbm4b:s22+s4], $0x100, s5, s4, $0x38;
	[tilespmem:$0x1ACF8] =	vst v63  }
0xfb: {  	_ =	swait.ge [sflag:s11], $0x100  }
0xfc: {  	[sflag:s11] =	ssyncset.done $0x0  }
0xfd: {  	[sflag:s11] =	ssyncadd.s32 $0xFFFFFF00  }
0xfe: {  	[tilespmem:s8], [sflag:$0x1] =	stream.indirect.gather [hbm4b:s16+s7], $0x80, s3, s7, $0xb8;
	[tilespmem:$0x1ACF8] =	vst v63  }
0xff: {  	_ =	swait.ge [sflag:s9], $0x6400  }
0x100: {  	[sflag:s9] =	ssyncset.done $0x0  }
0x101: {  	[sflag:s9] =	ssyncadd.s32 $0xFFFF9C00  }
0x102: {  	[spmem:s2] =	stream.indirect.scatter.add.f32 [tilespmem:s8], [sflag:$0x2], $0x80, s6, s7, $0xb8;
	[tilespmem:$0x1ACF8] =	vst v63  }
0x103: {  	_ =	swait.ge [sflag:s11], $0x6400  }
0x104: {  	[sflag:s11] =	ssyncset.done $0x0  }
0x105: {  	[sflag:s11] =	ssyncadd.s32 $0xFFFF9C00  }
0x106: {  	[spmem:s12] =	stream.indirect.scatter.add.f32 [tilespmem:s10], [sflag:$0x2], $0x1, s6, s7, $0xb8;
	[tilespmem:$0x1ACF8] =	vst v63  }
0x107: {  	_ =	swait.ge [sflag:s11], $0xC8  }
0x108: {  	[sflag:s11] =	ssyncset.done $0x0  }
0x109: {  	[sflag:s11] =	ssyncadd.s32 $0xFFFFFF38  }
0x10a: {  	[bflag:$0x0] =	sbarrier.arrive $0xFFFF  }
0x10b: {  	[tilespmem:s8], [sflag:$0x2] =	stream.linear.gather [spmem:s17], $0x3400, $0x38;
	[tilespmem:$0x1ACF8] =	vst v63  }
0x10c: {  	_ =	swait.ge [sflag:s11], $0x3400  }
0x10d: {  	[sflag:s11] =	ssyncset.done $0x0  }
0x10e: {  	s23 =	rddreg [dreg:$0x5];
	[sflag:s11] =	ssyncadd.s32 $0xFFFFCC00  }
0x10f: {  	[hbm4b:s23+s3] =	stream.linear.scatter [tilespmem:s8], [sflag:$0x2], $0x3400, $0x38;
	[tilespmem:$0x1ACF8] =	vst v63  }
0x110: {  	_ =	swait.ge [sflag:s11], $0x3400  }
0x111: {  	[sflag:s11] =	ssyncset.done $0x0  }
0x112: {  	s24 =	rddreg [dreg:$0xc];
	[sflag:s11] =	ssyncadd.s32 $0xFFFFCC00  }
0x113: {  	[tilespmem:s8], [sflag:$0x2] =	stream.linear.gather [spmem:s24], $0x3400, $0x38;
	[tilespmem:$0x1ACF8] =	vst v63  }
0x114: {  	_ =	swait.ge [sflag:s11], $0x3400  }
0x115: {  	[sflag:s11] =	ssyncset.done $0x0  }
0x116: {  	s25 =	rddreg [dreg:$0x6];
	[sflag:s11] =	ssyncadd.s32 $0xFFFFCC00  }
0x117: {  	[hbm4b:s25+s3] =	stream.linear.scatter [tilespmem:s8], [sflag:$0x2], $0x3400, $0x38;
	[tilespmem:$0x1ACF8] =	vst v63  }
0x118: {  	_ =	swait.ge [sflag:s11], $0x3400  }
0x119: {  	[sflag:s11] =	ssyncset.done $0x0  }
0x11a: {  	s21 =	rddreg [dreg:$0xd];
	[sflag:s11] =	ssyncadd.s32 $0xFFFFCC00  }
0x11b: {  	[tilespmem:s8], [sflag:$0x2] =	stream.linear.gather [spmem:s21], $0x3400, $0x38;
	[tilespmem:$0x1ACF8] =	vst v63  }
0x11c: {  	_ =	swait.ge [sflag:s11], $0x3400  }
0x11d: {  	[sflag:s11] =	ssyncset.done $0x0  }
0x11e: {  	s22 =	rddreg [dreg:$0x7];
	[sflag:s11] =	ssyncadd.s32 $0xFFFFCC00  }
0x11f: {  	[hbm4b:s22+s3] =	stream.linear.scatter [tilespmem:s8], [sflag:$0x2], $0x3400, $0x38;
	[tilespmem:$0x1ACF8] =	vst v63  }
0x120: {  	_ =	swait.ge [sflag:s11], $0x3400  }
0x121: {  	[sflag:s11] =	ssyncset.done $0x0  }
0x122: {  	s23 =	rddreg [dreg:$0xe];
	[sflag:s11] =	ssyncadd.s32 $0xFFFFCC00  }
0x123: {  	[tilespmem:s8], [sflag:$0x2] =	stream.linear.gather [spmem:s23], $0x3400, $0x38;
	[tilespmem:$0x1ACF8] =	vst v63  }
0x124: {  	_ =	swait.ge [sflag:s11], $0x3400  }
0x125: {  	[sflag:s11] =	ssyncset.done $0x0  }
0x126: {  	s24 =	rddreg [dreg:$0x8];
	[sflag:s11] =	ssyncadd.s32 $0xFFFFCC00  }
0x127: {  	[hbm4b:s24+s3] =	stream.linear.scatter [tilespmem:s8], [sflag:$0x2], $0x3400, $0x38;
	[tilespmem:$0x1ACF8] =	vst v63  }
0x128: {  	_ =	swait.ge [sflag:s11], $0x3400  }
0x129: {  	[sflag:s11] =	ssyncset.done $0x0  }
0x12a: {  	s25 =	rddreg [dreg:$0xf];
	[sflag:s11] =	ssyncadd.s32 $0xFFFFCC00  }
0x12b: {  	[tilespmem:s8], [sflag:$0x2] =	stream.linear.gather [spmem:s25], $0x3400, $0x38;
	[tilespmem:$0x1ACF8] =	vst v63  }
0x12c: {  	_ =	swait.ge [sflag:s11], $0x3400  }
0x12d: {  	[sflag:s11] =	ssyncset.done $0x0  }
0x12e: {  	s21 =	rddreg [dreg:$0x9];
	[sflag:s11] =	ssyncadd.s32 $0xFFFFCC00  }
0x12f: {  	[hbm4b:s21+s3] =	stream.linear.scatter [tilespmem:s8], [sflag:$0x2], $0x3400, $0x38;
	[tilespmem:$0x1ACF8] =	vst v63  }
0x130: {  	_ =	swait.ge [sflag:s11], $0x3400  }
0x131: {  	[sflag:s11] =	ssyncset.done $0x0  }
0x132: {  	s22 =	rddreg [dreg:$0x10];
	[sflag:s11] =	ssyncadd.s32 $0xFFFFCC00  }
0x133: {  	[tilespmem:s8], [sflag:$0x2] =	stream.linear.gather [spmem:s22], $0x3400, $0x38;
	[tilespmem:$0x1ACF8] =	vst v63  }
0x134: {  	_ =	swait.ge [sflag:s11], $0x3400  }
0x135: {  	[sflag:s11] =	ssyncset.done $0x0  }
0x136: {  	s23 =	rddreg [dreg:$0xa];
	[sflag:s11] =	ssyncadd.s32 $0xFFFFCC00  }
0x137: {  	[hbm4b:s23+s3] =	stream.linear.scatter [tilespmem:s8], [sflag:$0x2], $0x3400, $0x38;
	[tilespmem:$0x1ACF8] =	vst v63  }
0x138: {  	_ =	swait.ge [sflag:s11], $0x3400  }
0x139: {  	[sflag:s11] =	ssyncset.done $0x0  }
0x13a: {  	s24 =	rddreg [dreg:$0x11];
	[sflag:s11] =	ssyncadd.s32 $0xFFFFCC00  }
0x13b: {  	[tilespmem:s18], [sflag:$0x2] =	stream.linear.gather [spmem:s24], $0x270, $0x38;
	[tilespmem:$0x1ACF8] =	vst v63  }
0x13c: {  	_ =	swait.ge [sflag:s11], $0x270  }
0x13d: {  	[sflag:s11] =	ssyncset.done $0x0  }
0x13e: {  	s25 =	rddreg [dreg:$0xb];
	[sflag:s11] =	ssyncadd.s32 $0xFFFFFD90  }
0x13f: {  	[hbm4b:s25+s3] =	stream.linear.scatter [tilespmem:s18], [sflag:$0x2], $0x270, $0x38;
	[tilespmem:$0x1ACF8] =	vst v63  }
0x140: {  	_ =	swait.ge [sflag:s11], $0x270  }
0x141: {  	[sflag:s11] =	ssyncset.done $0x0  }
0x142: {  	s20 =	simm.s32 @!p0 $0x200;
	s21 =	simm.s32 @!p0 $0x2;
	[sflag:s11] =	ssyncadd.s32 $0xFFFFFD90  }
0x143: {  	[tilespmem:s20], [sflag:$0x2] =	stream.linear.gather @!p0 [spmem:s29], $0x800, $0x38;
	[tilespmem:$0x1ACF8] =	vst v63  }
0x144: {  	_ =	swait.ge @!p0 [sflag:s21], $0x800  }
0x145: {  	[sflag:s21] =	ssyncset.done @!p0 $0x0  }
0x146: {  	s22 =	simm.s32 @!p0 $0x0;
	s23 =	rddreg [dreg:$0x12];
	[sflag:s21] =	ssyncadd.s32 @!p0 $0xFFFFF800  }
0x147: {  	[hbm4b:s23+s22] =	stream.linear.scatter @!p0 [tilespmem:s20], [sflag:$0x2], $0x800, $0x38;
	[tilespmem:$0x1ACF8] =	vst v63  }
0x148: {  	_ =	swait.ge @!p0 [sflag:s21], $0x800  }
0x149: {  	[sflag:s21] =	ssyncset.done @!p0 $0x0  }
0x14a: {  	s20 =	simm.s32 @!p0 $0x6F80;
	[sflag:s21] =	ssyncadd.s32 @!p0 $0xFFFFF800  }
0x14b: {  	[tilespmem:s20], [sflag:$0x2] =	stream.linear.gather @!p0 [spmem:s30], $0x10, $0x38;
	[tilespmem:$0x1ACF8] =	vst v63  }
0x14c: {  	s19 =	sadd.s32 $0x1, s19;
	_ =	swait.ge @!p0 [sflag:s21], $0x10  }
0x14d: {  	p1 =	sne.s32 s19, s26;
	[sflag:s21] =	ssyncset.done @!p0 $0x0  }
.Ltmp2:
0x14e: {  	s23 =	rddreg [dreg:$0x13];
	[sflag:s21] =	ssyncadd.s32 @!p0 $0xFFFFFFF0;
	(pc) =	sbr.rel @p1 .LBB2_1-.Ltmp2, $4  }
0x14f: {  	[hbm4b:s23+s22] =	stream.linear.scatter @!p0 [tilespmem:s20], [sflag:$0x2], $0x10, $0x38;
	[tilespmem:$0x1ACF8] =	vst v63  }
0x150: {  	_ =	swait.ge @!p0 [sflag:s21], $0x10  }
0x151: {  	[sflag:s21] =	ssyncset.done @!p0 $0x0  }
0x152: {  	[sflag:s21] =	ssyncadd.s32 @!p0 $0xFFFFFFF0  }
0x153: {  	_ =	sfence.sel $0x180000  }
0x154: {  	[bflag:$0x0] =	sbarrier.arrive $0xFFFF  }
0x155: {  	_ =	strace $0x90000047  }
0x156: {  	s0 =	stileid.u32;
	[bflag:$0x2] =	sbarrier.arrive $0xFFFF  }
0x157: {  	p0 =	sne.s32 s0, $0x0;
	s0 =	rddreg [dreg:$0x4]  }
0x158: {  	s0 =	sadd.s32 @!p0 $0x100000, s0  }
0x159: {  	[sflag:s0] =	ssyncadd.tile.s32 @!p0 $0x1;
	_ =	shalt  }
.Lfunc_end2:
_tile_overlayer_lowered:
.L_overlay_start_2:
0x15a: {  	(tag) =	ssettag $0x2  }
0x15b: {  	s0 =	rddreg [dreg:$0x0];
	s2 =	stileid.u32  }
0x15c: {  	s1 =	rddreg [dreg:$0x1];
	p0 =	sne.s32 s2, $0x0  }
0x15d: {  	s3 =	rddreg [dreg:$0x2];
	[bflag:$0x3] =	sbarrier.arrive $0xFFFF;
	s2 =	simm.s32 @!p0 $0x1C02  }
0x15e: {  	[timem:s3], [sflag:s2] =	dma.local @!p0 [hbm:s0], s1  }
0x15f: {  	s0 =	simm.s32 @!p0 $0x2  }
0x160: {  	_ =	swait.ge @!p0 [sflag:s0], s1  }
0x161: {  	s1 =	ssub.s32 @!p0 $0x0, s1;
	[sflag:s0] =	ssyncset.done @!p0 $0x0  }
0x162: {  	[sflag:s0] =	ssyncadd.s32 @!p0 s1  }
0x163: {  	[bflag:$0x3] =	sbarrier.arrive $0xFFFF  }
0x164: {  	_ =	shalt  }

</sc_bundles>
